<compile_context>
chip_gen: v7x
topology: tpu7x:2x2x1
jax: 0.10.2.dev20260603
libtpu: 0.0.44.dev20260713+nightly
codegen_flags: <defaults>
</compile_context>

<pallas_src>
import functools

import jax
import jax.numpy as jnp
from jax import lax
from jax.experimental import pallas as pl
from jax.experimental.pallas import tpu as pltpu
from jax.experimental.pallas import tpu_sc as plsc

_B = 16384
_D = 64
_NW = 32
_BPW = _B // _NW
_CH = 128
_NCH = _BPW // _CH
_W = 8
_L = 16

_mesh = plsc.VectorSubcoreMesh(core_axis_name="c", subcore_axis_name="s")


@functools.partial(
    pl.kernel,
    mesh=_mesh,
    compiler_params=pltpu.CompilerParams(
        use_tc_tiling_on_sc=True, needs_layout_passes=False),
    out_type=jax.ShapeDtypeStruct((_B, _D), jnp.float32),
    scratch_types=[
        pltpu.VMEM((_BPW, _D), jnp.float32),
        pltpu.VMEM((_BPW,), jnp.int32),
        pltpu.SemaphoreType.DMA,
    ],
)
def _gather_z(idx_hbm, emb_hbm, z_out, out_v, idx_v, sem):
    wid = lax.axis_index("s") * 2 + lax.axis_index("c")
    pltpu.sync_copy(idx_hbm.at[pl.ds(wid * _BPW, _BPW)], idx_v)

    def body(g, carry):
        vec = idx_v[pl.ds(g * _L, _L)]
        for k in range(_L):
            pltpu.async_copy(
                emb_hbm.at[vec[k]], out_v.at[g * _L + k], sem)
        @pl.when(g >= 11)
        def _():
            pltpu.make_async_copy(
                emb_hbm.at[pl.ds(0, _L)], out_v.at[pl.ds(0, _L)], sem).wait()
        return carry

    lax.fori_loop(0, _BPW // _L, body, 0)
    for _ in range(11):
        pltpu.make_async_copy(
            emb_hbm.at[pl.ds(0, _L)], out_v.at[pl.ds(0, _L)], sem).wait()
    pltpu.sync_copy(out_v, z_out.at[pl.ds(wid * _BPW, _BPW)])


@functools.partial(
    pl.kernel,
    mesh=_mesh,
    compiler_params=pltpu.CompilerParams(
        use_tc_tiling_on_sc=False, needs_layout_passes=False),
    out_type=[
        jax.ShapeDtypeStruct((_NW * _NCH, _CH), jnp.float32),
        jax.ShapeDtypeStruct((_NW * _NCH, _CH), jnp.float32),
    ],
    scratch_types=[
        pltpu.VMEM((_NCH, _CH), jnp.int32),
        pltpu.VMEM((_NCH, _CH), jnp.int32),
        pltpu.VMEM((_NCH, _CH, _W), jnp.float32),
        pltpu.VMEM((_NCH, _CH, _W), jnp.float32),
        pltpu.VMEM((_NCH, _CH), jnp.float32),
        pltpu.VMEM((_NCH, _CH), jnp.float32),
        pltpu.SemaphoreType.DMA,
    ],
)
def _gather_small(idx_hbm, hi3_hbm, inh_hbm, det_hbm,
                  inh_out, det_out,
                  idx_v, hi3_v, inh_rows, det_rows,
                  inh_sel, det_sel, sem):
    wid = lax.axis_index("s") * 2 + lax.axis_index("c")
    base = wid * _NCH
    pltpu.sync_copy(idx_hbm.at[pl.ds(base, _NCH)], idx_v)
    pltpu.sync_copy(hi3_hbm.at[pl.ds(base, _NCH)], hi3_v)
    copies = []
    for j in range(_NCH):
        copies.append(pltpu.async_copy(inh_hbm.at[hi3_v.at[j]], inh_rows.at[j], sem))
        copies.append(pltpu.async_copy(det_hbm.at[hi3_v.at[j]], det_rows.at[j], sem))
    for c in copies:
        c.wait()
    iotas = [lax.iota(jnp.int32, _L) + (_L * t) for t in range(_CH // _L)]
    for j in range(_NCH):
        for t in range(_CH // _L):
            o = _L * t
            lo = lax.bitwise_and(idx_v[j, pl.ds(o, _L)], 7)
            row = iotas[t]
            inh_sel[j, pl.ds(o, _L)] = plsc.load_gather(
                inh_rows.at[j], [row, lo])
            det_sel[j, pl.ds(o, _L)] = plsc.load_gather(
                det_rows.at[j], [row, lo])
    pltpu.sync_copy(inh_sel, inh_out.at[pl.ds(base, _NCH)])
    pltpu.sync_copy(det_sel, det_out.at[pl.ds(base, _NCH)])


def kernel(piano_model, embedding, inharm_embedding, detune_embedding):
    idx = piano_model.astype(jnp.int32)
    idx2d = idx.reshape(_NW * _NCH, _CH)
    hi3_2d = (idx >> 3).reshape(_NW * _NCH, _CH)
    inh, det = _gather_small(
        idx2d, hi3_2d,
        inharm_embedding.reshape(-1, _W),
        detune_embedding.reshape(-1, _W))
    z2 = _gather_z(idx, embedding)
    return (z2.reshape(_B, 1, _D),
            inh.reshape(_B, 1, 1),
            det.reshape(_B, 1, 1))

# --- scband reference (transcript-rebuilt; emitter-appended) ---
"""Pipeline reference for scband-one-hot-zencoder-7395933684321 (READ-ONLY COPY).

The authoritative reference and input builder live on the scoring server;
editing this copy changes nothing except your own understanding.
"""

import jax, jax.numpy as jnp
import numpy as np

N_INSTRUMENTS = 100000
Z_DIM = 64
BATCH = 16384

def setup_inputs(seed: int = 0) -> dict:
    key = jax.random.key(seed)
    k1, k2, k3, k4 = jax.random.split(key, 4)
    piano_model = jax.random.randint(k1, (BATCH,), 0, N_INSTRUMENTS, dtype=jnp.int64 if jax.config.jax_enable_x64 else jnp.int32)
    embedding = jax.random.normal(k2, (N_INSTRUMENTS, Z_DIM), dtype=jnp.float32)
    inharm_embedding = jax.random.normal(k3, (N_INSTRUMENTS, 1), dtype=jnp.float32)
    detune_embedding = jax.random.normal(k4, (N_INSTRUMENTS, 1), dtype=jnp.float32)
    return {"piano_model": piano_model, "embedding": embedding, "inharm_embedding": inharm_embedding, "detune_embedding": detune_embedding}

def reference(piano_model, embedding, inharm_embedding, detune_embedding):
    # nn.Embedding lookup -> gather rows
    z = jnp.take(embedding, piano_model, axis=0)
    global_inharm = jnp.take(inharm_embedding, piano_model, axis=0)
    global_detuning = jnp.take(detune_embedding, piano_model, axis=0)
    # len(z.shape) == 2 -> unsqueeze(1)
    z = z[:, None, :]
    global_inharm = global_inharm[:, None, :]
    global_detuning = global_detuning[:, None, :]
    # n_frames is None -> no resample
    return (z, global_inharm, global_detuning)

if __name__ == "__main__":
    import jax
    _d = setup_inputs()
    print(jax.jit(kernel)(*tuple(_d.values())))

</pallas_src>

<mosaic_0001>
#map = affine_map<(d0, d1) -> (0)>
#map1 = affine_map<(d0, d1) -> (0, 0)>
module attributes {stable_mosaic.version = 14 : i64} {
  func.func @_gather_z(%arg0: i32, %arg1: i32, %arg2: memref<16384xi32, #tpu.memory_space<hbm>>, %arg3: memref<100000x64xf32, #tpu.memory_space<hbm>>, %arg4: memref<16384x64xf32, #tpu.memory_space<hbm>>, %arg5: memref<512x64xf32, #tpu.memory_space<vmem>>, %arg6: memref<512xi32, #tpu.memory_space<vmem>>, %arg7: memref<!tpu.dma_semaphore, #tpu.memory_space<semaphore_mem>>) attributes {dimension_semantics = [#tpu.dimension_semantics<core_parallel>, #tpu.dimension_semantics<subcore_parallel>], iteration_bounds = array<i64: 2, 16>, scalar_prefetch = 0 : i64, scratch_operands = 3 : i64, tpu.core_type = #tpu.core_type<sc_vector_subcore>, window_params = [{transform_indices = #map}, {transform_indices = #map1}, {transform_indices = #map1}]} {
    %mul3A = arith.constant 2 : i32
    %mul3A_0 = arith.muli %arg1, %mul3A : i32
    %add3A = arith.addi %mul3A_0, %arg0 : i32
    %mul3A_1 = arith.constant 512 : i32
    %mul3A_2 = arith.muli %add3A, %mul3A_1 : i32
    "tpu.region"() ({
      %run_scoped3A = tpu.sem_alloc : memref<!tpu.dma_semaphore, #tpu.memory_space<semaphore_mem>>
      %dma_start3A = tpu.memref_slice %arg2[%mul3A_2] : memref<16384xi32, #tpu.memory_space<hbm>> -> memref<512xi32, #tpu.memory_space<hbm>>
      %dma_start3A_141 = tpu.memref_slice %arg2[%mul3A_2] : memref<16384xi32, #tpu.memory_space<hbm>> -> memref<512xi32, #tpu.memory_space<hbm>>
      tpu.enqueue_dma source(%dma_start3A_141 : memref<512xi32, #tpu.memory_space<hbm>>) target(%arg6 : memref<512xi32, #tpu.memory_space<vmem>>) target_semaphore(%run_scoped3A : memref<!tpu.dma_semaphore, #tpu.memory_space<semaphore_mem>>)
      %dma_wait3A_142 = tpu.memref_slice %arg2[%mul3A_2] : memref<16384xi32, #tpu.memory_space<hbm>> -> memref<512xi32, #tpu.memory_space<hbm>>
      %dma_wait3A_143 = tpu.memref_slice %arg2[%mul3A_2] : memref<16384xi32, #tpu.memory_space<hbm>> -> memref<512xi32, #tpu.memory_space<hbm>>
      tpu.wait_dma2 semaphore(%run_scoped3A : memref<!tpu.dma_semaphore, #tpu.memory_space<semaphore_mem>>) src(%dma_wait3A_143 : memref<512xi32, #tpu.memory_space<hbm>>) dst(%arg6 : memref<512xi32, #tpu.memory_space<vmem>>)
      tpu.yield
    }) : () -> ()
    %scan3A = arith.constant 0 : i32
    %scan3A_3 = arith.constant 0 : i32
    %scan3A_4 = arith.constant 32 : i32
    %scan3A_5 = arith.addi %scan3A_3, %scan3A_4 : i32
    %scan3A_6 = arith.constant 1 : i32
    scf.for %scan3A_141 = %scan3A_3 to %scan3A_5 step %scan3A_6  : i32 {
      %mul3A_142 = arith.constant 16 : i32
      %mul3A_143 = arith.muli %scan3A_141, %mul3A_142 : i32
      %get3A = arith.index_cast %mul3A_143 : i32 to index
      %get3A_144 = tpu.vector_load %arg6[%get3A] {strides = array<i32>} : memref<512xi32, #tpu.memory_space<vmem>>, vector<16xi32>,
      %slice3A = vector.extract_strided_slice %get3A_144 {offsets = [0], sizes = [1], strides = [1]} : vector<16xi32> to vector<1xi32>
      %squeeze3A = vector.extract %slice3A[0] : i32 from vector<1xi32>
      %mul3A_145 = arith.constant 16 : i32
      %mul3A_146 = arith.muli %scan3A_141, %mul3A_145 : i32
      %add3A_147 = arith.constant 0 : i32
      %add3A_148 = arith.addi %mul3A_146, %add3A_147 : i32
      %dma_start3A = arith.constant 0 : i32
      %dma_start3A_149 = tpu.memref_slice %arg5[%add3A_148, %dma_start3A] : memref<512x64xf32, #tpu.memory_space<vmem>> -> memref<1x64xf32, #tpu.memory_space<vmem>>
      %dma_start3A_150 = tpu.memref_squeeze %dma_start3A_149 : memref<1x64xf32, #tpu.memory_space<vmem>> -> memref<64xf32, #tpu.memory_space<vmem>>
      %dma_start3A_151 = arith.constant 0 : i32
      %dma_start3A_152 = tpu.memref_slice %arg3[%squeeze3A, %dma_start3A_151] : memref<100000x64xf32, #tpu.memory_space<hbm>> -> memref<1x64xf32, #tpu.memory_space<hbm>>
      %dma_start3A_153 = tpu.memref_squeeze %dma_start3A_152 : memref<1x64xf32, #tpu.memory_space<hbm>> -> memref<64xf32, #tpu.memory_space<hbm>>
      %dma_start3A_154 = arith.constant 0 : i32
      %dma_start3A_155 = tpu.memref_slice %arg5[%add3A_148, %dma_start3A_154] : memref<512x64xf32, #tpu.memory_space<vmem>> -> memref<1x64xf32, #tpu.memory_space<vmem>>
      %dma_start3A_156 = tpu.memref_squeeze %dma_start3A_155 : memref<1x64xf32, #tpu.memory_space<vmem>> -> memref<64xf32, #tpu.memory_space<vmem>>
      %dma_start3A_157 = arith.constant 0 : i32
      %dma_start3A_158 = tpu.memref_slice %arg3[%squeeze3A, %dma_start3A_157] : memref<100000x64xf32, #tpu.memory_space<hbm>> -> memref<1x64xf32, #tpu.memory_space<hbm>>
      %dma_start3A_159 = tpu.memref_squeeze %dma_start3A_158 : memref<1x64xf32, #tpu.memory_space<hbm>> -> memref<64xf32, #tpu.memory_space<hbm>>
      tpu.enqueue_dma source(%dma_start3A_159 : memref<64xf32, #tpu.memory_space<hbm>>) target(%dma_start3A_156 : memref<64xf32, #tpu.memory_space<vmem>>) target_semaphore(%arg7 : memref<!tpu.dma_semaphore, #tpu.memory_space<semaphore_mem>>)
      %slice3A_160 = vector.extract_strided_slice %get3A_144 {offsets = [1], sizes = [1], strides = [1]} : vector<16xi32> to vector<1xi32>
      %squeeze3A_161 = vector.extract %slice3A_160[0] : i32 from vector<1xi32>
      %mul3A_162 = arith.constant 16 : i32
      %mul3A_163 = arith.muli %scan3A_141, %mul3A_162 : i32
      %add3A_164 = arith.constant 1 : i32
      %add3A_165 = arith.addi %mul3A_163, %add3A_164 : i32
      %dma_start3A_166 = arith.constant 0 : i32
      %dma_start3A_167 = tpu.memref_slice %arg5[%add3A_165, %dma_start3A_166] : memref<512x64xf32, #tpu.memory_space<vmem>> -> memref<1x64xf32, #tpu.memory_space<vmem>>
      %dma_start3A_168 = tpu.memref_squeeze %dma_start3A_167 : memref<1x64xf32, #tpu.memory_space<vmem>> -> memref<64xf32, #tpu.memory_space<vmem>>
      %dma_start3A_169 = arith.constant 0 : i32
      %dma_start3A_170 = tpu.memref_slice %arg3[%squeeze3A_161, %dma_start3A_169] : memref<100000x64xf32, #tpu.memory_space<hbm>> -> memref<1x64xf32, #tpu.memory_space<hbm>>
      %dma_start3A_171 = tpu.memref_squeeze %dma_start3A_170 : memref<1x64xf32, #tpu.memory_space<hbm>> -> memref<64xf32, #tpu.memory_space<hbm>>
      %dma_start3A_172 = arith.constant 0 : i32
      %dma_start3A_173 = tpu.memref_slice %arg5[%add3A_165, %dma_start3A_172] : memref<512x64xf32, #tpu.memory_space<vmem>> -> memref<1x64xf32, #tpu.memory_space<vmem>>
      %dma_start3A_174 = tpu.memref_squeeze %dma_start3A_173 : memref<1x64xf32, #tpu.memory_space<vmem>> -> memref<64xf32, #tpu.memory_space<vmem>>
      %dma_start3A_175 = arith.constant 0 : i32
      %dma_start3A_176 = tpu.memref_slice %arg3[%squeeze3A_161, %dma_start3A_175] : memref<100000x64xf32, #tpu.memory_space<hbm>> -> memref<1x64xf32, #tpu.memory_space<hbm>>
      %dma_start3A_177 = tpu.memref_squeeze %dma_start3A_176 : memref<1x64xf32, #tpu.memory_space<hbm>> -> memref<64xf32, #tpu.memory_space<hbm>>
      tpu.enqueue_dma source(%dma_start3A_177 : memref<64xf32, #tpu.memory_space<hbm>>) target(%dma_start3A_174 : memref<64xf32, #tpu.memory_space<vmem>>) target_semaphore(%arg7 : memref<!tpu.dma_semaphore, #tpu.memory_space<semaphore_mem>>)
      %slice3A_178 = vector.extract_strided_slice %get3A_144 {offsets = [2], sizes = [1], strides = [1]} : vector<16xi32> to vector<1xi32>
      %squeeze3A_179 = vector.extract %slice3A_178[0] : i32 from vector<1xi32>
      %mul3A_180 = arith.constant 16 : i32
      %mul3A_181 = arith.muli %scan3A_141, %mul3A_180 : i32
      %add3A_182 = arith.constant 2 : i32
      %add3A_183 = arith.addi %mul3A_181, %add3A_182 : i32
      %dma_start3A_184 = arith.constant 0 : i32
      %dma_start3A_185 = tpu.memref_slice %arg5[%add3A_183, %dma_start3A_184] : memref<512x64xf32, #tpu.memory_space<vmem>> -> memref<1x64xf32, #tpu.memory_space<vmem>>
      %dma_start3A_186 = tpu.memref_squeeze %dma_start3A_185 : memref<1x64xf32, #tpu.memory_space<vmem>> -> memref<64xf32, #tpu.memory_space<vmem>>
      %dma_start3A_187 = arith.constant 0 : i32
      %dma_start3A_188 = tpu.memref_slice %arg3[%squeeze3A_179, %dma_start3A_187] : memref<100000x64xf32, #tpu.memory_space<hbm>> -> memref<1x64xf32, #tpu.memory_space<hbm>>
      %dma_start3A_189 = tpu.memref_squeeze %dma_start3A_188 : memref<1x64xf32, #tpu.memory_space<hbm>> -> memref<64xf32, #tpu.memory_space<hbm>>
      %dma_start3A_190 = arith.constant 0 : i32
      %dma_start3A_191 = tpu.memref_slice %arg5[%add3A_183, %dma_start3A_190] : memref<512x64xf32, #tpu.memory_space<vmem>> -> memref<1x64xf32, #tpu.memory_space<vmem>>
      %dma_start3A_192 = tpu.memref_squeeze %dma_start3A_191 : memref<1x64xf32, #tpu.memory_space<vmem>> -> memref<64xf32, #tpu.memory_space<vmem>>
      %dma_start3A_193 = arith.constant 0 : i32
      %dma_start3A_194 = tpu.memref_slice %arg3[%squeeze3A_179, %dma_start3A_193] : memref<100000x64xf32, #tpu.memory_space<hbm>> -> memref<1x64xf32, #tpu.memory_space<hbm>>
      %dma_start3A_195 = tpu.memref_squeeze %dma_start3A_194 : memref<1x64xf32, #tpu.memory_space<hbm>> -> memref<64xf32, #tpu.memory_space<hbm>>
      tpu.enqueue_dma source(%dma_start3A_195 : memref<64xf32, #tpu.memory_space<hbm>>) target(%dma_start3A_192 : memref<64xf32, #tpu.memory_space<vmem>>) target_semaphore(%arg7 : memref<!tpu.dma_semaphore, #tpu.memory_space<semaphore_mem>>)
      %slice3A_196 = vector.extract_strided_slice %get3A_144 {offsets = [3], sizes = [1], strides = [1]} : vector<16xi32> to vector<1xi32>
      %squeeze3A_197 = vector.extract %slice3A_196[0] : i32 from vector<1xi32>
      %mul3A_198 = arith.constant 16 : i32
      %mul3A_199 = arith.muli %scan3A_141, %mul3A_198 : i32
      %add3A_200 = arith.constant 3 : i32
      %add3A_201 = arith.addi %mul3A_199, %add3A_200 : i32
      %dma_start3A_202 = arith.constant 0 : i32
      %dma_start3A_203 = tpu.memref_slice %arg5[%add3A_201, %dma_start3A_202] : memref<512x64xf32, #tpu.memory_space<vmem>> -> memref<1x64xf32, #tpu.memory_space<vmem>>
      %dma_start3A_204 = tpu.memref_squeeze %dma_start3A_203 : memref<1x64xf32, #tpu.memory_space<vmem>> -> memref<64xf32, #tpu.memory_space<vmem>>
      %dma_start3A_205 = arith.constant 0 : i32
      %dma_start3A_206 = tpu.memref_slice %arg3[%squeeze3A_197, %dma_start3A_205] : memref<100000x64xf32, #tpu.memory_space<hbm>> -> memref<1x64xf32, #tpu.memory_space<hbm>>
      %dma_start3A_207 = tpu.memref_squeeze %dma_start3A_206 : memref<1x64xf32, #tpu.memory_space<hbm>> -> memref<64xf32, #tpu.memory_space<hbm>>
      %dma_start3A_208 = arith.constant 0 : i32
      %dma_start3A_209 = tpu.memref_slice %arg5[%add3A_201, %dma_start3A_208] : memref<512x64xf32, #tpu.memory_space<vmem>> -> memref<1x64xf32, #tpu.memory_space<vmem>>
      %dma_start3A_210 = tpu.memref_squeeze %dma_start3A_209 : memref<1x64xf32, #tpu.memory_space<vmem>> -> memref<64xf32, #tpu.memory_space<vmem>>
      %dma_start3A_211 = arith.constant 0 : i32
      %dma_start3A_212 = tpu.memref_slice %arg3[%squeeze3A_197, %dma_start3A_211] : memref<100000x64xf32, #tpu.memory_space<hbm>> -> memref<1x64xf32, #tpu.memory_space<hbm>>
      %dma_start3A_213 = tpu.memref_squeeze %dma_start3A_212 : memref<1x64xf32, #tpu.memory_space<hbm>> -> memref<64xf32, #tpu.memory_space<hbm>>
      tpu.enqueue_dma source(%dma_start3A_213 : memref<64xf32, #tpu.memory_space<hbm>>) target(%dma_start3A_210 : memref<64xf32, #tpu.memory_space<vmem>>) target_semaphore(%arg7 : memref<!tpu.dma_semaphore, #tpu.memory_space<semaphore_mem>>)
      %slice3A_214 = vector.extract_strided_slice %get3A_144 {offsets = [4], sizes = [1], strides = [1]} : vector<16xi32> to vector<1xi32>
      %squeeze3A_215 = vector.extract %slice3A_214[0] : i32 from vector<1xi32>
      %mul3A_216 = arith.constant 16 : i32
      %mul3A_217 = arith.muli %scan3A_141, %mul3A_216 : i32
      %add3A_218 = arith.constant 4 : i32
      %add3A_219 = arith.addi %mul3A_217, %add3A_218 : i32
      %dma_start3A_220 = arith.constant 0 : i32
      %dma_start3A_221 = tpu.memref_slice %arg5[%add3A_219, %dma_start3A_220] : memref<512x64xf32, #tpu.memory_space<vmem>> -> memref<1x64xf32, #tpu.memory_space<vmem>>
      %dma_start3A_222 = tpu.memref_squeeze %dma_start3A_221 : memref<1x64xf32, #tpu.memory_space<vmem>> -> memref<64xf32, #tpu.memory_space<vmem>>
      %dma_start3A_223 = arith.constant 0 : i32
      %dma_start3A_224 = tpu.memref_slice %arg3[%squeeze3A_215, %dma_start3A_223] : memref<100000x64xf32, #tpu.memory_space<hbm>> -> memref<1x64xf32, #tpu.memory_space<hbm>>
      %dma_start3A_225 = tpu.memref_squeeze %dma_start3A_224 : memref<1x64xf32, #tpu.memory_space<hbm>> -> memref<64xf32, #tpu.memory_space<hbm>>
      %dma_start3A_226 = arith.constant 0 : i32
      %dma_start3A_227 = tpu.memref_slice %arg5[%add3A_219, %dma_start3A_226] : memref<512x64xf32, #tpu.memory_space<vmem>> -> memref<1x64xf32, #tpu.memory_space<vmem>>
      %dma_start3A_228 = tpu.memref_squeeze %dma_start3A_227 : memref<1x64xf32, #tpu.memory_space<vmem>> -> memref<64xf32, #tpu.memory_space<vmem>>
      %dma_start3A_229 = arith.constant 0 : i32
      %dma_start3A_230 = tpu.memref_slice %arg3[%squeeze3A_215, %dma_start3A_229] : memref<100000x64xf32, #tpu.memory_space<hbm>> -> memref<1x64xf32, #tpu.memory_space<hbm>>
      %dma_start3A_231 = tpu.memref_squeeze %dma_start3A_230 : memref<1x64xf32, #tpu.memory_space<hbm>> -> memref<64xf32, #tpu.memory_space<hbm>>
      tpu.enqueue_dma source(%dma_start3A_231 : memref<64xf32, #tpu.memory_space<hbm>>) target(%dma_start3A_228 : memref<64xf32, #tpu.memory_space<vmem>>) target_semaphore(%arg7 : memref<!tpu.dma_semaphore, #tpu.memory_space<semaphore_mem>>)
      %slice3A_232 = vector.extract_strided_slice %get3A_144 {offsets = [5], sizes = [1], strides = [1]} : vector<16xi32> to vector<1xi32>
      %squeeze3A_233 = vector.extract %slice3A_232[0] : i32 from vector<1xi32>
      %mul3A_234 = arith.constant 16 : i32
      %mul3A_235 = arith.muli %scan3A_141, %mul3A_234 : i32
      %add3A_236 = arith.constant 5 : i32
      %add3A_237 = arith.addi %mul3A_235, %add3A_236 : i32
      %dma_start3A_238 = arith.constant 0 : i32
      %dma_start3A_239 = tpu.memref_slice %arg5[%add3A_237, %dma_start3A_238] : memref<512x64xf32, #tpu.memory_space<vmem>> -> memref<1x64xf32, #tpu.memory_space<vmem>>
      %dma_start3A_240 = tpu.memref_squeeze %dma_start3A_239 : memref<1x64xf32, #tpu.memory_space<vmem>> -> memref<64xf32, #tpu.memory_space<vmem>>
      %dma_start3A_241 = arith.constant 0 : i32
      %dma_start3A_242 = tpu.memref_slice %arg3[%squeeze3A_233, %dma_start3A_241] : memref<100000x64xf32, #tpu.memory_space<hbm>> -> memref<1x64xf32, #tpu.memory_space<hbm>>
      %dma_start3A_243 = tpu.memref_squeeze %dma_start3A_242 : memref<1x64xf32, #tpu.memory_space<hbm>> -> memref<64xf32, #tpu.memory_space<hbm>>
      %dma_start3A_244 = arith.constant 0 : i32
      %dma_start3A_245 = tpu.memref_slice %arg5[%add3A_237, %dma_start3A_244] : memref<512x64xf32, #tpu.memory_space<vmem>> -> memref<1x64xf32, #tpu.memory_space<vmem>>
      %dma_start3A_246 = tpu.memref_squeeze %dma_start3A_245 : memref<1x64xf32, #tpu.memory_space<vmem>> -> memref<64xf32, #tpu.memory_space<vmem>>
      %dma_start3A_247 = arith.constant 0 : i32
      %dma_start3A_248 = tpu.memref_slice %arg3[%squeeze3A_233, %dma_start3A_247] : memref<100000x64xf32, #tpu.memory_space<hbm>> -> memref<1x64xf32, #tpu.memory_space<hbm>>
      %dma_start3A_249 = tpu.memref_squeeze %dma_start3A_248 : memref<1x64xf32, #tpu.memory_space<hbm>> -> memref<64xf32, #tpu.memory_space<hbm>>
      tpu.enqueue_dma source(%dma_start3A_249 : memref<64xf32, #tpu.memory_space<hbm>>) target(%dma_start3A_246 : memref<64xf32, #tpu.memory_space<vmem>>) target_semaphore(%arg7 : memref<!tpu.dma_semaphore, #tpu.memory_space<semaphore_mem>>)
      %slice3A_250 = vector.extract_strided_slice %get3A_144 {offsets = [6], sizes = [1], strides = [1]} : vector<16xi32> to vector<1xi32>
      %squeeze3A_251 = vector.extract %slice3A_250[0] : i32 from vector<1xi32>
      %mul3A_252 = arith.constant 16 : i32
      %mul3A_253 = arith.muli %scan3A_141, %mul3A_252 : i32
      %add3A_254 = arith.constant 6 : i32
      %add3A_255 = arith.addi %mul3A_253, %add3A_254 : i32
      %dma_start3A_256 = arith.constant 0 : i32
      %dma_start3A_257 = tpu.memref_slice %arg5[%add3A_255, %dma_start3A_256] : memref<512x64xf32, #tpu.memory_space<vmem>> -> memref<1x64xf32, #tpu.memory_space<vmem>>
      %dma_start3A_258 = tpu.memref_squeeze %dma_start3A_257 : memref<1x64xf32, #tpu.memory_space<vmem>> -> memref<64xf32, #tpu.memory_space<vmem>>
      %dma_start3A_259 = arith.constant 0 : i32
      %dma_start3A_260 = tpu.memref_slice %arg3[%squeeze3A_251, %dma_start3A_259] : memref<100000x64xf32, #tpu.memory_space<hbm>> -> memref<1x64xf32, #tpu.memory_space<hbm>>
      %dma_start3A_261 = tpu.memref_squeeze %dma_start3A_260 : memref<1x64xf32, #tpu.memory_space<hbm>> -> memref<64xf32, #tpu.memory_space<hbm>>
      %dma_start3A_262 = arith.constant 0 : i32
      %dma_start3A_263 = tpu.memref_slice %arg5[%add3A_255, %dma_start3A_262] : memref<512x64xf32, #tpu.memory_space<vmem>> -> memref<1x64xf32, #tpu.memory_space<vmem>>
      %dma_start3A_264 = tpu.memref_squeeze %dma_start3A_263 : memref<1x64xf32, #tpu.memory_space<vmem>> -> memref<64xf32, #tpu.memory_space<vmem>>
      %dma_start3A_265 = arith.constant 0 : i32
      %dma_start3A_266 = tpu.memref_slice %arg3[%squeeze3A_251, %dma_start3A_265] : memref<100000x64xf32, #tpu.memory_space<hbm>> -> memref<1x64xf32, #tpu.memory_space<hbm>>
      %dma_start3A_267 = tpu.memref_squeeze %dma_start3A_266 : memref<1x64xf32, #tpu.memory_space<hbm>> -> memref<64xf32, #tpu.memory_space<hbm>>
      tpu.enqueue_dma source(%dma_start3A_267 : memref<64xf32, #tpu.memory_space<hbm>>) target(%dma_start3A_264 : memref<64xf32, #tpu.memory_space<vmem>>) target_semaphore(%arg7 : memref<!tpu.dma_semaphore, #tpu.memory_space<semaphore_mem>>)
      %slice3A_268 = vector.extract_strided_slice %get3A_144 {offsets = [7], sizes = [1], strides = [1]} : vector<16xi32> to vector<1xi32>
      %squeeze3A_269 = vector.extract %slice3A_268[0] : i32 from vector<1xi32>
      %mul3A_270 = arith.constant 16 : i32
      %mul3A_271 = arith.muli %scan3A_141, %mul3A_270 : i32
      %add3A_272 = arith.constant 7 : i32
      %add3A_273 = arith.addi %mul3A_271, %add3A_272 : i32
      %dma_start3A_274 = arith.constant 0 : i32
      %dma_start3A_275 = tpu.memref_slice %arg5[%add3A_273, %dma_start3A_274] : memref<512x64xf32, #tpu.memory_space<vmem>> -> memref<1x64xf32, #tpu.memory_space<vmem>>
      %dma_start3A_276 = tpu.memref_squeeze %dma_start3A_275 : memref<1x64xf32, #tpu.memory_space<vmem>> -> memref<64xf32, #tpu.memory_space<vmem>>
      %dma_start3A_277 = arith.constant 0 : i32
      %dma_start3A_278 = tpu.memref_slice %arg3[%squeeze3A_269, %dma_start3A_277] : memref<100000x64xf32, #tpu.memory_space<hbm>> -> memref<1x64xf32, #tpu.memory_space<hbm>>
      %dma_start3A_279 = tpu.memref_squeeze %dma_start3A_278 : memref<1x64xf32, #tpu.memory_space<hbm>> -> memref<64xf32, #tpu.memory_space<hbm>>
      %dma_start3A_280 = arith.constant 0 : i32
      %dma_start3A_281 = tpu.memref_slice %arg5[%add3A_273, %dma_start3A_280] : memref<512x64xf32, #tpu.memory_space<vmem>> -> memref<1x64xf32, #tpu.memory_space<vmem>>
      %dma_start3A_282 = tpu.memref_squeeze %dma_start3A_281 : memref<1x64xf32, #tpu.memory_space<vmem>> -> memref<64xf32, #tpu.memory_space<vmem>>
      %dma_start3A_283 = arith.constant 0 : i32
      %dma_start3A_284 = tpu.memref_slice %arg3[%squeeze3A_269, %dma_start3A_283] : memref<100000x64xf32, #tpu.memory_space<hbm>> -> memref<1x64xf32, #tpu.memory_space<hbm>>
      %dma_start3A_285 = tpu.memref_squeeze %dma_start3A_284 : memref<1x64xf32, #tpu.memory_space<hbm>> -> memref<64xf32, #tpu.memory_space<hbm>>
      tpu.enqueue_dma source(%dma_start3A_285 : memref<64xf32, #tpu.memory_space<hbm>>) target(%dma_start3A_282 : memref<64xf32, #tpu.memory_space<vmem>>) target_semaphore(%arg7 : memref<!tpu.dma_semaphore, #tpu.memory_space<semaphore_mem>>)
      %slice3A_286 = vector.extract_strided_slice %get3A_144 {offsets = [8], sizes = [1], strides = [1]} : vector<16xi32> to vector<1xi32>
      %squeeze3A_287 = vector.extract %slice3A_286[0] : i32 from vector<1xi32>
      %mul3A_288 = arith.constant 16 : i32
      %mul3A_289 = arith.muli %scan3A_141, %mul3A_288 : i32
      %add3A_290 = arith.constant 8 : i32
      %add3A_291 = arith.addi %mul3A_289, %add3A_290 : i32
      %dma_start3A_292 = arith.constant 0 : i32
      %dma_start3A_293 = tpu.memref_slice %arg5[%add3A_291, %dma_start3A_292] : memref<512x64xf32, #tpu.memory_space<vmem>> -> memref<1x64xf32, #tpu.memory_space<vmem>>
      %dma_start3A_294 = tpu.memref_squeeze %dma_start3A_293 : memref<1x64xf32, #tpu.memory_space<vmem>> -> memref<64xf32, #tpu.memory_space<vmem>>
      %dma_start3A_295 = arith.constant 0 : i32
      %dma_start3A_296 = tpu.memref_slice %arg3[%squeeze3A_287, %dma_start3A_295] : memref<100000x64xf32, #tpu.memory_space<hbm>> -> memref<1x64xf32, #tpu.memory_space<hbm>>
      %dma_start3A_297 = tpu.memref_squeeze %dma_start3A_296 : memref<1x64xf32, #tpu.memory_space<hbm>> -> memref<64xf32, #tpu.memory_space<hbm>>
      %dma_start3A_298 = arith.constant 0 : i32
      %dma_start3A_299 = tpu.memref_slice %arg5[%add3A_291, %dma_start3A_298] : memref<512x64xf32, #tpu.memory_space<vmem>> -> memref<1x64xf32, #tpu.memory_space<vmem>>
      %dma_start3A_300 = tpu.memref_squeeze %dma_start3A_299 : memref<1x64xf32, #tpu.memory_space<vmem>> -> memref<64xf32, #tpu.memory_space<vmem>>
      %dma_start3A_301 = arith.constant 0 : i32
      %dma_start3A_302 = tpu.memref_slice %arg3[%squeeze3A_287, %dma_start3A_301] : memref<100000x64xf32, #tpu.memory_space<hbm>> -> memref<1x64xf32, #tpu.memory_space<hbm>>
      %dma_start3A_303 = tpu.memref_squeeze %dma_start3A_302 : memref<1x64xf32, #tpu.memory_space<hbm>> -> memref<64xf32, #tpu.memory_space<hbm>>
      tpu.enqueue_dma source(%dma_start3A_303 : memref<64xf32, #tpu.memory_space<hbm>>) target(%dma_start3A_300 : memref<64xf32, #tpu.memory_space<vmem>>) target_semaphore(%arg7 : memref<!tpu.dma_semaphore, #tpu.memory_space<semaphore_mem>>)
      %slice3A_304 = vector.extract_strided_slice %get3A_144 {offsets = [9], sizes = [1], strides = [1]} : vector<16xi32> to vector<1xi32>
      %squeeze3A_305 = vector.extract %slice3A_304[0] : i32 from vector<1xi32>
      %mul3A_306 = arith.constant 16 : i32
      %mul3A_307 = arith.muli %scan3A_141, %mul3A_306 : i32
      %add3A_308 = arith.constant 9 : i32
      %add3A_309 = arith.addi %mul3A_307, %add3A_308 : i32
      %dma_start3A_310 = arith.constant 0 : i32
      %dma_start3A_311 = tpu.memref_slice %arg5[%add3A_309, %dma_start3A_310] : memref<512x64xf32, #tpu.memory_space<vmem>> -> memref<1x64xf32, #tpu.memory_space<vmem>>
      %dma_start3A_312 = tpu.memref_squeeze %dma_start3A_311 : memref<1x64xf32, #tpu.memory_space<vmem>> -> memref<64xf32, #tpu.memory_space<vmem>>
      %dma_start3A_313 = arith.constant 0 : i32
      %dma_start3A_314 = tpu.memref_slice %arg3[%squeeze3A_305, %dma_start3A_313] : memref<100000x64xf32, #tpu.memory_space<hbm>> -> memref<1x64xf32, #tpu.memory_space<hbm>>
      %dma_start3A_315 = tpu.memref_squeeze %dma_start3A_314 : memref<1x64xf32, #tpu.memory_space<hbm>> -> memref<64xf32, #tpu.memory_space<hbm>>
      %dma_start3A_316 = arith.constant 0 : i32
      %dma_start3A_317 = tpu.memref_slice %arg5[%add3A_309, %dma_start3A_316] : memref<512x64xf32, #tpu.memory_space<vmem>> -> memref<1x64xf32, #tpu.memory_space<vmem>>
      %dma_start3A_318 = tpu.memref_squeeze %dma_start3A_317 : memref<1x64xf32, #tpu.memory_space<vmem>> -> memref<64xf32, #tpu.memory_space<vmem>>
      %dma_start3A_319 = arith.constant 0 : i32
      %dma_start3A_320 = tpu.memref_slice %arg3[%squeeze3A_305, %dma_start3A_319] : memref<100000x64xf32, #tpu.memory_space<hbm>> -> memref<1x64xf32, #tpu.memory_space<hbm>>
      %dma_start3A_321 = tpu.memref_squeeze %dma_start3A_320 : memref<1x64xf32, #tpu.memory_space<hbm>> -> memref<64xf32, #tpu.memory_space<hbm>>
      tpu.enqueue_dma source(%dma_start3A_321 : memref<64xf32, #tpu.memory_space<hbm>>) target(%dma_start3A_318 : memref<64xf32, #tpu.memory_space<vmem>>) target_semaphore(%arg7 : memref<!tpu.dma_semaphore, #tpu.memory_space<semaphore_mem>>)
      %slice3A_322 = vector.extract_strided_slice %get3A_144 {offsets = [10], sizes = [1], strides = [1]} : vector<16xi32> to vector<1xi32>
      %squeeze3A_323 = vector.extract %slice3A_322[0] : i32 from vector<1xi32>
      %mul3A_324 = arith.constant 16 : i32
      %mul3A_325 = arith.muli %scan3A_141, %mul3A_324 : i32
      %add3A_326 = arith.constant 10 : i32
      %add3A_327 = arith.addi %mul3A_325, %add3A_326 : i32
      %dma_start3A_328 = arith.constant 0 : i32
      %dma_start3A_329 = tpu.memref_slice %arg5[%add3A_327, %dma_start3A_328] : memref<512x64xf32, #tpu.memory_space<vmem>> -> memref<1x64xf32, #tpu.memory_space<vmem>>
      %dma_start3A_330 = tpu.memref_squeeze %dma_start3A_329 : memref<1x64xf32, #tpu.memory_space<vmem>> -> memref<64xf32, #tpu.memory_space<vmem>>
      %dma_start3A_331 = arith.constant 0 : i32
      %dma_start3A_332 = tpu.memref_slice %arg3[%squeeze3A_323, %dma_start3A_331] : memref<100000x64xf32, #tpu.memory_space<hbm>> -> memref<1x64xf32, #tpu.memory_space<hbm>>
      %dma_start3A_333 = tpu.memref_squeeze %dma_start3A_332 : memref<1x64xf32, #tpu.memory_space<hbm>> -> memref<64xf32, #tpu.memory_space<hbm>>
      %dma_start3A_334 = arith.constant 0 : i32
      %dma_start3A_335 = tpu.memref_slice %arg5[%add3A_327, %dma_start3A_334] : memref<512x64xf32, #tpu.memory_space<vmem>> -> memref<1x64xf32, #tpu.memory_space<vmem>>
      %dma_start3A_336 = tpu.memref_squeeze %dma_start3A_335 : memref<1x64xf32, #tpu.memory_space<vmem>> -> memref<64xf32, #tpu.memory_space<vmem>>
      %dma_start3A_337 = arith.constant 0 : i32
      %dma_start3A_338 = tpu.memref_slice %arg3[%squeeze3A_323, %dma_start3A_337] : memref<100000x64xf32, #tpu.memory_space<hbm>> -> memref<1x64xf32, #tpu.memory_space<hbm>>
      %dma_start3A_339 = tpu.memref_squeeze %dma_start3A_338 : memref<1x64xf32, #tpu.memory_space<hbm>> -> memref<64xf32, #tpu.memory_space<hbm>>
      tpu.enqueue_dma source(%dma_start3A_339 : memref<64xf32, #tpu.memory_space<hbm>>) target(%dma_start3A_336 : memref<64xf32, #tpu.memory_space<vmem>>) target_semaphore(%arg7 : memref<!tpu.dma_semaphore, #tpu.memory_space<semaphore_mem>>)
      %slice3A_340 = vector.extract_strided_slice %get3A_144 {offsets = [11], sizes = [1], strides = [1]} : vector<16xi32> to vector<1xi32>
      %squeeze3A_341 = vector.extract %slice3A_340[0] : i32 from vector<1xi32>
      %mul3A_342 = arith.constant 16 : i32
      %mul3A_343 = arith.muli %scan3A_141, %mul3A_342 : i32
      %add3A_344 = arith.constant 11 : i32
      %add3A_345 = arith.addi %mul3A_343, %add3A_344 : i32
      %dma_start3A_346 = arith.constant 0 : i32
      %dma_start3A_347 = tpu.memref_slice %arg5[%add3A_345, %dma_start3A_346] : memref<512x64xf32, #tpu.memory_space<vmem>> -> memref<1x64xf32, #tpu.memory_space<vmem>>
      %dma_start3A_348 = tpu.memref_squeeze %dma_start3A_347 : memref<1x64xf32, #tpu.memory_space<vmem>> -> memref<64xf32, #tpu.memory_space<vmem>>
      %dma_start3A_349 = arith.constant 0 : i32
      %dma_start3A_350 = tpu.memref_slice %arg3[%squeeze3A_341, %dma_start3A_349] : memref<100000x64xf32, #tpu.memory_space<hbm>> -> memref<1x64xf32, #tpu.memory_space<hbm>>
      %dma_start3A_351 = tpu.memref_squeeze %dma_start3A_350 : memref<1x64xf32, #tpu.memory_space<hbm>> -> memref<64xf32, #tpu.memory_space<hbm>>
      %dma_start3A_352 = arith.constant 0 : i32
      %dma_start3A_353 = tpu.memref_slice %arg5[%add3A_345, %dma_start3A_352] : memref<512x64xf32, #tpu.memory_space<vmem>> -> memref<1x64xf32, #tpu.memory_space<vmem>>
      %dma_start3A_354 = tpu.memref_squeeze %dma_start3A_353 : memref<1x64xf32, #tpu.memory_space<vmem>> -> memref<64xf32, #tpu.memory_space<vmem>>
      %dma_start3A_355 = arith.constant 0 : i32
      %dma_start3A_356 = tpu.memref_slice %arg3[%squeeze3A_341, %dma_start3A_355] : memref<100000x64xf32, #tpu.memory_space<hbm>> -> memref<1x64xf32, #tpu.memory_space<hbm>>
      %dma_start3A_357 = tpu.memref_squeeze %dma_start3A_356 : memref<1x64xf32, #tpu.memory_space<hbm>> -> memref<64xf32, #tpu.memory_space<hbm>>
      tpu.enqueue_dma source(%dma_start3A_357 : memref<64xf32, #tpu.memory_space<hbm>>) target(%dma_start3A_354 : memref<64xf32, #tpu.memory_space<vmem>>) target_semaphore(%arg7 : memref<!tpu.dma_semaphore, #tpu.memory_space<semaphore_mem>>)
      %slice3A_358 = vector.extract_strided_slice %get3A_144 {offsets = [12], sizes = [1], strides = [1]} : vector<16xi32> to vector<1xi32>
      %squeeze3A_359 = vector.extract %slice3A_358[0] : i32 from vector<1xi32>
      %mul3A_360 = arith.constant 16 : i32
      %mul3A_361 = arith.muli %scan3A_141, %mul3A_360 : i32
      %add3A_362 = arith.constant 12 : i32
      %add3A_363 = arith.addi %mul3A_361, %add3A_362 : i32
      %dma_start3A_364 = arith.constant 0 : i32
      %dma_start3A_365 = tpu.memref_slice %arg5[%add3A_363, %dma_start3A_364] : memref<512x64xf32, #tpu.memory_space<vmem>> -> memref<1x64xf32, #tpu.memory_space<vmem>>
      %dma_start3A_366 = tpu.memref_squeeze %dma_start3A_365 : memref<1x64xf32, #tpu.memory_space<vmem>> -> memref<64xf32, #tpu.memory_space<vmem>>
      %dma_start3A_367 = arith.constant 0 : i32
      %dma_start3A_368 = tpu.memref_slice %arg3[%squeeze3A_359, %dma_start3A_367] : memref<100000x64xf32, #tpu.memory_space<hbm>> -> memref<1x64xf32, #tpu.memory_space<hbm>>
      %dma_start3A_369 = tpu.memref_squeeze %dma_start3A_368 : memref<1x64xf32, #tpu.memory_space<hbm>> -> memref<64xf32, #tpu.memory_space<hbm>>
      %dma_start3A_370 = arith.constant 0 : i32
      %dma_start3A_371 = tpu.memref_slice %arg5[%add3A_363, %dma_start3A_370] : memref<512x64xf32, #tpu.memory_space<vmem>> -> memref<1x64xf32, #tpu.memory_space<vmem>>
      %dma_start3A_372 = tpu.memref_squeeze %dma_start3A_371 : memref<1x64xf32, #tpu.memory_space<vmem>> -> memref<64xf32, #tpu.memory_space<vmem>>
      %dma_start3A_373 = arith.constant 0 : i32
      %dma_start3A_374 = tpu.memref_slice %arg3[%squeeze3A_359, %dma_start3A_373] : memref<100000x64xf32, #tpu.memory_space<hbm>> -> memref<1x64xf32, #tpu.memory_space<hbm>>
      %dma_start3A_375 = tpu.memref_squeeze %dma_start3A_374 : memref<1x64xf32, #tpu.memory_space<hbm>> -> memref<64xf32, #tpu.memory_space<hbm>>
      tpu.enqueue_dma source(%dma_start3A_375 : memref<64xf32, #tpu.memory_space<hbm>>) target(%dma_start3A_372 : memref<64xf32, #tpu.memory_space<vmem>>) target_semaphore(%arg7 : memref<!tpu.dma_semaphore, #tpu.memory_space<semaphore_mem>>)
      %slice3A_376 = vector.extract_strided_slice %get3A_144 {offsets = [13], sizes = [1], strides = [1]} : vector<16xi32> to vector<1xi32>
      %squeeze3A_377 = vector.extract %slice3A_376[0] : i32 from vector<1xi32>
      %mul3A_378 = arith.constant 16 : i32
      %mul3A_379 = arith.muli %scan3A_141, %mul3A_378 : i32
      %add3A_380 = arith.constant 13 : i32
      %add3A_381 = arith.addi %mul3A_379, %add3A_380 : i32
      %dma_start3A_382 = arith.constant 0 : i32
      %dma_start3A_383 = tpu.memref_slice %arg5[%add3A_381, %dma_start3A_382] : memref<512x64xf32, #tpu.memory_space<vmem>> -> memref<1x64xf32, #tpu.memory_space<vmem>>
      %dma_start3A_384 = tpu.memref_squeeze %dma_start3A_383 : memref<1x64xf32, #tpu.memory_space<vmem>> -> memref<64xf32, #tpu.memory_space<vmem>>
      %dma_start3A_385 = arith.constant 0 : i32
      %dma_start3A_386 = tpu.memref_slice %arg3[%squeeze3A_377, %dma_start3A_385] : memref<100000x64xf32, #tpu.memory_space<hbm>> -> memref<1x64xf32, #tpu.memory_space<hbm>>
      %dma_start3A_387 = tpu.memref_squeeze %dma_start3A_386 : memref<1x64xf32, #tpu.memory_space<hbm>> -> memref<64xf32, #tpu.memory_space<hbm>>
      %dma_start3A_388 = arith.constant 0 : i32
      %dma_start3A_389 = tpu.memref_slice %arg5[%add3A_381, %dma_start3A_388] : memref<512x64xf32, #tpu.memory_space<vmem>> -> memref<1x64xf32, #tpu.memory_space<vmem>>
      %dma_start3A_390 = tpu.memref_squeeze %dma_start3A_389 : memref<1x64xf32, #tpu.memory_space<vmem>> -> memref<64xf32, #tpu.memory_space<vmem>>
      %dma_start3A_391 = arith.constant 0 : i32
      %dma_start3A_392 = tpu.memref_slice %arg3[%squeeze3A_377, %dma_start3A_391] : memref<100000x64xf32, #tpu.memory_space<hbm>> -> memref<1x64xf32, #tpu.memory_space<hbm>>
      %dma_start3A_393 = tpu.memref_squeeze %dma_start3A_392 : memref<1x64xf32, #tpu.memory_space<hbm>> -> memref<64xf32, #tpu.memory_space<hbm>>
      tpu.enqueue_dma source(%dma_start3A_393 : memref<64xf32, #tpu.memory_space<hbm>>) target(%dma_start3A_390 : memref<64xf32, #tpu.memory_space<vmem>>) target_semaphore(%arg7 : memref<!tpu.dma_semaphore, #tpu.memory_space<semaphore_mem>>)
      %slice3A_394 = vector.extract_strided_slice %get3A_144 {offsets = [14], sizes = [1], strides = [1]} : vector<16xi32> to vector<1xi32>
      %squeeze3A_395 = vector.extract %slice3A_394[0] : i32 from vector<1xi32>
      %mul3A_396 = arith.constant 16 : i32
      %mul3A_397 = arith.muli %scan3A_141, %mul3A_396 : i32
      %add3A_398 = arith.constant 14 : i32
      %add3A_399 = arith.addi %mul3A_397, %add3A_398 : i32
      %dma_start3A_400 = arith.constant 0 : i32
      %dma_start3A_401 = tpu.memref_slice %arg5[%add3A_399, %dma_start3A_400] : memref<512x64xf32, #tpu.memory_space<vmem>> -> memref<1x64xf32, #tpu.memory_space<vmem>>
      %dma_start3A_402 = tpu.memref_squeeze %dma_start3A_401 : memref<1x64xf32, #tpu.memory_space<vmem>> -> memref<64xf32, #tpu.memory_space<vmem>>
      %dma_start3A_403 = arith.constant 0 : i32
      %dma_start3A_404 = tpu.memref_slice %arg3[%squeeze3A_395, %dma_start3A_403] : memref<100000x64xf32, #tpu.memory_space<hbm>> -> memref<1x64xf32, #tpu.memory_space<hbm>>
      %dma_start3A_405 = tpu.memref_squeeze %dma_start3A_404 : memref<1x64xf32, #tpu.memory_space<hbm>> -> memref<64xf32, #tpu.memory_space<hbm>>
      %dma_start3A_406 = arith.constant 0 : i32
      %dma_start3A_407 = tpu.memref_slice %arg5[%add3A_399, %dma_start3A_406] : memref<512x64xf32, #tpu.memory_space<vmem>> -> memref<1x64xf32, #tpu.memory_space<vmem>>
      %dma_start3A_408 = tpu.memref_squeeze %dma_start3A_407 : memref<1x64xf32, #tpu.memory_space<vmem>> -> memref<64xf32, #tpu.memory_space<vmem>>
      %dma_start3A_409 = arith.constant 0 : i32
      %dma_start3A_410 = tpu.memref_slice %arg3[%squeeze3A_395, %dma_start3A_409] : memref<100000x64xf32, #tpu.memory_space<hbm>> -> memref<1x64xf32, #tpu.memory_space<hbm>>
      %dma_start3A_411 = tpu.memref_squeeze %dma_start3A_410 : memref<1x64xf32, #tpu.memory_space<hbm>> -> memref<64xf32, #tpu.memory_space<hbm>>
      tpu.enqueue_dma source(%dma_start3A_411 : memref<64xf32, #tpu.memory_space<hbm>>) target(%dma_start3A_408 : memref<64xf32, #tpu.memory_space<vmem>>) target_semaphore(%arg7 : memref<!tpu.dma_semaphore, #tpu.memory_space<semaphore_mem>>)
      %slice3A_412 = vector.extract_strided_slice %get3A_144 {offsets = [15], sizes = [1], strides = [1]} : vector<16xi32> to vector<1xi32>
      %squeeze3A_413 = vector.extract %slice3A_412[0] : i32 from vector<1xi32>
      %mul3A_414 = arith.constant 16 : i32
      %mul3A_415 = arith.muli %scan3A_141, %mul3A_414 : i32
      %add3A_416 = arith.constant 15 : i32
      %add3A_417 = arith.addi %mul3A_415, %add3A_416 : i32
      %dma_start3A_418 = arith.constant 0 : i32
      %dma_start3A_419 = tpu.memref_slice %arg5[%add3A_417, %dma_start3A_418] : memref<512x64xf32, #tpu.memory_space<vmem>> -> memref<1x64xf32, #tpu.memory_space<vmem>>
      %dma_start3A_420 = tpu.memref_squeeze %dma_start3A_419 : memref<1x64xf32, #tpu.memory_space<vmem>> -> memref<64xf32, #tpu.memory_space<vmem>>
      %dma_start3A_421 = arith.constant 0 : i32
      %dma_start3A_422 = tpu.memref_slice %arg3[%squeeze3A_413, %dma_start3A_421] : memref<100000x64xf32, #tpu.memory_space<hbm>> -> memref<1x64xf32, #tpu.memory_space<hbm>>
      %dma_start3A_423 = tpu.memref_squeeze %dma_start3A_422 : memref<1x64xf32, #tpu.memory_space<hbm>> -> memref<64xf32, #tpu.memory_space<hbm>>
      %dma_start3A_424 = arith.constant 0 : i32
      %dma_start3A_425 = tpu.memref_slice %arg5[%add3A_417, %dma_start3A_424] : memref<512x64xf32, #tpu.memory_space<vmem>> -> memref<1x64xf32, #tpu.memory_space<vmem>>
      %dma_start3A_426 = tpu.memref_squeeze %dma_start3A_425 : memref<1x64xf32, #tpu.memory_space<vmem>> -> memref<64xf32, #tpu.memory_space<vmem>>
      %dma_start3A_427 = arith.constant 0 : i32
      %dma_start3A_428 = tpu.memref_slice %arg3[%squeeze3A_413, %dma_start3A_427] : memref<100000x64xf32, #tpu.memory_space<hbm>> -> memref<1x64xf32, #tpu.memory_space<hbm>>
      %dma_start3A_429 = tpu.memref_squeeze %dma_start3A_428 : memref<1x64xf32, #tpu.memory_space<hbm>> -> memref<64xf32, #tpu.memory_space<hbm>>
      tpu.enqueue_dma source(%dma_start3A_429 : memref<64xf32, #tpu.memory_space<hbm>>) target(%dma_start3A_426 : memref<64xf32, #tpu.memory_space<vmem>>) target_semaphore(%arg7 : memref<!tpu.dma_semaphore, #tpu.memory_space<semaphore_mem>>)
      %ge3A = arith.constant 11 : i32
      %ge3A_430 = arith.cmpi sge, %scan3A_141, %ge3A : i32
      %convert_element_type3A = arith.extui %ge3A_430 : i1 to i32
      %cond3A = arith.constant 0 : i32
      %cond3A_431 = arith.cmpi ne, %convert_element_type3A, %cond3A : i32
      scf.if %cond3A_431 {
        %dma_wait3A_432 = arith.constant 0 : i32
        %dma_wait3A_433 = arith.constant 0 : i32
        %dma_wait3A_434 = tpu.memref_slice %arg5[%dma_wait3A_432, %dma_wait3A_433] : memref<512x64xf32, #tpu.memory_space<vmem>> -> memref<16x64xf32, #tpu.memory_space<vmem>>
        %dma_wait3A_435 = arith.constant 0 : i32
        %dma_wait3A_436 = arith.constant 0 : i32
        %dma_wait3A_437 = tpu.memref_slice %arg3[%dma_wait3A_435, %dma_wait3A_436] : memref<100000x64xf32, #tpu.memory_space<hbm>> -> memref<16x64xf32, #tpu.memory_space<hbm>>
        %dma_wait3A_438 = arith.constant 0 : i32
        %dma_wait3A_439 = arith.constant 0 : i32
        %dma_wait3A_440 = tpu.memref_slice %arg5[%dma_wait3A_438, %dma_wait3A_439] : memref<512x64xf32, #tpu.memory_space<vmem>> -> memref<16x64xf32, #tpu.memory_space<vmem>>
        %dma_wait3A_441 = arith.constant 0 : i32
        %dma_wait3A_442 = arith.constant 0 : i32
        %dma_wait3A_443 = tpu.memref_slice %arg3[%dma_wait3A_441, %dma_wait3A_442] : memref<100000x64xf32, #tpu.memory_space<hbm>> -> memref<16x64xf32, #tpu.memory_space<hbm>>
        tpu.wait_dma2 semaphore(%arg7 : memref<!tpu.dma_semaphore, #tpu.memory_space<semaphore_mem>>) src(%dma_wait3A_443 : memref<16x64xf32, #tpu.memory_space<hbm>>) dst(%dma_wait3A_440 : memref<16x64xf32, #tpu.memory_space<vmem>>)
      } else {
      }
    }
    %scan3A_7 = arith.constant 32 : i32
    %dma_wait3A = arith.constant 0 : i32
    %dma_wait3A_8 = arith.constant 0 : i32
    %dma_wait3A_9 = tpu.memref_slice %arg5[%dma_wait3A, %dma_wait3A_8] : memref<512x64xf32, #tpu.memory_space<vmem>> -> memref<16x64xf32, #tpu.memory_space<vmem>>
    %dma_wait3A_10 = arith.constant 0 : i32
    %dma_wait3A_11 = arith.constant 0 : i32
    %dma_wait3A_12 = tpu.memref_slice %arg3[%dma_wait3A_10, %dma_wait3A_11] : memref<100000x64xf32, #tpu.memory_space<hbm>> -> memref<16x64xf32, #tpu.memory_space<hbm>>
    %dma_wait3A_13 = arith.constant 0 : i32
    %dma_wait3A_14 = arith.constant 0 : i32
    %dma_wait3A_15 = tpu.memref_slice %arg5[%dma_wait3A_13, %dma_wait3A_14] : memref<512x64xf32, #tpu.memory_space<vmem>> -> memref<16x64xf32, #tpu.memory_space<vmem>>
    %dma_wait3A_16 = arith.constant 0 : i32
    %dma_wait3A_17 = arith.constant 0 : i32
    %dma_wait3A_18 = tpu.memref_slice %arg3[%dma_wait3A_16, %dma_wait3A_17] : memref<100000x64xf32, #tpu.memory_space<hbm>> -> memref<16x64xf32, #tpu.memory_space<hbm>>
    tpu.wait_dma2 semaphore(%arg7 : memref<!tpu.dma_semaphore, #tpu.memory_space<semaphore_mem>>) src(%dma_wait3A_18 : memref<16x64xf32, #tpu.memory_space<hbm>>) dst(%dma_wait3A_15 : memref<16x64xf32, #tpu.memory_space<vmem>>)
    %dma_wait3A_19 = arith.constant 0 : i32
    %dma_wait3A_20 = arith.constant 0 : i32
    %dma_wait3A_21 = tpu.memref_slice %arg5[%dma_wait3A_19, %dma_wait3A_20] : memref<512x64xf32, #tpu.memory_space<vmem>> -> memref<16x64xf32, #tpu.memory_space<vmem>>
    %dma_wait3A_22 = arith.constant 0 : i32
    %dma_wait3A_23 = arith.constant 0 : i32
    %dma_wait3A_24 = tpu.memref_slice %arg3[%dma_wait3A_22, %dma_wait3A_23] : memref<100000x64xf32, #tpu.memory_space<hbm>> -> memref<16x64xf32, #tpu.memory_space<hbm>>
    %dma_wait3A_25 = arith.constant 0 : i32
    %dma_wait3A_26 = arith.constant 0 : i32
    %dma_wait3A_27 = tpu.memref_slice %arg5[%dma_wait3A_25, %dma_wait3A_26] : memref<512x64xf32, #tpu.memory_space<vmem>> -> memref<16x64xf32, #tpu.memory_space<vmem>>
    %dma_wait3A_28 = arith.constant 0 : i32
    %dma_wait3A_29 = arith.constant 0 : i32
    %dma_wait3A_30 = tpu.memref_slice %arg3[%dma_wait3A_28, %dma_wait3A_29] : memref<100000x64xf32, #tpu.memory_space<hbm>> -> memref<16x64xf32, #tpu.memory_space<hbm>>
    tpu.wait_dma2 semaphore(%arg7 : memref<!tpu.dma_semaphore, #tpu.memory_space<semaphore_mem>>) src(%dma_wait3A_30 : memref<16x64xf32, #tpu.memory_space<hbm>>) dst(%dma_wait3A_27 : memref<16x64xf32, #tpu.memory_space<vmem>>)
    %dma_wait3A_31 = arith.constant 0 : i32
    %dma_wait3A_32 = arith.constant 0 : i32
    %dma_wait3A_33 = tpu.memref_slice %arg5[%dma_wait3A_31, %dma_wait3A_32] : memref<512x64xf32, #tpu.memory_space<vmem>> -> memref<16x64xf32, #tpu.memory_space<vmem>>
    %dma_wait3A_34 = arith.constant 0 : i32
    %dma_wait3A_35 = arith.constant 0 : i32
    %dma_wait3A_36 = tpu.memref_slice %arg3[%dma_wait3A_34, %dma_wait3A_35] : memref<100000x64xf32, #tpu.memory_space<hbm>> -> memref<16x64xf32, #tpu.memory_space<hbm>>
    %dma_wait3A_37 = arith.constant 0 : i32
    %dma_wait3A_38 = arith.constant 0 : i32
    %dma_wait3A_39 = tpu.memref_slice %arg5[%dma_wait3A_37, %dma_wait3A_38] : memref<512x64xf32, #tpu.memory_space<vmem>> -> memref<16x64xf32, #tpu.memory_space<vmem>>
    %dma_wait3A_40 = arith.constant 0 : i32
    %dma_wait3A_41 = arith.constant 0 : i32
    %dma_wait3A_42 = tpu.memref_slice %arg3[%dma_wait3A_40, %dma_wait3A_41] : memref<100000x64xf32, #tpu.memory_space<hbm>> -> memref<16x64xf32, #tpu.memory_space<hbm>>
    tpu.wait_dma2 semaphore(%arg7 : memref<!tpu.dma_semaphore, #tpu.memory_space<semaphore_mem>>) src(%dma_wait3A_42 : memref<16x64xf32, #tpu.memory_space<hbm>>) dst(%dma_wait3A_39 : memref<16x64xf32, #tpu.memory_space<vmem>>)
    %dma_wait3A_43 = arith.constant 0 : i32
    %dma_wait3A_44 = arith.constant 0 : i32
    %dma_wait3A_45 = tpu.memref_slice %arg5[%dma_wait3A_43, %dma_wait3A_44] : memref<512x64xf32, #tpu.memory_space<vmem>> -> memref<16x64xf32, #tpu.memory_space<vmem>>
    %dma_wait3A_46 = arith.constant 0 : i32
    %dma_wait3A_47 = arith.constant 0 : i32
    %dma_wait3A_48 = tpu.memref_slice %arg3[%dma_wait3A_46, %dma_wait3A_47] : memref<100000x64xf32, #tpu.memory_space<hbm>> -> memref<16x64xf32, #tpu.memory_space<hbm>>
    %dma_wait3A_49 = arith.constant 0 : i32
    %dma_wait3A_50 = arith.constant 0 : i32
    %dma_wait3A_51 = tpu.memref_slice %arg5[%dma_wait3A_49, %dma_wait3A_50] : memref<512x64xf32, #tpu.memory_space<vmem>> -> memref<16x64xf32, #tpu.memory_space<vmem>>
    %dma_wait3A_52 = arith.constant 0 : i32
    %dma_wait3A_53 = arith.constant 0 : i32
    %dma_wait3A_54 = tpu.memref_slice %arg3[%dma_wait3A_52, %dma_wait3A_53] : memref<100000x64xf32, #tpu.memory_space<hbm>> -> memref<16x64xf32, #tpu.memory_space<hbm>>
    tpu.wait_dma2 semaphore(%arg7 : memref<!tpu.dma_semaphore, #tpu.memory_space<semaphore_mem>>) src(%dma_wait3A_54 : memref<16x64xf32, #tpu.memory_space<hbm>>) dst(%dma_wait3A_51 : memref<16x64xf32, #tpu.memory_space<vmem>>)
    %dma_wait3A_55 = arith.constant 0 : i32
    %dma_wait3A_56 = arith.constant 0 : i32
    %dma_wait3A_57 = tpu.memref_slice %arg5[%dma_wait3A_55, %dma_wait3A_56] : memref<512x64xf32, #tpu.memory_space<vmem>> -> memref<16x64xf32, #tpu.memory_space<vmem>>
    %dma_wait3A_58 = arith.constant 0 : i32
    %dma_wait3A_59 = arith.constant 0 : i32
    %dma_wait3A_60 = tpu.memref_slice %arg3[%dma_wait3A_58, %dma_wait3A_59] : memref<100000x64xf32, #tpu.memory_space<hbm>> -> memref<16x64xf32, #tpu.memory_space<hbm>>
    %dma_wait3A_61 = arith.constant 0 : i32
    %dma_wait3A_62 = arith.constant 0 : i32
    %dma_wait3A_63 = tpu.memref_slice %arg5[%dma_wait3A_61, %dma_wait3A_62] : memref<512x64xf32, #tpu.memory_space<vmem>> -> memref<16x64xf32, #tpu.memory_space<vmem>>
    %dma_wait3A_64 = arith.constant 0 : i32
    %dma_wait3A_65 = arith.constant 0 : i32
    %dma_wait3A_66 = tpu.memref_slice %arg3[%dma_wait3A_64, %dma_wait3A_65] : memref<100000x64xf32, #tpu.memory_space<hbm>> -> memref<16x64xf32, #tpu.memory_space<hbm>>
    tpu.wait_dma2 semaphore(%arg7 : memref<!tpu.dma_semaphore, #tpu.memory_space<semaphore_mem>>) src(%dma_wait3A_66 : memref<16x64xf32, #tpu.memory_space<hbm>>) dst(%dma_wait3A_63 : memref<16x64xf32, #tpu.memory_space<vmem>>)
    %dma_wait3A_67 = arith.constant 0 : i32
    %dma_wait3A_68 = arith.constant 0 : i32
    %dma_wait3A_69 = tpu.memref_slice %arg5[%dma_wait3A_67, %dma_wait3A_68] : memref<512x64xf32, #tpu.memory_space<vmem>> -> memref<16x64xf32, #tpu.memory_space<vmem>>
    %dma_wait3A_70 = arith.constant 0 : i32
    %dma_wait3A_71 = arith.constant 0 : i32
    %dma_wait3A_72 = tpu.memref_slice %arg3[%dma_wait3A_70, %dma_wait3A_71] : memref<100000x64xf32, #tpu.memory_space<hbm>> -> memref<16x64xf32, #tpu.memory_space<hbm>>
    %dma_wait3A_73 = arith.constant 0 : i32
    %dma_wait3A_74 = arith.constant 0 : i32
    %dma_wait3A_75 = tpu.memref_slice %arg5[%dma_wait3A_73, %dma_wait3A_74] : memref<512x64xf32, #tpu.memory_space<vmem>> -> memref<16x64xf32, #tpu.memory_space<vmem>>
    %dma_wait3A_76 = arith.constant 0 : i32
    %dma_wait3A_77 = arith.constant 0 : i32
    %dma_wait3A_78 = tpu.memref_slice %arg3[%dma_wait3A_76, %dma_wait3A_77] : memref<100000x64xf32, #tpu.memory_space<hbm>> -> memref<16x64xf32, #tpu.memory_space<hbm>>
    tpu.wait_dma2 semaphore(%arg7 : memref<!tpu.dma_semaphore, #tpu.memory_space<semaphore_mem>>) src(%dma_wait3A_78 : memref<16x64xf32, #tpu.memory_space<hbm>>) dst(%dma_wait3A_75 : memref<16x64xf32, #tpu.memory_space<vmem>>)
    %dma_wait3A_79 = arith.constant 0 : i32
    %dma_wait3A_80 = arith.constant 0 : i32
    %dma_wait3A_81 = tpu.memref_slice %arg5[%dma_wait3A_79, %dma_wait3A_80] : memref<512x64xf32, #tpu.memory_space<vmem>> -> memref<16x64xf32, #tpu.memory_space<vmem>>
    %dma_wait3A_82 = arith.constant 0 : i32
    %dma_wait3A_83 = arith.constant 0 : i32
    %dma_wait3A_84 = tpu.memref_slice %arg3[%dma_wait3A_82, %dma_wait3A_83] : memref<100000x64xf32, #tpu.memory_space<hbm>> -> memref<16x64xf32, #tpu.memory_space<hbm>>
    %dma_wait3A_85 = arith.constant 0 : i32
    %dma_wait3A_86 = arith.constant 0 : i32
    %dma_wait3A_87 = tpu.memref_slice %arg5[%dma_wait3A_85, %dma_wait3A_86] : memref<512x64xf32, #tpu.memory_space<vmem>> -> memref<16x64xf32, #tpu.memory_space<vmem>>
    %dma_wait3A_88 = arith.constant 0 : i32
    %dma_wait3A_89 = arith.constant 0 : i32
    %dma_wait3A_90 = tpu.memref_slice %arg3[%dma_wait3A_88, %dma_wait3A_89] : memref<100000x64xf32, #tpu.memory_space<hbm>> -> memref<16x64xf32, #tpu.memory_space<hbm>>
    tpu.wait_dma2 semaphore(%arg7 : memref<!tpu.dma_semaphore, #tpu.memory_space<semaphore_mem>>) src(%dma_wait3A_90 : memref<16x64xf32, #tpu.memory_space<hbm>>) dst(%dma_wait3A_87 : memref<16x64xf32, #tpu.memory_space<vmem>>)
    %dma_wait3A_91 = arith.constant 0 : i32
    %dma_wait3A_92 = arith.constant 0 : i32
    %dma_wait3A_93 = tpu.memref_slice %arg5[%dma_wait3A_91, %dma_wait3A_92] : memref<512x64xf32, #tpu.memory_space<vmem>> -> memref<16x64xf32, #tpu.memory_space<vmem>>
    %dma_wait3A_94 = arith.constant 0 : i32
    %dma_wait3A_95 = arith.constant 0 : i32
    %dma_wait3A_96 = tpu.memref_slice %arg3[%dma_wait3A_94, %dma_wait3A_95] : memref<100000x64xf32, #tpu.memory_space<hbm>> -> memref<16x64xf32, #tpu.memory_space<hbm>>
    %dma_wait3A_97 = arith.constant 0 : i32
    %dma_wait3A_98 = arith.constant 0 : i32
    %dma_wait3A_99 = tpu.memref_slice %arg5[%dma_wait3A_97, %dma_wait3A_98] : memref<512x64xf32, #tpu.memory_space<vmem>> -> memref<16x64xf32, #tpu.memory_space<vmem>>
    %dma_wait3A_100 = arith.constant 0 : i32
    %dma_wait3A_101 = arith.constant 0 : i32
    %dma_wait3A_102 = tpu.memref_slice %arg3[%dma_wait3A_100, %dma_wait3A_101] : memref<100000x64xf32, #tpu.memory_space<hbm>> -> memref<16x64xf32, #tpu.memory_space<hbm>>
    tpu.wait_dma2 semaphore(%arg7 : memref<!tpu.dma_semaphore, #tpu.memory_space<semaphore_mem>>) src(%dma_wait3A_102 : memref<16x64xf32, #tpu.memory_space<hbm>>) dst(%dma_wait3A_99 : memref<16x64xf32, #tpu.memory_space<vmem>>)
    %dma_wait3A_103 = arith.constant 0 : i32
    %dma_wait3A_104 = arith.constant 0 : i32
    %dma_wait3A_105 = tpu.memref_slice %arg5[%dma_wait3A_103, %dma_wait3A_104] : memref<512x64xf32, #tpu.memory_space<vmem>> -> memref<16x64xf32, #tpu.memory_space<vmem>>
    %dma_wait3A_106 = arith.constant 0 : i32
    %dma_wait3A_107 = arith.constant 0 : i32
    %dma_wait3A_108 = tpu.memref_slice %arg3[%dma_wait3A_106, %dma_wait3A_107] : memref<100000x64xf32, #tpu.memory_space<hbm>> -> memref<16x64xf32, #tpu.memory_space<hbm>>
    %dma_wait3A_109 = arith.constant 0 : i32
    %dma_wait3A_110 = arith.constant 0 : i32
    %dma_wait3A_111 = tpu.memref_slice %arg5[%dma_wait3A_109, %dma_wait3A_110] : memref<512x64xf32, #tpu.memory_space<vmem>> -> memref<16x64xf32, #tpu.memory_space<vmem>>
    %dma_wait3A_112 = arith.constant 0 : i32
    %dma_wait3A_113 = arith.constant 0 : i32
    %dma_wait3A_114 = tpu.memref_slice %arg3[%dma_wait3A_112, %dma_wait3A_113] : memref<100000x64xf32, #tpu.memory_space<hbm>> -> memref<16x64xf32, #tpu.memory_space<hbm>>
    tpu.wait_dma2 semaphore(%arg7 : memref<!tpu.dma_semaphore, #tpu.memory_space<semaphore_mem>>) src(%dma_wait3A_114 : memref<16x64xf32, #tpu.memory_space<hbm>>) dst(%dma_wait3A_111 : memref<16x64xf32, #tpu.memory_space<vmem>>)
    %dma_wait3A_115 = arith.constant 0 : i32
    %dma_wait3A_116 = arith.constant 0 : i32
    %dma_wait3A_117 = tpu.memref_slice %arg5[%dma_wait3A_115, %dma_wait3A_116] : memref<512x64xf32, #tpu.memory_space<vmem>> -> memref<16x64xf32, #tpu.memory_space<vmem>>
    %dma_wait3A_118 = arith.constant 0 : i32
    %dma_wait3A_119 = arith.constant 0 : i32
    %dma_wait3A_120 = tpu.memref_slice %arg3[%dma_wait3A_118, %dma_wait3A_119] : memref<100000x64xf32, #tpu.memory_space<hbm>> -> memref<16x64xf32, #tpu.memory_space<hbm>>
    %dma_wait3A_121 = arith.constant 0 : i32
    %dma_wait3A_122 = arith.constant 0 : i32
    %dma_wait3A_123 = tpu.memref_slice %arg5[%dma_wait3A_121, %dma_wait3A_122] : memref<512x64xf32, #tpu.memory_space<vmem>> -> memref<16x64xf32, #tpu.memory_space<vmem>>
    %dma_wait3A_124 = arith.constant 0 : i32
    %dma_wait3A_125 = arith.constant 0 : i32
    %dma_wait3A_126 = tpu.memref_slice %arg3[%dma_wait3A_124, %dma_wait3A_125] : memref<100000x64xf32, #tpu.memory_space<hbm>> -> memref<16x64xf32, #tpu.memory_space<hbm>>
    tpu.wait_dma2 semaphore(%arg7 : memref<!tpu.dma_semaphore, #tpu.memory_space<semaphore_mem>>) src(%dma_wait3A_126 : memref<16x64xf32, #tpu.memory_space<hbm>>) dst(%dma_wait3A_123 : memref<16x64xf32, #tpu.memory_space<vmem>>)
    %dma_wait3A_127 = arith.constant 0 : i32
    %dma_wait3A_128 = arith.constant 0 : i32
    %dma_wait3A_129 = tpu.memref_slice %arg5[%dma_wait3A_127, %dma_wait3A_128] : memref<512x64xf32, #tpu.memory_space<vmem>> -> memref<16x64xf32, #tpu.memory_space<vmem>>
    %dma_wait3A_130 = arith.constant 0 : i32
    %dma_wait3A_131 = arith.constant 0 : i32
    %dma_wait3A_132 = tpu.memref_slice %arg3[%dma_wait3A_130, %dma_wait3A_131] : memref<100000x64xf32, #tpu.memory_space<hbm>> -> memref<16x64xf32, #tpu.memory_space<hbm>>
    %dma_wait3A_133 = arith.constant 0 : i32
    %dma_wait3A_134 = arith.constant 0 : i32
    %dma_wait3A_135 = tpu.memref_slice %arg5[%dma_wait3A_133, %dma_wait3A_134] : memref<512x64xf32, #tpu.memory_space<vmem>> -> memref<16x64xf32, #tpu.memory_space<vmem>>
    %dma_wait3A_136 = arith.constant 0 : i32
    %dma_wait3A_137 = arith.constant 0 : i32
    %dma_wait3A_138 = tpu.memref_slice %arg3[%dma_wait3A_136, %dma_wait3A_137] : memref<100000x64xf32, #tpu.memory_space<hbm>> -> memref<16x64xf32, #tpu.memory_space<hbm>>
    tpu.wait_dma2 semaphore(%arg7 : memref<!tpu.dma_semaphore, #tpu.memory_space<semaphore_mem>>) src(%dma_wait3A_138 : memref<16x64xf32, #tpu.memory_space<hbm>>) dst(%dma_wait3A_135 : memref<16x64xf32, #tpu.memory_space<vmem>>)
    %mul3A_139 = arith.constant 512 : i32
    %mul3A_140 = arith.muli %add3A, %mul3A_139 : i32
    "tpu.region"() ({
      %run_scoped3A = tpu.sem_alloc : memref<!tpu.dma_semaphore, #tpu.memory_space<semaphore_mem>>
      %dma_start3A = arith.constant 0 : i32
      %dma_start3A_141 = tpu.memref_slice %arg4[%mul3A_140, %dma_start3A] : memref<16384x64xf32, #tpu.memory_space<hbm>> -> memref<512x64xf32, #tpu.memory_space<hbm>>
      %dma_start3A_142 = arith.constant 0 : i32
      %dma_start3A_143 = tpu.memref_slice %arg4[%mul3A_140, %dma_start3A_142] : memref<16384x64xf32, #tpu.memory_space<hbm>> -> memref<512x64xf32, #tpu.memory_space<hbm>>
      tpu.enqueue_dma source(%arg5 : memref<512x64xf32, #tpu.memory_space<vmem>>) target(%dma_start3A_143 : memref<512x64xf32, #tpu.memory_space<hbm>>) target_semaphore(%run_scoped3A : memref<!tpu.dma_semaphore, #tpu.memory_space<semaphore_mem>>)
      %dma_wait3A_144 = arith.constant 0 : i32
      %dma_wait3A_145 = tpu.memref_slice %arg4[%mul3A_140, %dma_wait3A_144] : memref<16384x64xf32, #tpu.memory_space<hbm>> -> memref<512x64xf32, #tpu.memory_space<hbm>>
      %dma_wait3A_146 = arith.constant 0 : i32
      %dma_wait3A_147 = tpu.memref_slice %arg4[%mul3A_140, %dma_wait3A_146] : memref<16384x64xf32, #tpu.memory_space<hbm>> -> memref<512x64xf32, #tpu.memory_space<hbm>>
      tpu.wait_dma2 semaphore(%run_scoped3A : memref<!tpu.dma_semaphore, #tpu.memory_space<semaphore_mem>>) src(%arg5 : memref<512x64xf32, #tpu.memory_space<vmem>>) dst(%dma_wait3A_147 : memref<512x64xf32, #tpu.memory_space<hbm>>)
      tpu.yield
    }) : () -> ()
    return
  }
}

#map = affine_map<(d0, d1) -> (0, 0)>
module attributes {stable_mosaic.version = 14 : i64} {
  func.func @_gather_small(%arg0: i32, %arg1: i32, %arg2: memref<128x128xi32, #tpu.memory_space<hbm>>, %arg3: memref<128x128xi32, #tpu.memory_space<hbm>>, %arg4: memref<12500x8xf32, #tpu.memory_space<hbm>>, %arg5: memref<12500x8xf32, #tpu.memory_space<hbm>>, %arg6: memref<128x128xf32, #tpu.memory_space<hbm>>, %arg7: memref<128x128xf32, #tpu.memory_space<hbm>>, %arg8: memref<4x128xi32, #tpu.memory_space<vmem>>, %arg9: memref<4x128xi32, #tpu.memory_space<vmem>>, %arg10: memref<4x128x8xf32, #tpu.memory_space<vmem>>, %arg11: memref<4x128x8xf32, #tpu.memory_space<vmem>>, %arg12: memref<4x128xf32, #tpu.memory_space<vmem>>, %arg13: memref<4x128xf32, #tpu.memory_space<vmem>>, %arg14: memref<!tpu.dma_semaphore, #tpu.memory_space<semaphore_mem>>) attributes {dimension_semantics = [#tpu.dimension_semantics<core_parallel>, #tpu.dimension_semantics<subcore_parallel>], iteration_bounds = array<i64: 2, 16>, scalar_prefetch = 0 : i64, scratch_operands = 7 : i64, tpu.core_type = #tpu.core_type<sc_vector_subcore>, window_params = [{transform_indices = #map}, {transform_indices = #map}, {transform_indices = #map}, {transform_indices = #map}, {transform_indices = #map}, {transform_indices = #map}]} {
    %mul3A = arith.constant 2 : i32
    %mul3A_0 = arith.muli %arg1, %mul3A : i32
    %add3A = arith.addi %mul3A_0, %arg0 : i32
    %mul3A_1 = arith.constant 4 : i32
    %mul3A_2 = arith.muli %add3A, %mul3A_1 : i32
    "tpu.region"() ({
      %run_scoped3A = tpu.sem_alloc : memref<!tpu.dma_semaphore, #tpu.memory_space<semaphore_mem>>
      %dma_start3A_1084 = arith.constant 0 : i32
      %dma_start3A_1085 = tpu.memref_slice %arg2[%mul3A_2, %dma_start3A_1084] : memref<128x128xi32, #tpu.memory_space<hbm>> -> memref<4x128xi32, #tpu.memory_space<hbm>>
      %dma_start3A_1086 = arith.constant 0 : i32
      %dma_start3A_1087 = tpu.memref_slice %arg2[%mul3A_2, %dma_start3A_1086] : memref<128x128xi32, #tpu.memory_space<hbm>> -> memref<4x128xi32, #tpu.memory_space<hbm>>
      tpu.enqueue_dma source(%dma_start3A_1087 : memref<4x128xi32, #tpu.memory_space<hbm>>) target(%arg8 : memref<4x128xi32, #tpu.memory_space<vmem>>) target_semaphore(%run_scoped3A : memref<!tpu.dma_semaphore, #tpu.memory_space<semaphore_mem>>)
      %dma_wait3A_1088 = arith.constant 0 : i32
      %dma_wait3A_1089 = tpu.memref_slice %arg2[%mul3A_2, %dma_wait3A_1088] : memref<128x128xi32, #tpu.memory_space<hbm>> -> memref<4x128xi32, #tpu.memory_space<hbm>>
      %dma_wait3A_1090 = arith.constant 0 : i32
      %dma_wait3A_1091 = tpu.memref_slice %arg2[%mul3A_2, %dma_wait3A_1090] : memref<128x128xi32, #tpu.memory_space<hbm>> -> memref<4x128xi32, #tpu.memory_space<hbm>>
      tpu.wait_dma2 semaphore(%run_scoped3A : memref<!tpu.dma_semaphore, #tpu.memory_space<semaphore_mem>>) src(%dma_wait3A_1091 : memref<4x128xi32, #tpu.memory_space<hbm>>) dst(%arg8 : memref<4x128xi32, #tpu.memory_space<vmem>>)
      tpu.yield
    }) : () -> ()
    "tpu.region"() ({
      %run_scoped3A = tpu.sem_alloc : memref<!tpu.dma_semaphore, #tpu.memory_space<semaphore_mem>>
      %dma_start3A_1084 = arith.constant 0 : i32
      %dma_start3A_1085 = tpu.memref_slice %arg3[%mul3A_2, %dma_start3A_1084] : memref<128x128xi32, #tpu.memory_space<hbm>> -> memref<4x128xi32, #tpu.memory_space<hbm>>
      %dma_start3A_1086 = arith.constant 0 : i32
      %dma_start3A_1087 = tpu.memref_slice %arg3[%mul3A_2, %dma_start3A_1086] : memref<128x128xi32, #tpu.memory_space<hbm>> -> memref<4x128xi32, #tpu.memory_space<hbm>>
      tpu.enqueue_dma source(%dma_start3A_1087 : memref<4x128xi32, #tpu.memory_space<hbm>>) target(%arg9 : memref<4x128xi32, #tpu.memory_space<vmem>>) target_semaphore(%run_scoped3A : memref<!tpu.dma_semaphore, #tpu.memory_space<semaphore_mem>>)
      %dma_wait3A_1088 = arith.constant 0 : i32
      %dma_wait3A_1089 = tpu.memref_slice %arg3[%mul3A_2, %dma_wait3A_1088] : memref<128x128xi32, #tpu.memory_space<hbm>> -> memref<4x128xi32, #tpu.memory_space<hbm>>
      %dma_wait3A_1090 = arith.constant 0 : i32
      %dma_wait3A_1091 = tpu.memref_slice %arg3[%mul3A_2, %dma_wait3A_1090] : memref<128x128xi32, #tpu.memory_space<hbm>> -> memref<4x128xi32, #tpu.memory_space<hbm>>
      tpu.wait_dma2 semaphore(%run_scoped3A : memref<!tpu.dma_semaphore, #tpu.memory_space<semaphore_mem>>) src(%dma_wait3A_1091 : memref<4x128xi32, #tpu.memory_space<hbm>>) dst(%arg9 : memref<4x128xi32, #tpu.memory_space<vmem>>)
      tpu.yield
    }) : () -> ()
    %dma_start3A = arith.constant 0 : i32
    %dma_start3A_3 = arith.constant 0 : i32
    %dma_start3A_4 = arith.constant 0 : i32
    %dma_start3A_5 = arith.constant 0 : i32
    %dma_start3A_6 = tpu.memref_slice %arg10[%dma_start3A_3, %dma_start3A_4, %dma_start3A_5] : memref<4x128x8xf32, #tpu.memory_space<vmem>> -> memref<1x128x8xf32, #tpu.memory_space<vmem>>
    %dma_start3A_7 = tpu.memref_squeeze %dma_start3A_6 : memref<1x128x8xf32, #tpu.memory_space<vmem>> -> memref<128x8xf32, #tpu.memory_space<vmem>>
    %dma_start3A_8 = arith.constant 0 : i32
    %dma_start3A_9 = tpu.memref_slice %arg9[%dma_start3A, %dma_start3A_8] : memref<4x128xi32, #tpu.memory_space<vmem>> -> memref<1x128xi32, #tpu.memory_space<vmem>>
    %dma_start3A_10 = tpu.memref_squeeze %dma_start3A_9 : memref<1x128xi32, #tpu.memory_space<vmem>> -> memref<128xi32, #tpu.memory_space<vmem>>
    %dma_start3A_11 = arith.constant 0 : i32
    %dma_start3A_12 = arith.constant 0 : i32
    %dma_start3A_13 = tpu.memref_slice %arg4[%dma_start3A_11, %dma_start3A_12] : memref<12500x8xf32, #tpu.memory_space<hbm>> -> memref<12500x8xf32, #tpu.memory_space<hbm>>
    tpu.enqueue_indirect_dma source(%dma_start3A_13 : memref<12500x8xf32, #tpu.memory_space<hbm>>) target(%dma_start3A_7 : memref<128x8xf32, #tpu.memory_space<vmem>>) offsets(%dma_start3A_10 : memref<128xi32, #tpu.memory_space<vmem>>) semaphore(%arg14 : memref<!tpu.dma_semaphore, #tpu.memory_space<semaphore_mem>>)
    %dma_start3A_14 = arith.constant 0 : i32
    %dma_start3A_15 = arith.constant 0 : i32
    %dma_start3A_16 = arith.constant 0 : i32
    %dma_start3A_17 = arith.constant 0 : i32
    %dma_start3A_18 = tpu.memref_slice %arg11[%dma_start3A_15, %dma_start3A_16, %dma_start3A_17] : memref<4x128x8xf32, #tpu.memory_space<vmem>> -> memref<1x128x8xf32, #tpu.memory_space<vmem>>
    %dma_start3A_19 = tpu.memref_squeeze %dma_start3A_18 : memref<1x128x8xf32, #tpu.memory_space<vmem>> -> memref<128x8xf32, #tpu.memory_space<vmem>>
    %dma_start3A_20 = arith.constant 0 : i32
    %dma_start3A_21 = tpu.memref_slice %arg9[%dma_start3A_14, %dma_start3A_20] : memref<4x128xi32, #tpu.memory_space<vmem>> -> memref<1x128xi32, #tpu.memory_space<vmem>>
    %dma_start3A_22 = tpu.memref_squeeze %dma_start3A_21 : memref<1x128xi32, #tpu.memory_space<vmem>> -> memref<128xi32, #tpu.memory_space<vmem>>
    %dma_start3A_23 = arith.constant 0 : i32
    %dma_start3A_24 = arith.constant 0 : i32
    %dma_start3A_25 = tpu.memref_slice %arg5[%dma_start3A_23, %dma_start3A_24] : memref<12500x8xf32, #tpu.memory_space<hbm>> -> memref<12500x8xf32, #tpu.memory_space<hbm>>
    tpu.enqueue_indirect_dma source(%dma_start3A_25 : memref<12500x8xf32, #tpu.memory_space<hbm>>) target(%dma_start3A_19 : memref<128x8xf32, #tpu.memory_space<vmem>>) offsets(%dma_start3A_22 : memref<128xi32, #tpu.memory_space<vmem>>) semaphore(%arg14 : memref<!tpu.dma_semaphore, #tpu.memory_space<semaphore_mem>>)
    %dma_start3A_26 = arith.constant 1 : i32
    %dma_start3A_27 = arith.constant 1 : i32
    %dma_start3A_28 = arith.constant 0 : i32
    %dma_start3A_29 = arith.constant 0 : i32
    %dma_start3A_30 = tpu.memref_slice %arg10[%dma_start3A_27, %dma_start3A_28, %dma_start3A_29] : memref<4x128x8xf32, #tpu.memory_space<vmem>> -> memref<1x128x8xf32, #tpu.memory_space<vmem>>
    %dma_start3A_31 = tpu.memref_squeeze %dma_start3A_30 : memref<1x128x8xf32, #tpu.memory_space<vmem>> -> memref<128x8xf32, #tpu.memory_space<vmem>>
    %dma_start3A_32 = arith.constant 0 : i32
    %dma_start3A_33 = tpu.memref_slice %arg9[%dma_start3A_26, %dma_start3A_32] : memref<4x128xi32, #tpu.memory_space<vmem>> -> memref<1x128xi32, #tpu.memory_space<vmem>>
    %dma_start3A_34 = tpu.memref_squeeze %dma_start3A_33 : memref<1x128xi32, #tpu.memory_space<vmem>> -> memref<128xi32, #tpu.memory_space<vmem>>
    %dma_start3A_35 = arith.constant 0 : i32
    %dma_start3A_36 = arith.constant 0 : i32
    %dma_start3A_37 = tpu.memref_slice %arg4[%dma_start3A_35, %dma_start3A_36] : memref<12500x8xf32, #tpu.memory_space<hbm>> -> memref<12500x8xf32, #tpu.memory_space<hbm>>
    tpu.enqueue_indirect_dma source(%dma_start3A_37 : memref<12500x8xf32, #tpu.memory_space<hbm>>) target(%dma_start3A_31 : memref<128x8xf32, #tpu.memory_space<vmem>>) offsets(%dma_start3A_34 : memref<128xi32, #tpu.memory_space<vmem>>) semaphore(%arg14 : memref<!tpu.dma_semaphore, #tpu.memory_space<semaphore_mem>>)
    %dma_start3A_38 = arith.constant 1 : i32
    %dma_start3A_39 = arith.constant 1 : i32
    %dma_start3A_40 = arith.constant 0 : i32
    %dma_start3A_41 = arith.constant 0 : i32
    %dma_start3A_42 = tpu.memref_slice %arg11[%dma_start3A_39, %dma_start3A_40, %dma_start3A_41] : memref<4x128x8xf32, #tpu.memory_space<vmem>> -> memref<1x128x8xf32, #tpu.memory_space<vmem>>
    %dma_start3A_43 = tpu.memref_squeeze %dma_start3A_42 : memref<1x128x8xf32, #tpu.memory_space<vmem>> -> memref<128x8xf32, #tpu.memory_space<vmem>>
    %dma_start3A_44 = arith.constant 0 : i32
    %dma_start3A_45 = tpu.memref_slice %arg9[%dma_start3A_38, %dma_start3A_44] : memref<4x128xi32, #tpu.memory_space<vmem>> -> memref<1x128xi32, #tpu.memory_space<vmem>>
    %dma_start3A_46 = tpu.memref_squeeze %dma_start3A_45 : memref<1x128xi32, #tpu.memory_space<vmem>> -> memref<128xi32, #tpu.memory_space<vmem>>
    %dma_start3A_47 = arith.constant 0 : i32
    %dma_start3A_48 = arith.constant 0 : i32
    %dma_start3A_49 = tpu.memref_slice %arg5[%dma_start3A_47, %dma_start3A_48] : memref<12500x8xf32, #tpu.memory_space<hbm>> -> memref<12500x8xf32, #tpu.memory_space<hbm>>
    tpu.enqueue_indirect_dma source(%dma_start3A_49 : memref<12500x8xf32, #tpu.memory_space<hbm>>) target(%dma_start3A_43 : memref<128x8xf32, #tpu.memory_space<vmem>>) offsets(%dma_start3A_46 : memref<128xi32, #tpu.memory_space<vmem>>) semaphore(%arg14 : memref<!tpu.dma_semaphore, #tpu.memory_space<semaphore_mem>>)
    %dma_start3A_50 = arith.constant 2 : i32
    %dma_start3A_51 = arith.constant 2 : i32
    %dma_start3A_52 = arith.constant 0 : i32
    %dma_start3A_53 = arith.constant 0 : i32
    %dma_start3A_54 = tpu.memref_slice %arg10[%dma_start3A_51, %dma_start3A_52, %dma_start3A_53] : memref<4x128x8xf32, #tpu.memory_space<vmem>> -> memref<1x128x8xf32, #tpu.memory_space<vmem>>
    %dma_start3A_55 = tpu.memref_squeeze %dma_start3A_54 : memref<1x128x8xf32, #tpu.memory_space<vmem>> -> memref<128x8xf32, #tpu.memory_space<vmem>>
    %dma_start3A_56 = arith.constant 0 : i32
    %dma_start3A_57 = tpu.memref_slice %arg9[%dma_start3A_50, %dma_start3A_56] : memref<4x128xi32, #tpu.memory_space<vmem>> -> memref<1x128xi32, #tpu.memory_space<vmem>>
    %dma_start3A_58 = tpu.memref_squeeze %dma_start3A_57 : memref<1x128xi32, #tpu.memory_space<vmem>> -> memref<128xi32, #tpu.memory_space<vmem>>
    %dma_start3A_59 = arith.constant 0 : i32
    %dma_start3A_60 = arith.constant 0 : i32
    %dma_start3A_61 = tpu.memref_slice %arg4[%dma_start3A_59, %dma_start3A_60] : memref<12500x8xf32, #tpu.memory_space<hbm>> -> memref<12500x8xf32, #tpu.memory_space<hbm>>
    tpu.enqueue_indirect_dma source(%dma_start3A_61 : memref<12500x8xf32, #tpu.memory_space<hbm>>) target(%dma_start3A_55 : memref<128x8xf32, #tpu.memory_space<vmem>>) offsets(%dma_start3A_58 : memref<128xi32, #tpu.memory_space<vmem>>) semaphore(%arg14 : memref<!tpu.dma_semaphore, #tpu.memory_space<semaphore_mem>>)
    %dma_start3A_62 = arith.constant 2 : i32
    %dma_start3A_63 = arith.constant 2 : i32
    %dma_start3A_64 = arith.constant 0 : i32
    %dma_start3A_65 = arith.constant 0 : i32
    %dma_start3A_66 = tpu.memref_slice %arg11[%dma_start3A_63, %dma_start3A_64, %dma_start3A_65] : memref<4x128x8xf32, #tpu.memory_space<vmem>> -> memref<1x128x8xf32, #tpu.memory_space<vmem>>
    %dma_start3A_67 = tpu.memref_squeeze %dma_start3A_66 : memref<1x128x8xf32, #tpu.memory_space<vmem>> -> memref<128x8xf32, #tpu.memory_space<vmem>>
    %dma_start3A_68 = arith.constant 0 : i32
    %dma_start3A_69 = tpu.memref_slice %arg9[%dma_start3A_62, %dma_start3A_68] : memref<4x128xi32, #tpu.memory_space<vmem>> -> memref<1x128xi32, #tpu.memory_space<vmem>>
    %dma_start3A_70 = tpu.memref_squeeze %dma_start3A_69 : memref<1x128xi32, #tpu.memory_space<vmem>> -> memref<128xi32, #tpu.memory_space<vmem>>
    %dma_start3A_71 = arith.constant 0 : i32
    %dma_start3A_72 = arith.constant 0 : i32
    %dma_start3A_73 = tpu.memref_slice %arg5[%dma_start3A_71, %dma_start3A_72] : memref<12500x8xf32, #tpu.memory_space<hbm>> -> memref<12500x8xf32, #tpu.memory_space<hbm>>
    tpu.enqueue_indirect_dma source(%dma_start3A_73 : memref<12500x8xf32, #tpu.memory_space<hbm>>) target(%dma_start3A_67 : memref<128x8xf32, #tpu.memory_space<vmem>>) offsets(%dma_start3A_70 : memref<128xi32, #tpu.memory_space<vmem>>) semaphore(%arg14 : memref<!tpu.dma_semaphore, #tpu.memory_space<semaphore_mem>>)
    %dma_start3A_74 = arith.constant 3 : i32
    %dma_start3A_75 = arith.constant 3 : i32
    %dma_start3A_76 = arith.constant 0 : i32
    %dma_start3A_77 = arith.constant 0 : i32
    %dma_start3A_78 = tpu.memref_slice %arg10[%dma_start3A_75, %dma_start3A_76, %dma_start3A_77] : memref<4x128x8xf32, #tpu.memory_space<vmem>> -> memref<1x128x8xf32, #tpu.memory_space<vmem>>
    %dma_start3A_79 = tpu.memref_squeeze %dma_start3A_78 : memref<1x128x8xf32, #tpu.memory_space<vmem>> -> memref<128x8xf32, #tpu.memory_space<vmem>>
    %dma_start3A_80 = arith.constant 0 : i32
    %dma_start3A_81 = tpu.memref_slice %arg9[%dma_start3A_74, %dma_start3A_80] : memref<4x128xi32, #tpu.memory_space<vmem>> -> memref<1x128xi32, #tpu.memory_space<vmem>>
    %dma_start3A_82 = tpu.memref_squeeze %dma_start3A_81 : memref<1x128xi32, #tpu.memory_space<vmem>> -> memref<128xi32, #tpu.memory_space<vmem>>
    %dma_start3A_83 = arith.constant 0 : i32
    %dma_start3A_84 = arith.constant 0 : i32
    %dma_start3A_85 = tpu.memref_slice %arg4[%dma_start3A_83, %dma_start3A_84] : memref<12500x8xf32, #tpu.memory_space<hbm>> -> memref<12500x8xf32, #tpu.memory_space<hbm>>
    tpu.enqueue_indirect_dma source(%dma_start3A_85 : memref<12500x8xf32, #tpu.memory_space<hbm>>) target(%dma_start3A_79 : memref<128x8xf32, #tpu.memory_space<vmem>>) offsets(%dma_start3A_82 : memref<128xi32, #tpu.memory_space<vmem>>) semaphore(%arg14 : memref<!tpu.dma_semaphore, #tpu.memory_space<semaphore_mem>>)
    %dma_start3A_86 = arith.constant 3 : i32
    %dma_start3A_87 = arith.constant 3 : i32
    %dma_start3A_88 = arith.constant 0 : i32
    %dma_start3A_89 = arith.constant 0 : i32
    %dma_start3A_90 = tpu.memref_slice %arg11[%dma_start3A_87, %dma_start3A_88, %dma_start3A_89] : memref<4x128x8xf32, #tpu.memory_space<vmem>> -> memref<1x128x8xf32, #tpu.memory_space<vmem>>
    %dma_start3A_91 = tpu.memref_squeeze %dma_start3A_90 : memref<1x128x8xf32, #tpu.memory_space<vmem>> -> memref<128x8xf32, #tpu.memory_space<vmem>>
    %dma_start3A_92 = arith.constant 0 : i32
    %dma_start3A_93 = tpu.memref_slice %arg9[%dma_start3A_86, %dma_start3A_92] : memref<4x128xi32, #tpu.memory_space<vmem>> -> memref<1x128xi32, #tpu.memory_space<vmem>>
    %dma_start3A_94 = tpu.memref_squeeze %dma_start3A_93 : memref<1x128xi32, #tpu.memory_space<vmem>> -> memref<128xi32, #tpu.memory_space<vmem>>
    %dma_start3A_95 = arith.constant 0 : i32
    %dma_start3A_96 = arith.constant 0 : i32
    %dma_start3A_97 = tpu.memref_slice %arg5[%dma_start3A_95, %dma_start3A_96] : memref<12500x8xf32, #tpu.memory_space<hbm>> -> memref<12500x8xf32, #tpu.memory_space<hbm>>
    tpu.enqueue_indirect_dma source(%dma_start3A_97 : memref<12500x8xf32, #tpu.memory_space<hbm>>) target(%dma_start3A_91 : memref<128x8xf32, #tpu.memory_space<vmem>>) offsets(%dma_start3A_94 : memref<128xi32, #tpu.memory_space<vmem>>) semaphore(%arg14 : memref<!tpu.dma_semaphore, #tpu.memory_space<semaphore_mem>>)
    %dma_wait3A = arith.constant 0 : i32
    %dma_wait3A_98 = arith.constant 0 : i32
    %dma_wait3A_99 = arith.constant 0 : i32
    %dma_wait3A_100 = arith.constant 0 : i32
    %dma_wait3A_101 = tpu.memref_slice %arg10[%dma_wait3A_98, %dma_wait3A_99, %dma_wait3A_100] : memref<4x128x8xf32, #tpu.memory_space<vmem>> -> memref<1x128x8xf32, #tpu.memory_space<vmem>>
    %dma_wait3A_102 = tpu.memref_squeeze %dma_wait3A_101 : memref<1x128x8xf32, #tpu.memory_space<vmem>> -> memref<128x8xf32, #tpu.memory_space<vmem>>
    %dma_wait3A_103 = arith.constant 0 : i32
    %dma_wait3A_104 = tpu.memref_slice %arg9[%dma_wait3A, %dma_wait3A_103] : memref<4x128xi32, #tpu.memory_space<vmem>> -> memref<1x128xi32, #tpu.memory_space<vmem>>
    %dma_wait3A_105 = tpu.memref_squeeze %dma_wait3A_104 : memref<1x128xi32, #tpu.memory_space<vmem>> -> memref<128xi32, #tpu.memory_space<vmem>>
    %dma_wait3A_106 = arith.constant 0 : i32
    %dma_wait3A_107 = arith.constant 0 : i32
    %dma_wait3A_108 = tpu.memref_slice %arg4[%dma_wait3A_106, %dma_wait3A_107] : memref<12500x8xf32, #tpu.memory_space<hbm>> -> memref<12500x8xf32, #tpu.memory_space<hbm>>
    tpu.wait_indirect_dma semaphore(%arg14 : memref<!tpu.dma_semaphore, #tpu.memory_space<semaphore_mem>>) src(%dma_wait3A_108 : memref<12500x8xf32, #tpu.memory_space<hbm>>) dst(%dma_wait3A_102 : memref<128x8xf32, #tpu.memory_space<vmem>>)
    %dma_wait3A_109 = arith.constant 0 : i32
    %dma_wait3A_110 = arith.constant 0 : i32
    %dma_wait3A_111 = arith.constant 0 : i32
    %dma_wait3A_112 = arith.constant 0 : i32
    %dma_wait3A_113 = tpu.memref_slice %arg11[%dma_wait3A_110, %dma_wait3A_111, %dma_wait3A_112] : memref<4x128x8xf32, #tpu.memory_space<vmem>> -> memref<1x128x8xf32, #tpu.memory_space<vmem>>
    %dma_wait3A_114 = tpu.memref_squeeze %dma_wait3A_113 : memref<1x128x8xf32, #tpu.memory_space<vmem>> -> memref<128x8xf32, #tpu.memory_space<vmem>>
    %dma_wait3A_115 = arith.constant 0 : i32
    %dma_wait3A_116 = tpu.memref_slice %arg9[%dma_wait3A_109, %dma_wait3A_115] : memref<4x128xi32, #tpu.memory_space<vmem>> -> memref<1x128xi32, #tpu.memory_space<vmem>>
    %dma_wait3A_117 = tpu.memref_squeeze %dma_wait3A_116 : memref<1x128xi32, #tpu.memory_space<vmem>> -> memref<128xi32, #tpu.memory_space<vmem>>
    %dma_wait3A_118 = arith.constant 0 : i32
    %dma_wait3A_119 = arith.constant 0 : i32
    %dma_wait3A_120 = tpu.memref_slice %arg5[%dma_wait3A_118, %dma_wait3A_119] : memref<12500x8xf32, #tpu.memory_space<hbm>> -> memref<12500x8xf32, #tpu.memory_space<hbm>>
    tpu.wait_indirect_dma semaphore(%arg14 : memref<!tpu.dma_semaphore, #tpu.memory_space<semaphore_mem>>) src(%dma_wait3A_120 : memref<12500x8xf32, #tpu.memory_space<hbm>>) dst(%dma_wait3A_114 : memref<128x8xf32, #tpu.memory_space<vmem>>)
    %dma_wait3A_121 = arith.constant 1 : i32
    %dma_wait3A_122 = arith.constant 1 : i32
    %dma_wait3A_123 = arith.constant 0 : i32
    %dma_wait3A_124 = arith.constant 0 : i32
    %dma_wait3A_125 = tpu.memref_slice %arg10[%dma_wait3A_122, %dma_wait3A_123, %dma_wait3A_124] : memref<4x128x8xf32, #tpu.memory_space<vmem>> -> memref<1x128x8xf32, #tpu.memory_space<vmem>>
    %dma_wait3A_126 = tpu.memref_squeeze %dma_wait3A_125 : memref<1x128x8xf32, #tpu.memory_space<vmem>> -> memref<128x8xf32, #tpu.memory_space<vmem>>
    %dma_wait3A_127 = arith.constant 0 : i32
    %dma_wait3A_128 = tpu.memref_slice %arg9[%dma_wait3A_121, %dma_wait3A_127] : memref<4x128xi32, #tpu.memory_space<vmem>> -> memref<1x128xi32, #tpu.memory_space<vmem>>
    %dma_wait3A_129 = tpu.memref_squeeze %dma_wait3A_128 : memref<1x128xi32, #tpu.memory_space<vmem>> -> memref<128xi32, #tpu.memory_space<vmem>>
    %dma_wait3A_130 = arith.constant 0 : i32
    %dma_wait3A_131 = arith.constant 0 : i32
    %dma_wait3A_132 = tpu.memref_slice %arg4[%dma_wait3A_130, %dma_wait3A_131] : memref<12500x8xf32, #tpu.memory_space<hbm>> -> memref<12500x8xf32, #tpu.memory_space<hbm>>
    tpu.wait_indirect_dma semaphore(%arg14 : memref<!tpu.dma_semaphore, #tpu.memory_space<semaphore_mem>>) src(%dma_wait3A_132 : memref<12500x8xf32, #tpu.memory_space<hbm>>) dst(%dma_wait3A_126 : memref<128x8xf32, #tpu.memory_space<vmem>>)
    %dma_wait3A_133 = arith.constant 1 : i32
    %dma_wait3A_134 = arith.constant 1 : i32
    %dma_wait3A_135 = arith.constant 0 : i32
    %dma_wait3A_136 = arith.constant 0 : i32
    %dma_wait3A_137 = tpu.memref_slice %arg11[%dma_wait3A_134, %dma_wait3A_135, %dma_wait3A_136] : memref<4x128x8xf32, #tpu.memory_space<vmem>> -> memref<1x128x8xf32, #tpu.memory_space<vmem>>
    %dma_wait3A_138 = tpu.memref_squeeze %dma_wait3A_137 : memref<1x128x8xf32, #tpu.memory_space<vmem>> -> memref<128x8xf32, #tpu.memory_space<vmem>>
    %dma_wait3A_139 = arith.constant 0 : i32
    %dma_wait3A_140 = tpu.memref_slice %arg9[%dma_wait3A_133, %dma_wait3A_139] : memref<4x128xi32, #tpu.memory_space<vmem>> -> memref<1x128xi32, #tpu.memory_space<vmem>>
    %dma_wait3A_141 = tpu.memref_squeeze %dma_wait3A_140 : memref<1x128xi32, #tpu.memory_space<vmem>> -> memref<128xi32, #tpu.memory_space<vmem>>
    %dma_wait3A_142 = arith.constant 0 : i32
    %dma_wait3A_143 = arith.constant 0 : i32
    %dma_wait3A_144 = tpu.memref_slice %arg5[%dma_wait3A_142, %dma_wait3A_143] : memref<12500x8xf32, #tpu.memory_space<hbm>> -> memref<12500x8xf32, #tpu.memory_space<hbm>>
    tpu.wait_indirect_dma semaphore(%arg14 : memref<!tpu.dma_semaphore, #tpu.memory_space<semaphore_mem>>) src(%dma_wait3A_144 : memref<12500x8xf32, #tpu.memory_space<hbm>>) dst(%dma_wait3A_138 : memref<128x8xf32, #tpu.memory_space<vmem>>)
    %dma_wait3A_145 = arith.constant 2 : i32
    %dma_wait3A_146 = arith.constant 2 : i32
    %dma_wait3A_147 = arith.constant 0 : i32
    %dma_wait3A_148 = arith.constant 0 : i32
    %dma_wait3A_149 = tpu.memref_slice %arg10[%dma_wait3A_146, %dma_wait3A_147, %dma_wait3A_148] : memref<4x128x8xf32, #tpu.memory_space<vmem>> -> memref<1x128x8xf32, #tpu.memory_space<vmem>>
    %dma_wait3A_150 = tpu.memref_squeeze %dma_wait3A_149 : memref<1x128x8xf32, #tpu.memory_space<vmem>> -> memref<128x8xf32, #tpu.memory_space<vmem>>
    %dma_wait3A_151 = arith.constant 0 : i32
    %dma_wait3A_152 = tpu.memref_slice %arg9[%dma_wait3A_145, %dma_wait3A_151] : memref<4x128xi32, #tpu.memory_space<vmem>> -> memref<1x128xi32, #tpu.memory_space<vmem>>
    %dma_wait3A_153 = tpu.memref_squeeze %dma_wait3A_152 : memref<1x128xi32, #tpu.memory_space<vmem>> -> memref<128xi32, #tpu.memory_space<vmem>>
    %dma_wait3A_154 = arith.constant 0 : i32
    %dma_wait3A_155 = arith.constant 0 : i32
    %dma_wait3A_156 = tpu.memref_slice %arg4[%dma_wait3A_154, %dma_wait3A_155] : memref<12500x8xf32, #tpu.memory_space<hbm>> -> memref<12500x8xf32, #tpu.memory_space<hbm>>
    tpu.wait_indirect_dma semaphore(%arg14 : memref<!tpu.dma_semaphore, #tpu.memory_space<semaphore_mem>>) src(%dma_wait3A_156 : memref<12500x8xf32, #tpu.memory_space<hbm>>) dst(%dma_wait3A_150 : memref<128x8xf32, #tpu.memory_space<vmem>>)
    %dma_wait3A_157 = arith.constant 2 : i32
    %dma_wait3A_158 = arith.constant 2 : i32
    %dma_wait3A_159 = arith.constant 0 : i32
    %dma_wait3A_160 = arith.constant 0 : i32
    %dma_wait3A_161 = tpu.memref_slice %arg11[%dma_wait3A_158, %dma_wait3A_159, %dma_wait3A_160] : memref<4x128x8xf32, #tpu.memory_space<vmem>> -> memref<1x128x8xf32, #tpu.memory_space<vmem>>
    %dma_wait3A_162 = tpu.memref_squeeze %dma_wait3A_161 : memref<1x128x8xf32, #tpu.memory_space<vmem>> -> memref<128x8xf32, #tpu.memory_space<vmem>>
    %dma_wait3A_163 = arith.constant 0 : i32
    %dma_wait3A_164 = tpu.memref_slice %arg9[%dma_wait3A_157, %dma_wait3A_163] : memref<4x128xi32, #tpu.memory_space<vmem>> -> memref<1x128xi32, #tpu.memory_space<vmem>>
    %dma_wait3A_165 = tpu.memref_squeeze %dma_wait3A_164 : memref<1x128xi32, #tpu.memory_space<vmem>> -> memref<128xi32, #tpu.memory_space<vmem>>
    %dma_wait3A_166 = arith.constant 0 : i32
    %dma_wait3A_167 = arith.constant 0 : i32
    %dma_wait3A_168 = tpu.memref_slice %arg5[%dma_wait3A_166, %dma_wait3A_167] : memref<12500x8xf32, #tpu.memory_space<hbm>> -> memref<12500x8xf32, #tpu.memory_space<hbm>>
    tpu.wait_indirect_dma semaphore(%arg14 : memref<!tpu.dma_semaphore, #tpu.memory_space<semaphore_mem>>) src(%dma_wait3A_168 : memref<12500x8xf32, #tpu.memory_space<hbm>>) dst(%dma_wait3A_162 : memref<128x8xf32, #tpu.memory_space<vmem>>)
    %dma_wait3A_169 = arith.constant 3 : i32
    %dma_wait3A_170 = arith.constant 3 : i32
    %dma_wait3A_171 = arith.constant 0 : i32
    %dma_wait3A_172 = arith.constant 0 : i32
    %dma_wait3A_173 = tpu.memref_slice %arg10[%dma_wait3A_170, %dma_wait3A_171, %dma_wait3A_172] : memref<4x128x8xf32, #tpu.memory_space<vmem>> -> memref<1x128x8xf32, #tpu.memory_space<vmem>>
    %dma_wait3A_174 = tpu.memref_squeeze %dma_wait3A_173 : memref<1x128x8xf32, #tpu.memory_space<vmem>> -> memref<128x8xf32, #tpu.memory_space<vmem>>
    %dma_wait3A_175 = arith.constant 0 : i32
    %dma_wait3A_176 = tpu.memref_slice %arg9[%dma_wait3A_169, %dma_wait3A_175] : memref<4x128xi32, #tpu.memory_space<vmem>> -> memref<1x128xi32, #tpu.memory_space<vmem>>
    %dma_wait3A_177 = tpu.memref_squeeze %dma_wait3A_176 : memref<1x128xi32, #tpu.memory_space<vmem>> -> memref<128xi32, #tpu.memory_space<vmem>>
    %dma_wait3A_178 = arith.constant 0 : i32
    %dma_wait3A_179 = arith.constant 0 : i32
    %dma_wait3A_180 = tpu.memref_slice %arg4[%dma_wait3A_178, %dma_wait3A_179] : memref<12500x8xf32, #tpu.memory_space<hbm>> -> memref<12500x8xf32, #tpu.memory_space<hbm>>
    tpu.wait_indirect_dma semaphore(%arg14 : memref<!tpu.dma_semaphore, #tpu.memory_space<semaphore_mem>>) src(%dma_wait3A_180 : memref<12500x8xf32, #tpu.memory_space<hbm>>) dst(%dma_wait3A_174 : memref<128x8xf32, #tpu.memory_space<vmem>>)
    %dma_wait3A_181 = arith.constant 3 : i32
    %dma_wait3A_182 = arith.constant 3 : i32
    %dma_wait3A_183 = arith.constant 0 : i32
    %dma_wait3A_184 = arith.constant 0 : i32
    %dma_wait3A_185 = tpu.memref_slice %arg11[%dma_wait3A_182, %dma_wait3A_183, %dma_wait3A_184] : memref<4x128x8xf32, #tpu.memory_space<vmem>> -> memref<1x128x8xf32, #tpu.memory_space<vmem>>
    %dma_wait3A_186 = tpu.memref_squeeze %dma_wait3A_185 : memref<1x128x8xf32, #tpu.memory_space<vmem>> -> memref<128x8xf32, #tpu.memory_space<vmem>>
    %dma_wait3A_187 = arith.constant 0 : i32
    %dma_wait3A_188 = tpu.memref_slice %arg9[%dma_wait3A_181, %dma_wait3A_187] : memref<4x128xi32, #tpu.memory_space<vmem>> -> memref<1x128xi32, #tpu.memory_space<vmem>>
    %dma_wait3A_189 = tpu.memref_squeeze %dma_wait3A_188 : memref<1x128xi32, #tpu.memory_space<vmem>> -> memref<128xi32, #tpu.memory_space<vmem>>
    %dma_wait3A_190 = arith.constant 0 : i32
    %dma_wait3A_191 = arith.constant 0 : i32
    %dma_wait3A_192 = tpu.memref_slice %arg5[%dma_wait3A_190, %dma_wait3A_191] : memref<12500x8xf32, #tpu.memory_space<hbm>> -> memref<12500x8xf32, #tpu.memory_space<hbm>>
    tpu.wait_indirect_dma semaphore(%arg14 : memref<!tpu.dma_semaphore, #tpu.memory_space<semaphore_mem>>) src(%dma_wait3A_192 : memref<12500x8xf32, #tpu.memory_space<hbm>>) dst(%dma_wait3A_186 : memref<128x8xf32, #tpu.memory_space<vmem>>)
    %iota3A = tpu.iota {dimensions = array<i32: 0>} : vector<16xi32>
    %add3A_193 = arith.constant 0 : i32
    %add3A_194 = vector.broadcast %add3A_193 : i32 to vector<16xi32>
    %add3A_195 = arith.addi %iota3A, %add3A_194 : vector<16xi32>
    %iota3A_196 = tpu.iota {dimensions = array<i32: 0>} : vector<16xi32>
    %add3A_197 = arith.constant 16 : i32
    %add3A_198 = vector.broadcast %add3A_197 : i32 to vector<16xi32>
    %add3A_199 = arith.addi %iota3A_196, %add3A_198 : vector<16xi32>
    %iota3A_200 = tpu.iota {dimensions = array<i32: 0>} : vector<16xi32>
    %add3A_201 = arith.constant 32 : i32
    %add3A_202 = vector.broadcast %add3A_201 : i32 to vector<16xi32>
    %add3A_203 = arith.addi %iota3A_200, %add3A_202 : vector<16xi32>
    %iota3A_204 = tpu.iota {dimensions = array<i32: 0>} : vector<16xi32>
    %add3A_205 = arith.constant 48 : i32
    %add3A_206 = vector.broadcast %add3A_205 : i32 to vector<16xi32>
    %add3A_207 = arith.addi %iota3A_204, %add3A_206 : vector<16xi32>
    %iota3A_208 = tpu.iota {dimensions = array<i32: 0>} : vector<16xi32>
    %add3A_209 = arith.constant 64 : i32
    %add3A_210 = vector.broadcast %add3A_209 : i32 to vector<16xi32>
    %add3A_211 = arith.addi %iota3A_208, %add3A_210 : vector<16xi32>
    %iota3A_212 = tpu.iota {dimensions = array<i32: 0>} : vector<16xi32>
    %add3A_213 = arith.constant 80 : i32
    %add3A_214 = vector.broadcast %add3A_213 : i32 to vector<16xi32>
    %add3A_215 = arith.addi %iota3A_212, %add3A_214 : vector<16xi32>
    %iota3A_216 = tpu.iota {dimensions = array<i32: 0>} : vector<16xi32>
    %add3A_217 = arith.constant 96 : i32
    %add3A_218 = vector.broadcast %add3A_217 : i32 to vector<16xi32>
    %add3A_219 = arith.addi %iota3A_216, %add3A_218 : vector<16xi32>
    %iota3A_220 = tpu.iota {dimensions = array<i32: 0>} : vector<16xi32>
    %add3A_221 = arith.constant 112 : i32
    %add3A_222 = vector.broadcast %add3A_221 : i32 to vector<16xi32>
    %add3A_223 = arith.addi %iota3A_220, %add3A_222 : vector<16xi32>
    %get3A = arith.constant 0 : i32
    %get3A_224 = arith.index_cast %get3A : i32 to index
    %get3A_225 = arith.constant 0 : index
    %get3A_226 = tpu.vector_load %arg8[%get3A_224, %get3A_225] {strides = array<i32>} : memref<4x128xi32, #tpu.memory_space<vmem>>, vector<16xi32>,
    %and3A = arith.constant 7 : i32
    %and3A_227 = vector.broadcast %and3A : i32 to vector<16xi32>
    %and3A_228 = arith.andi %get3A_226, %and3A_227 : vector<16xi32>
    %gather3A = arith.constant 0 : i32
    %gather3A_229 = arith.constant 0 : i32
    %gather3A_230 = arith.constant 0 : i32
    %gather3A_231 = tpu.memref_slice %arg10[%gather3A, %gather3A_229, %gather3A_230] : memref<4x128x8xf32, #tpu.memory_space<vmem>> -> memref<1x128x8xf32, #tpu.memory_space<vmem>>
    %gather3A_232 = tpu.memref_squeeze %gather3A_231 : memref<1x128x8xf32, #tpu.memory_space<vmem>> -> memref<128x8xf32, #tpu.memory_space<vmem>>
    %gather3A_233 = tpu.vector_load_idx %gather3A_232[%add3A_195, %and3A_228] : memref<128x8xf32, #tpu.memory_space<vmem>>[vector<16xi32>, vector<16xi32>], vector<16xf32>,
    %swap3A = arith.constant 0 : i32
    %swap3A_234 = arith.index_cast %swap3A : i32 to index
    %swap3A_235 = arith.constant 0 : index
    %swap3A_236 = tpu.vector_load %arg12[%swap3A_234, %swap3A_235] {strides = array<i32>} : memref<4x128xf32, #tpu.memory_space<vmem>>, vector<16xf32>,
    tpu.vector_store %arg12[%swap3A_234, %swap3A_235], %gather3A_233 {strides = array<i32>} : memref<4x128xf32, #tpu.memory_space<vmem>>, vector<16xf32>,
    %gather3A_237 = arith.constant 0 : i32
    %gather3A_238 = arith.constant 0 : i32
    %gather3A_239 = arith.constant 0 : i32
    %gather3A_240 = tpu.memref_slice %arg11[%gather3A_237, %gather3A_238, %gather3A_239] : memref<4x128x8xf32, #tpu.memory_space<vmem>> -> memref<1x128x8xf32, #tpu.memory_space<vmem>>
    %gather3A_241 = tpu.memref_squeeze %gather3A_240 : memref<1x128x8xf32, #tpu.memory_space<vmem>> -> memref<128x8xf32, #tpu.memory_space<vmem>>
    %gather3A_242 = tpu.vector_load_idx %gather3A_241[%add3A_195, %and3A_228] : memref<128x8xf32, #tpu.memory_space<vmem>>[vector<16xi32>, vector<16xi32>], vector<16xf32>,
    %swap3A_243 = arith.constant 0 : i32
    %swap3A_244 = arith.index_cast %swap3A_243 : i32 to index
    %swap3A_245 = arith.constant 0 : index
    %swap3A_246 = tpu.vector_load %arg13[%swap3A_244, %swap3A_245] {strides = array<i32>} : memref<4x128xf32, #tpu.memory_space<vmem>>, vector<16xf32>,
    tpu.vector_store %arg13[%swap3A_244, %swap3A_245], %gather3A_242 {strides = array<i32>} : memref<4x128xf32, #tpu.memory_space<vmem>>, vector<16xf32>,
    %get3A_247 = arith.constant 0 : i32
    %get3A_248 = arith.index_cast %get3A_247 : i32 to index
    %get3A_249 = arith.constant 16 : index
    %get3A_250 = tpu.vector_load %arg8[%get3A_248, %get3A_249] {strides = array<i32>} : memref<4x128xi32, #tpu.memory_space<vmem>>, vector<16xi32>,
    %and3A_251 = arith.constant 7 : i32
    %and3A_252 = vector.broadcast %and3A_251 : i32 to vector<16xi32>
    %and3A_253 = arith.andi %get3A_250, %and3A_252 : vector<16xi32>
    %gather3A_254 = arith.constant 0 : i32
    %gather3A_255 = arith.constant 0 : i32
    %gather3A_256 = arith.constant 0 : i32
    %gather3A_257 = tpu.memref_slice %arg10[%gather3A_254, %gather3A_255, %gather3A_256] : memref<4x128x8xf32, #tpu.memory_space<vmem>> -> memref<1x128x8xf32, #tpu.memory_space<vmem>>
    %gather3A_258 = tpu.memref_squeeze %gather3A_257 : memref<1x128x8xf32, #tpu.memory_space<vmem>> -> memref<128x8xf32, #tpu.memory_space<vmem>>
    %gather3A_259 = tpu.vector_load_idx %gather3A_258[%add3A_199, %and3A_253] : memref<128x8xf32, #tpu.memory_space<vmem>>[vector<16xi32>, vector<16xi32>], vector<16xf32>,
    %swap3A_260 = arith.constant 0 : i32
    %swap3A_261 = arith.index_cast %swap3A_260 : i32 to index
    %swap3A_262 = arith.constant 16 : index
    %swap3A_263 = tpu.vector_load %arg12[%swap3A_261, %swap3A_262] {strides = array<i32>} : memref<4x128xf32, #tpu.memory_space<vmem>>, vector<16xf32>,
    tpu.vector_store %arg12[%swap3A_261, %swap3A_262], %gather3A_259 {strides = array<i32>} : memref<4x128xf32, #tpu.memory_space<vmem>>, vector<16xf32>,
    %gather3A_264 = arith.constant 0 : i32
    %gather3A_265 = arith.constant 0 : i32
    %gather3A_266 = arith.constant 0 : i32
    %gather3A_267 = tpu.memref_slice %arg11[%gather3A_264, %gather3A_265, %gather3A_266] : memref<4x128x8xf32, #tpu.memory_space<vmem>> -> memref<1x128x8xf32, #tpu.memory_space<vmem>>
    %gather3A_268 = tpu.memref_squeeze %gather3A_267 : memref<1x128x8xf32, #tpu.memory_space<vmem>> -> memref<128x8xf32, #tpu.memory_space<vmem>>
    %gather3A_269 = tpu.vector_load_idx %gather3A_268[%add3A_199, %and3A_253] : memref<128x8xf32, #tpu.memory_space<vmem>>[vector<16xi32>, vector<16xi32>], vector<16xf32>,
    %swap3A_270 = arith.constant 0 : i32
    %swap3A_271 = arith.index_cast %swap3A_270 : i32 to index
    %swap3A_272 = arith.constant 16 : index
    %swap3A_273 = tpu.vector_load %arg13[%swap3A_271, %swap3A_272] {strides = array<i32>} : memref<4x128xf32, #tpu.memory_space<vmem>>, vector<16xf32>,
    tpu.vector_store %arg13[%swap3A_271, %swap3A_272], %gather3A_269 {strides = array<i32>} : memref<4x128xf32, #tpu.memory_space<vmem>>, vector<16xf32>,
    %get3A_274 = arith.constant 0 : i32
    %get3A_275 = arith.index_cast %get3A_274 : i32 to index
    %get3A_276 = arith.constant 32 : index
    %get3A_277 = tpu.vector_load %arg8[%get3A_275, %get3A_276] {strides = array<i32>} : memref<4x128xi32, #tpu.memory_space<vmem>>, vector<16xi32>,
    %and3A_278 = arith.constant 7 : i32
    %and3A_279 = vector.broadcast %and3A_278 : i32 to vector<16xi32>
    %and3A_280 = arith.andi %get3A_277, %and3A_279 : vector<16xi32>
    %gather3A_281 = arith.constant 0 : i32
    %gather3A_282 = arith.constant 0 : i32
    %gather3A_283 = arith.constant 0 : i32
    %gather3A_284 = tpu.memref_slice %arg10[%gather3A_281, %gather3A_282, %gather3A_283] : memref<4x128x8xf32, #tpu.memory_space<vmem>> -> memref<1x128x8xf32, #tpu.memory_space<vmem>>
    %gather3A_285 = tpu.memref_squeeze %gather3A_284 : memref<1x128x8xf32, #tpu.memory_space<vmem>> -> memref<128x8xf32, #tpu.memory_space<vmem>>
    %gather3A_286 = tpu.vector_load_idx %gather3A_285[%add3A_203, %and3A_280] : memref<128x8xf32, #tpu.memory_space<vmem>>[vector<16xi32>, vector<16xi32>], vector<16xf32>,
    %swap3A_287 = arith.constant 0 : i32
    %swap3A_288 = arith.index_cast %swap3A_287 : i32 to index
    %swap3A_289 = arith.constant 32 : index
    %swap3A_290 = tpu.vector_load %arg12[%swap3A_288, %swap3A_289] {strides = array<i32>} : memref<4x128xf32, #tpu.memory_space<vmem>>, vector<16xf32>,
    tpu.vector_store %arg12[%swap3A_288, %swap3A_289], %gather3A_286 {strides = array<i32>} : memref<4x128xf32, #tpu.memory_space<vmem>>, vector<16xf32>,
    %gather3A_291 = arith.constant 0 : i32
    %gather3A_292 = arith.constant 0 : i32
    %gather3A_293 = arith.constant 0 : i32
    %gather3A_294 = tpu.memref_slice %arg11[%gather3A_291, %gather3A_292, %gather3A_293] : memref<4x128x8xf32, #tpu.memory_space<vmem>> -> memref<1x128x8xf32, #tpu.memory_space<vmem>>
    %gather3A_295 = tpu.memref_squeeze %gather3A_294 : memref<1x128x8xf32, #tpu.memory_space<vmem>> -> memref<128x8xf32, #tpu.memory_space<vmem>>
    %gather3A_296 = tpu.vector_load_idx %gather3A_295[%add3A_203, %and3A_280] : memref<128x8xf32, #tpu.memory_space<vmem>>[vector<16xi32>, vector<16xi32>], vector<16xf32>,
    %swap3A_297 = arith.constant 0 : i32
    %swap3A_298 = arith.index_cast %swap3A_297 : i32 to index
    %swap3A_299 = arith.constant 32 : index
    %swap3A_300 = tpu.vector_load %arg13[%swap3A_298, %swap3A_299] {strides = array<i32>} : memref<4x128xf32, #tpu.memory_space<vmem>>, vector<16xf32>,
    tpu.vector_store %arg13[%swap3A_298, %swap3A_299], %gather3A_296 {strides = array<i32>} : memref<4x128xf32, #tpu.memory_space<vmem>>, vector<16xf32>,
    %get3A_301 = arith.constant 0 : i32
    %get3A_302 = arith.index_cast %get3A_301 : i32 to index
    %get3A_303 = arith.constant 48 : index
    %get3A_304 = tpu.vector_load %arg8[%get3A_302, %get3A_303] {strides = array<i32>} : memref<4x128xi32, #tpu.memory_space<vmem>>, vector<16xi32>,
    %and3A_305 = arith.constant 7 : i32
    %and3A_306 = vector.broadcast %and3A_305 : i32 to vector<16xi32>
    %and3A_307 = arith.andi %get3A_304, %and3A_306 : vector<16xi32>
    %gather3A_308 = arith.constant 0 : i32
    %gather3A_309 = arith.constant 0 : i32
    %gather3A_310 = arith.constant 0 : i32
    %gather3A_311 = tpu.memref_slice %arg10[%gather3A_308, %gather3A_309, %gather3A_310] : memref<4x128x8xf32, #tpu.memory_space<vmem>> -> memref<1x128x8xf32, #tpu.memory_space<vmem>>
    %gather3A_312 = tpu.memref_squeeze %gather3A_311 : memref<1x128x8xf32, #tpu.memory_space<vmem>> -> memref<128x8xf32, #tpu.memory_space<vmem>>
    %gather3A_313 = tpu.vector_load_idx %gather3A_312[%add3A_207, %and3A_307] : memref<128x8xf32, #tpu.memory_space<vmem>>[vector<16xi32>, vector<16xi32>], vector<16xf32>,
    %swap3A_314 = arith.constant 0 : i32
    %swap3A_315 = arith.index_cast %swap3A_314 : i32 to index
    %swap3A_316 = arith.constant 48 : index
    %swap3A_317 = tpu.vector_load %arg12[%swap3A_315, %swap3A_316] {strides = array<i32>} : memref<4x128xf32, #tpu.memory_space<vmem>>, vector<16xf32>,
    tpu.vector_store %arg12[%swap3A_315, %swap3A_316], %gather3A_313 {strides = array<i32>} : memref<4x128xf32, #tpu.memory_space<vmem>>, vector<16xf32>,
    %gather3A_318 = arith.constant 0 : i32
    %gather3A_319 = arith.constant 0 : i32
    %gather3A_320 = arith.constant 0 : i32
    %gather3A_321 = tpu.memref_slice %arg11[%gather3A_318, %gather3A_319, %gather3A_320] : memref<4x128x8xf32, #tpu.memory_space<vmem>> -> memref<1x128x8xf32, #tpu.memory_space<vmem>>
    %gather3A_322 = tpu.memref_squeeze %gather3A_321 : memref<1x128x8xf32, #tpu.memory_space<vmem>> -> memref<128x8xf32, #tpu.memory_space<vmem>>
    %gather3A_323 = tpu.vector_load_idx %gather3A_322[%add3A_207, %and3A_307] : memref<128x8xf32, #tpu.memory_space<vmem>>[vector<16xi32>, vector<16xi32>], vector<16xf32>,
    %swap3A_324 = arith.constant 0 : i32
    %swap3A_325 = arith.index_cast %swap3A_324 : i32 to index
    %swap3A_326 = arith.constant 48 : index
    %swap3A_327 = tpu.vector_load %arg13[%swap3A_325, %swap3A_326] {strides = array<i32>} : memref<4x128xf32, #tpu.memory_space<vmem>>, vector<16xf32>,
    tpu.vector_store %arg13[%swap3A_325, %swap3A_326], %gather3A_323 {strides = array<i32>} : memref<4x128xf32, #tpu.memory_space<vmem>>, vector<16xf32>,
    %get3A_328 = arith.constant 0 : i32
    %get3A_329 = arith.index_cast %get3A_328 : i32 to index
    %get3A_330 = arith.constant 64 : index
    %get3A_331 = tpu.vector_load %arg8[%get3A_329, %get3A_330] {strides = array<i32>} : memref<4x128xi32, #tpu.memory_space<vmem>>, vector<16xi32>,
    %and3A_332 = arith.constant 7 : i32
    %and3A_333 = vector.broadcast %and3A_332 : i32 to vector<16xi32>
    %and3A_334 = arith.andi %get3A_331, %and3A_333 : vector<16xi32>
    %gather3A_335 = arith.constant 0 : i32
    %gather3A_336 = arith.constant 0 : i32
    %gather3A_337 = arith.constant 0 : i32
    %gather3A_338 = tpu.memref_slice %arg10[%gather3A_335, %gather3A_336, %gather3A_337] : memref<4x128x8xf32, #tpu.memory_space<vmem>> -> memref<1x128x8xf32, #tpu.memory_space<vmem>>
    %gather3A_339 = tpu.memref_squeeze %gather3A_338 : memref<1x128x8xf32, #tpu.memory_space<vmem>> -> memref<128x8xf32, #tpu.memory_space<vmem>>
    %gather3A_340 = tpu.vector_load_idx %gather3A_339[%add3A_211, %and3A_334] : memref<128x8xf32, #tpu.memory_space<vmem>>[vector<16xi32>, vector<16xi32>], vector<16xf32>,
    %swap3A_341 = arith.constant 0 : i32
    %swap3A_342 = arith.index_cast %swap3A_341 : i32 to index
    %swap3A_343 = arith.constant 64 : index
    %swap3A_344 = tpu.vector_load %arg12[%swap3A_342, %swap3A_343] {strides = array<i32>} : memref<4x128xf32, #tpu.memory_space<vmem>>, vector<16xf32>,
    tpu.vector_store %arg12[%swap3A_342, %swap3A_343], %gather3A_340 {strides = array<i32>} : memref<4x128xf32, #tpu.memory_space<vmem>>, vector<16xf32>,
    %gather3A_345 = arith.constant 0 : i32
    %gather3A_346 = arith.constant 0 : i32
    %gather3A_347 = arith.constant 0 : i32
    %gather3A_348 = tpu.memref_slice %arg11[%gather3A_345, %gather3A_346, %gather3A_347] : memref<4x128x8xf32, #tpu.memory_space<vmem>> -> memref<1x128x8xf32, #tpu.memory_space<vmem>>
    %gather3A_349 = tpu.memref_squeeze %gather3A_348 : memref<1x128x8xf32, #tpu.memory_space<vmem>> -> memref<128x8xf32, #tpu.memory_space<vmem>>
    %gather3A_350 = tpu.vector_load_idx %gather3A_349[%add3A_211, %and3A_334] : memref<128x8xf32, #tpu.memory_space<vmem>>[vector<16xi32>, vector<16xi32>], vector<16xf32>,
    %swap3A_351 = arith.constant 0 : i32
    %swap3A_352 = arith.index_cast %swap3A_351 : i32 to index
    %swap3A_353 = arith.constant 64 : index
    %swap3A_354 = tpu.vector_load %arg13[%swap3A_352, %swap3A_353] {strides = array<i32>} : memref<4x128xf32, #tpu.memory_space<vmem>>, vector<16xf32>,
    tpu.vector_store %arg13[%swap3A_352, %swap3A_353], %gather3A_350 {strides = array<i32>} : memref<4x128xf32, #tpu.memory_space<vmem>>, vector<16xf32>,
    %get3A_355 = arith.constant 0 : i32
    %get3A_356 = arith.index_cast %get3A_355 : i32 to index
    %get3A_357 = arith.constant 80 : index
    %get3A_358 = tpu.vector_load %arg8[%get3A_356, %get3A_357] {strides = array<i32>} : memref<4x128xi32, #tpu.memory_space<vmem>>, vector<16xi32>,
    %and3A_359 = arith.constant 7 : i32
    %and3A_360 = vector.broadcast %and3A_359 : i32 to vector<16xi32>
    %and3A_361 = arith.andi %get3A_358, %and3A_360 : vector<16xi32>
    %gather3A_362 = arith.constant 0 : i32
    %gather3A_363 = arith.constant 0 : i32
    %gather3A_364 = arith.constant 0 : i32
    %gather3A_365 = tpu.memref_slice %arg10[%gather3A_362, %gather3A_363, %gather3A_364] : memref<4x128x8xf32, #tpu.memory_space<vmem>> -> memref<1x128x8xf32, #tpu.memory_space<vmem>>
    %gather3A_366 = tpu.memref_squeeze %gather3A_365 : memref<1x128x8xf32, #tpu.memory_space<vmem>> -> memref<128x8xf32, #tpu.memory_space<vmem>>
    %gather3A_367 = tpu.vector_load_idx %gather3A_366[%add3A_215, %and3A_361] : memref<128x8xf32, #tpu.memory_space<vmem>>[vector<16xi32>, vector<16xi32>], vector<16xf32>,
    %swap3A_368 = arith.constant 0 : i32
    %swap3A_369 = arith.index_cast %swap3A_368 : i32 to index
    %swap3A_370 = arith.constant 80 : index
    %swap3A_371 = tpu.vector_load %arg12[%swap3A_369, %swap3A_370] {strides = array<i32>} : memref<4x128xf32, #tpu.memory_space<vmem>>, vector<16xf32>,
    tpu.vector_store %arg12[%swap3A_369, %swap3A_370], %gather3A_367 {strides = array<i32>} : memref<4x128xf32, #tpu.memory_space<vmem>>, vector<16xf32>,
    %gather3A_372 = arith.constant 0 : i32
    %gather3A_373 = arith.constant 0 : i32
    %gather3A_374 = arith.constant 0 : i32
    %gather3A_375 = tpu.memref_slice %arg11[%gather3A_372, %gather3A_373, %gather3A_374] : memref<4x128x8xf32, #tpu.memory_space<vmem>> -> memref<1x128x8xf32, #tpu.memory_space<vmem>>
    %gather3A_376 = tpu.memref_squeeze %gather3A_375 : memref<1x128x8xf32, #tpu.memory_space<vmem>> -> memref<128x8xf32, #tpu.memory_space<vmem>>
    %gather3A_377 = tpu.vector_load_idx %gather3A_376[%add3A_215, %and3A_361] : memref<128x8xf32, #tpu.memory_space<vmem>>[vector<16xi32>, vector<16xi32>], vector<16xf32>,
    %swap3A_378 = arith.constant 0 : i32
    %swap3A_379 = arith.index_cast %swap3A_378 : i32 to index
    %swap3A_380 = arith.constant 80 : index
    %swap3A_381 = tpu.vector_load %arg13[%swap3A_379, %swap3A_380] {strides = array<i32>} : memref<4x128xf32, #tpu.memory_space<vmem>>, vector<16xf32>,
    tpu.vector_store %arg13[%swap3A_379, %swap3A_380], %gather3A_377 {strides = array<i32>} : memref<4x128xf32, #tpu.memory_space<vmem>>, vector<16xf32>,
    %get3A_382 = arith.constant 0 : i32
    %get3A_383 = arith.index_cast %get3A_382 : i32 to index
    %get3A_384 = arith.constant 96 : index
    %get3A_385 = tpu.vector_load %arg8[%get3A_383, %get3A_384] {strides = array<i32>} : memref<4x128xi32, #tpu.memory_space<vmem>>, vector<16xi32>,
    %and3A_386 = arith.constant 7 : i32
    %and3A_387 = vector.broadcast %and3A_386 : i32 to vector<16xi32>
    %and3A_388 = arith.andi %get3A_385, %and3A_387 : vector<16xi32>
    %gather3A_389 = arith.constant 0 : i32
    %gather3A_390 = arith.constant 0 : i32
    %gather3A_391 = arith.constant 0 : i32
    %gather3A_392 = tpu.memref_slice %arg10[%gather3A_389, %gather3A_390, %gather3A_391] : memref<4x128x8xf32, #tpu.memory_space<vmem>> -> memref<1x128x8xf32, #tpu.memory_space<vmem>>
    %gather3A_393 = tpu.memref_squeeze %gather3A_392 : memref<1x128x8xf32, #tpu.memory_space<vmem>> -> memref<128x8xf32, #tpu.memory_space<vmem>>
    %gather3A_394 = tpu.vector_load_idx %gather3A_393[%add3A_219, %and3A_388] : memref<128x8xf32, #tpu.memory_space<vmem>>[vector<16xi32>, vector<16xi32>], vector<16xf32>,
    %swap3A_395 = arith.constant 0 : i32
    %swap3A_396 = arith.index_cast %swap3A_395 : i32 to index
    %swap3A_397 = arith.constant 96 : index
    %swap3A_398 = tpu.vector_load %arg12[%swap3A_396, %swap3A_397] {strides = array<i32>} : memref<4x128xf32, #tpu.memory_space<vmem>>, vector<16xf32>,
    tpu.vector_store %arg12[%swap3A_396, %swap3A_397], %gather3A_394 {strides = array<i32>} : memref<4x128xf32, #tpu.memory_space<vmem>>, vector<16xf32>,
    %gather3A_399 = arith.constant 0 : i32
    %gather3A_400 = arith.constant 0 : i32
    %gather3A_401 = arith.constant 0 : i32
    %gather3A_402 = tpu.memref_slice %arg11[%gather3A_399, %gather3A_400, %gather3A_401] : memref<4x128x8xf32, #tpu.memory_space<vmem>> -> memref<1x128x8xf32, #tpu.memory_space<vmem>>
    %gather3A_403 = tpu.memref_squeeze %gather3A_402 : memref<1x128x8xf32, #tpu.memory_space<vmem>> -> memref<128x8xf32, #tpu.memory_space<vmem>>
    %gather3A_404 = tpu.vector_load_idx %gather3A_403[%add3A_219, %and3A_388] : memref<128x8xf32, #tpu.memory_space<vmem>>[vector<16xi32>, vector<16xi32>], vector<16xf32>,
    %swap3A_405 = arith.constant 0 : i32
    %swap3A_406 = arith.index_cast %swap3A_405 : i32 to index
    %swap3A_407 = arith.constant 96 : index
    %swap3A_408 = tpu.vector_load %arg13[%swap3A_406, %swap3A_407] {strides = array<i32>} : memref<4x128xf32, #tpu.memory_space<vmem>>, vector<16xf32>,
    tpu.vector_store %arg13[%swap3A_406, %swap3A_407], %gather3A_404 {strides = array<i32>} : memref<4x128xf32, #tpu.memory_space<vmem>>, vector<16xf32>,
    %get3A_409 = arith.constant 0 : i32
    %get3A_410 = arith.index_cast %get3A_409 : i32 to index
    %get3A_411 = arith.constant 112 : index
    %get3A_412 = tpu.vector_load %arg8[%get3A_410, %get3A_411] {strides = array<i32>} : memref<4x128xi32, #tpu.memory_space<vmem>>, vector<16xi32>,
    %and3A_413 = arith.constant 7 : i32
    %and3A_414 = vector.broadcast %and3A_413 : i32 to vector<16xi32>
    %and3A_415 = arith.andi %get3A_412, %and3A_414 : vector<16xi32>
    %gather3A_416 = arith.constant 0 : i32
    %gather3A_417 = arith.constant 0 : i32
    %gather3A_418 = arith.constant 0 : i32
    %gather3A_419 = tpu.memref_slice %arg10[%gather3A_416, %gather3A_417, %gather3A_418] : memref<4x128x8xf32, #tpu.memory_space<vmem>> -> memref<1x128x8xf32, #tpu.memory_space<vmem>>
    %gather3A_420 = tpu.memref_squeeze %gather3A_419 : memref<1x128x8xf32, #tpu.memory_space<vmem>> -> memref<128x8xf32, #tpu.memory_space<vmem>>
    %gather3A_421 = tpu.vector_load_idx %gather3A_420[%add3A_223, %and3A_415] : memref<128x8xf32, #tpu.memory_space<vmem>>[vector<16xi32>, vector<16xi32>], vector<16xf32>,
    %swap3A_422 = arith.constant 0 : i32
    %swap3A_423 = arith.index_cast %swap3A_422 : i32 to index
    %swap3A_424 = arith.constant 112 : index
    %swap3A_425 = tpu.vector_load %arg12[%swap3A_423, %swap3A_424] {strides = array<i32>} : memref<4x128xf32, #tpu.memory_space<vmem>>, vector<16xf32>,
    tpu.vector_store %arg12[%swap3A_423, %swap3A_424], %gather3A_421 {strides = array<i32>} : memref<4x128xf32, #tpu.memory_space<vmem>>, vector<16xf32>,
    %gather3A_426 = arith.constant 0 : i32
    %gather3A_427 = arith.constant 0 : i32
    %gather3A_428 = arith.constant 0 : i32
    %gather3A_429 = tpu.memref_slice %arg11[%gather3A_426, %gather3A_427, %gather3A_428] : memref<4x128x8xf32, #tpu.memory_space<vmem>> -> memref<1x128x8xf32, #tpu.memory_space<vmem>>
    %gather3A_430 = tpu.memref_squeeze %gather3A_429 : memref<1x128x8xf32, #tpu.memory_space<vmem>> -> memref<128x8xf32, #tpu.memory_space<vmem>>
    %gather3A_431 = tpu.vector_load_idx %gather3A_430[%add3A_223, %and3A_415] : memref<128x8xf32, #tpu.memory_space<vmem>>[vector<16xi32>, vector<16xi32>], vector<16xf32>,
    %swap3A_432 = arith.constant 0 : i32
    %swap3A_433 = arith.index_cast %swap3A_432 : i32 to index
    %swap3A_434 = arith.constant 112 : index
    %swap3A_435 = tpu.vector_load %arg13[%swap3A_433, %swap3A_434] {strides = array<i32>} : memref<4x128xf32, #tpu.memory_space<vmem>>, vector<16xf32>,
    tpu.vector_store %arg13[%swap3A_433, %swap3A_434], %gather3A_431 {strides = array<i32>} : memref<4x128xf32, #tpu.memory_space<vmem>>, vector<16xf32>,
    %get3A_436 = arith.constant 1 : i32
    %get3A_437 = arith.index_cast %get3A_436 : i32 to index
    %get3A_438 = arith.constant 0 : index
    %get3A_439 = tpu.vector_load %arg8[%get3A_437, %get3A_438] {strides = array<i32>} : memref<4x128xi32, #tpu.memory_space<vmem>>, vector<16xi32>,
    %and3A_440 = arith.constant 7 : i32
    %and3A_441 = vector.broadcast %and3A_440 : i32 to vector<16xi32>
    %and3A_442 = arith.andi %get3A_439, %and3A_441 : vector<16xi32>
    %gather3A_443 = arith.constant 1 : i32
    %gather3A_444 = arith.constant 0 : i32
    %gather3A_445 = arith.constant 0 : i32
    %gather3A_446 = tpu.memref_slice %arg10[%gather3A_443, %gather3A_444, %gather3A_445] : memref<4x128x8xf32, #tpu.memory_space<vmem>> -> memref<1x128x8xf32, #tpu.memory_space<vmem>>
    %gather3A_447 = tpu.memref_squeeze %gather3A_446 : memref<1x128x8xf32, #tpu.memory_space<vmem>> -> memref<128x8xf32, #tpu.memory_space<vmem>>
    %gather3A_448 = tpu.vector_load_idx %gather3A_447[%add3A_195, %and3A_442] : memref<128x8xf32, #tpu.memory_space<vmem>>[vector<16xi32>, vector<16xi32>], vector<16xf32>,
    %swap3A_449 = arith.constant 1 : i32
    %swap3A_450 = arith.index_cast %swap3A_449 : i32 to index
    %swap3A_451 = arith.constant 0 : index
    %swap3A_452 = tpu.vector_load %arg12[%swap3A_450, %swap3A_451] {strides = array<i32>} : memref<4x128xf32, #tpu.memory_space<vmem>>, vector<16xf32>,
    tpu.vector_store %arg12[%swap3A_450, %swap3A_451], %gather3A_448 {strides = array<i32>} : memref<4x128xf32, #tpu.memory_space<vmem>>, vector<16xf32>,
    %gather3A_453 = arith.constant 1 : i32
    %gather3A_454 = arith.constant 0 : i32
    %gather3A_455 = arith.constant 0 : i32
    %gather3A_456 = tpu.memref_slice %arg11[%gather3A_453, %gather3A_454, %gather3A_455] : memref<4x128x8xf32, #tpu.memory_space<vmem>> -> memref<1x128x8xf32, #tpu.memory_space<vmem>>
    %gather3A_457 = tpu.memref_squeeze %gather3A_456 : memref<1x128x8xf32, #tpu.memory_space<vmem>> -> memref<128x8xf32, #tpu.memory_space<vmem>>
    %gather3A_458 = tpu.vector_load_idx %gather3A_457[%add3A_195, %and3A_442] : memref<128x8xf32, #tpu.memory_space<vmem>>[vector<16xi32>, vector<16xi32>], vector<16xf32>,
    %swap3A_459 = arith.constant 1 : i32
    %swap3A_460 = arith.index_cast %swap3A_459 : i32 to index
    %swap3A_461 = arith.constant 0 : index
    %swap3A_462 = tpu.vector_load %arg13[%swap3A_460, %swap3A_461] {strides = array<i32>} : memref<4x128xf32, #tpu.memory_space<vmem>>, vector<16xf32>,
    tpu.vector_store %arg13[%swap3A_460, %swap3A_461], %gather3A_458 {strides = array<i32>} : memref<4x128xf32, #tpu.memory_space<vmem>>, vector<16xf32>,
    %get3A_463 = arith.constant 1 : i32
    %get3A_464 = arith.index_cast %get3A_463 : i32 to index
    %get3A_465 = arith.constant 16 : index
    %get3A_466 = tpu.vector_load %arg8[%get3A_464, %get3A_465] {strides = array<i32>} : memref<4x128xi32, #tpu.memory_space<vmem>>, vector<16xi32>,
    %and3A_467 = arith.constant 7 : i32
    %and3A_468 = vector.broadcast %and3A_467 : i32 to vector<16xi32>
    %and3A_469 = arith.andi %get3A_466, %and3A_468 : vector<16xi32>
    %gather3A_470 = arith.constant 1 : i32
    %gather3A_471 = arith.constant 0 : i32
    %gather3A_472 = arith.constant 0 : i32
    %gather3A_473 = tpu.memref_slice %arg10[%gather3A_470, %gather3A_471, %gather3A_472] : memref<4x128x8xf32, #tpu.memory_space<vmem>> -> memref<1x128x8xf32, #tpu.memory_space<vmem>>
    %gather3A_474 = tpu.memref_squeeze %gather3A_473 : memref<1x128x8xf32, #tpu.memory_space<vmem>> -> memref<128x8xf32, #tpu.memory_space<vmem>>
    %gather3A_475 = tpu.vector_load_idx %gather3A_474[%add3A_199, %and3A_469] : memref<128x8xf32, #tpu.memory_space<vmem>>[vector<16xi32>, vector<16xi32>], vector<16xf32>,
    %swap3A_476 = arith.constant 1 : i32
    %swap3A_477 = arith.index_cast %swap3A_476 : i32 to index
    %swap3A_478 = arith.constant 16 : index
    %swap3A_479 = tpu.vector_load %arg12[%swap3A_477, %swap3A_478] {strides = array<i32>} : memref<4x128xf32, #tpu.memory_space<vmem>>, vector<16xf32>,
    tpu.vector_store %arg12[%swap3A_477, %swap3A_478], %gather3A_475 {strides = array<i32>} : memref<4x128xf32, #tpu.memory_space<vmem>>, vector<16xf32>,
    %gather3A_480 = arith.constant 1 : i32
    %gather3A_481 = arith.constant 0 : i32
    %gather3A_482 = arith.constant 0 : i32
    %gather3A_483 = tpu.memref_slice %arg11[%gather3A_480, %gather3A_481, %gather3A_482] : memref<4x128x8xf32, #tpu.memory_space<vmem>> -> memref<1x128x8xf32, #tpu.memory_space<vmem>>
    %gather3A_484 = tpu.memref_squeeze %gather3A_483 : memref<1x128x8xf32, #tpu.memory_space<vmem>> -> memref<128x8xf32, #tpu.memory_space<vmem>>
    %gather3A_485 = tpu.vector_load_idx %gather3A_484[%add3A_199, %and3A_469] : memref<128x8xf32, #tpu.memory_space<vmem>>[vector<16xi32>, vector<16xi32>], vector<16xf32>,
    %swap3A_486 = arith.constant 1 : i32
    %swap3A_487 = arith.index_cast %swap3A_486 : i32 to index
    %swap3A_488 = arith.constant 16 : index
    %swap3A_489 = tpu.vector_load %arg13[%swap3A_487, %swap3A_488] {strides = array<i32>} : memref<4x128xf32, #tpu.memory_space<vmem>>, vector<16xf32>,
    tpu.vector_store %arg13[%swap3A_487, %swap3A_488], %gather3A_485 {strides = array<i32>} : memref<4x128xf32, #tpu.memory_space<vmem>>, vector<16xf32>,
    %get3A_490 = arith.constant 1 : i32
    %get3A_491 = arith.index_cast %get3A_490 : i32 to index
    %get3A_492 = arith.constant 32 : index
    %get3A_493 = tpu.vector_load %arg8[%get3A_491, %get3A_492] {strides = array<i32>} : memref<4x128xi32, #tpu.memory_space<vmem>>, vector<16xi32>,
    %and3A_494 = arith.constant 7 : i32
    %and3A_495 = vector.broadcast %and3A_494 : i32 to vector<16xi32>
    %and3A_496 = arith.andi %get3A_493, %and3A_495 : vector<16xi32>
    %gather3A_497 = arith.constant 1 : i32
    %gather3A_498 = arith.constant 0 : i32
    %gather3A_499 = arith.constant 0 : i32
    %gather3A_500 = tpu.memref_slice %arg10[%gather3A_497, %gather3A_498, %gather3A_499] : memref<4x128x8xf32, #tpu.memory_space<vmem>> -> memref<1x128x8xf32, #tpu.memory_space<vmem>>
    %gather3A_501 = tpu.memref_squeeze %gather3A_500 : memref<1x128x8xf32, #tpu.memory_space<vmem>> -> memref<128x8xf32, #tpu.memory_space<vmem>>
    %gather3A_502 = tpu.vector_load_idx %gather3A_501[%add3A_203, %and3A_496] : memref<128x8xf32, #tpu.memory_space<vmem>>[vector<16xi32>, vector<16xi32>], vector<16xf32>,
    %swap3A_503 = arith.constant 1 : i32
    %swap3A_504 = arith.index_cast %swap3A_503 : i32 to index
    %swap3A_505 = arith.constant 32 : index
    %swap3A_506 = tpu.vector_load %arg12[%swap3A_504, %swap3A_505] {strides = array<i32>} : memref<4x128xf32, #tpu.memory_space<vmem>>, vector<16xf32>,
    tpu.vector_store %arg12[%swap3A_504, %swap3A_505], %gather3A_502 {strides = array<i32>} : memref<4x128xf32, #tpu.memory_space<vmem>>, vector<16xf32>,
    %gather3A_507 = arith.constant 1 : i32
    %gather3A_508 = arith.constant 0 : i32
    %gather3A_509 = arith.constant 0 : i32
    %gather3A_510 = tpu.memref_slice %arg11[%gather3A_507, %gather3A_508, %gather3A_509] : memref<4x128x8xf32, #tpu.memory_space<vmem>> -> memref<1x128x8xf32, #tpu.memory_space<vmem>>
    %gather3A_511 = tpu.memref_squeeze %gather3A_510 : memref<1x128x8xf32, #tpu.memory_space<vmem>> -> memref<128x8xf32, #tpu.memory_space<vmem>>
    %gather3A_512 = tpu.vector_load_idx %gather3A_511[%add3A_203, %and3A_496] : memref<128x8xf32, #tpu.memory_space<vmem>>[vector<16xi32>, vector<16xi32>], vector<16xf32>,
    %swap3A_513 = arith.constant 1 : i32
    %swap3A_514 = arith.index_cast %swap3A_513 : i32 to index
    %swap3A_515 = arith.constant 32 : index
    %swap3A_516 = tpu.vector_load %arg13[%swap3A_514, %swap3A_515] {strides = array<i32>} : memref<4x128xf32, #tpu.memory_space<vmem>>, vector<16xf32>,
    tpu.vector_store %arg13[%swap3A_514, %swap3A_515], %gather3A_512 {strides = array<i32>} : memref<4x128xf32, #tpu.memory_space<vmem>>, vector<16xf32>,
    %get3A_517 = arith.constant 1 : i32
    %get3A_518 = arith.index_cast %get3A_517 : i32 to index
    %get3A_519 = arith.constant 48 : index
    %get3A_520 = tpu.vector_load %arg8[%get3A_518, %get3A_519] {strides = array<i32>} : memref<4x128xi32, #tpu.memory_space<vmem>>, vector<16xi32>,
    %and3A_521 = arith.constant 7 : i32
    %and3A_522 = vector.broadcast %and3A_521 : i32 to vector<16xi32>
    %and3A_523 = arith.andi %get3A_520, %and3A_522 : vector<16xi32>
    %gather3A_524 = arith.constant 1 : i32
    %gather3A_525 = arith.constant 0 : i32
    %gather3A_526 = arith.constant 0 : i32
    %gather3A_527 = tpu.memref_slice %arg10[%gather3A_524, %gather3A_525, %gather3A_526] : memref<4x128x8xf32, #tpu.memory_space<vmem>> -> memref<1x128x8xf32, #tpu.memory_space<vmem>>
    %gather3A_528 = tpu.memref_squeeze %gather3A_527 : memref<1x128x8xf32, #tpu.memory_space<vmem>> -> memref<128x8xf32, #tpu.memory_space<vmem>>
    %gather3A_529 = tpu.vector_load_idx %gather3A_528[%add3A_207, %and3A_523] : memref<128x8xf32, #tpu.memory_space<vmem>>[vector<16xi32>, vector<16xi32>], vector<16xf32>,
    %swap3A_530 = arith.constant 1 : i32
    %swap3A_531 = arith.index_cast %swap3A_530 : i32 to index
    %swap3A_532 = arith.constant 48 : index
    %swap3A_533 = tpu.vector_load %arg12[%swap3A_531, %swap3A_532] {strides = array<i32>} : memref<4x128xf32, #tpu.memory_space<vmem>>, vector<16xf32>,
    tpu.vector_store %arg12[%swap3A_531, %swap3A_532], %gather3A_529 {strides = array<i32>} : memref<4x128xf32, #tpu.memory_space<vmem>>, vector<16xf32>,
    %gather3A_534 = arith.constant 1 : i32
    %gather3A_535 = arith.constant 0 : i32
    %gather3A_536 = arith.constant 0 : i32
    %gather3A_537 = tpu.memref_slice %arg11[%gather3A_534, %gather3A_535, %gather3A_536] : memref<4x128x8xf32, #tpu.memory_space<vmem>> -> memref<1x128x8xf32, #tpu.memory_space<vmem>>
    %gather3A_538 = tpu.memref_squeeze %gather3A_537 : memref<1x128x8xf32, #tpu.memory_space<vmem>> -> memref<128x8xf32, #tpu.memory_space<vmem>>
    %gather3A_539 = tpu.vector_load_idx %gather3A_538[%add3A_207, %and3A_523] : memref<128x8xf32, #tpu.memory_space<vmem>>[vector<16xi32>, vector<16xi32>], vector<16xf32>,
    %swap3A_540 = arith.constant 1 : i32
    %swap3A_541 = arith.index_cast %swap3A_540 : i32 to index
    %swap3A_542 = arith.constant 48 : index
    %swap3A_543 = tpu.vector_load %arg13[%swap3A_541, %swap3A_542] {strides = array<i32>} : memref<4x128xf32, #tpu.memory_space<vmem>>, vector<16xf32>,
    tpu.vector_store %arg13[%swap3A_541, %swap3A_542], %gather3A_539 {strides = array<i32>} : memref<4x128xf32, #tpu.memory_space<vmem>>, vector<16xf32>,
    %get3A_544 = arith.constant 1 : i32
    %get3A_545 = arith.index_cast %get3A_544 : i32 to index
    %get3A_546 = arith.constant 64 : index
    %get3A_547 = tpu.vector_load %arg8[%get3A_545, %get3A_546] {strides = array<i32>} : memref<4x128xi32, #tpu.memory_space<vmem>>, vector<16xi32>,
    %and3A_548 = arith.constant 7 : i32
    %and3A_549 = vector.broadcast %and3A_548 : i32 to vector<16xi32>
    %and3A_550 = arith.andi %get3A_547, %and3A_549 : vector<16xi32>
    %gather3A_551 = arith.constant 1 : i32
    %gather3A_552 = arith.constant 0 : i32
    %gather3A_553 = arith.constant 0 : i32
    %gather3A_554 = tpu.memref_slice %arg10[%gather3A_551, %gather3A_552, %gather3A_553] : memref<4x128x8xf32, #tpu.memory_space<vmem>> -> memref<1x128x8xf32, #tpu.memory_space<vmem>>
    %gather3A_555 = tpu.memref_squeeze %gather3A_554 : memref<1x128x8xf32, #tpu.memory_space<vmem>> -> memref<128x8xf32, #tpu.memory_space<vmem>>
    %gather3A_556 = tpu.vector_load_idx %gather3A_555[%add3A_211, %and3A_550] : memref<128x8xf32, #tpu.memory_space<vmem>>[vector<16xi32>, vector<16xi32>], vector<16xf32>,
    %swap3A_557 = arith.constant 1 : i32
    %swap3A_558 = arith.index_cast %swap3A_557 : i32 to index
    %swap3A_559 = arith.constant 64 : index
    %swap3A_560 = tpu.vector_load %arg12[%swap3A_558, %swap3A_559] {strides = array<i32>} : memref<4x128xf32, #tpu.memory_space<vmem>>, vector<16xf32>,
    tpu.vector_store %arg12[%swap3A_558, %swap3A_559], %gather3A_556 {strides = array<i32>} : memref<4x128xf32, #tpu.memory_space<vmem>>, vector<16xf32>,
    %gather3A_561 = arith.constant 1 : i32
    %gather3A_562 = arith.constant 0 : i32
    %gather3A_563 = arith.constant 0 : i32
    %gather3A_564 = tpu.memref_slice %arg11[%gather3A_561, %gather3A_562, %gather3A_563] : memref<4x128x8xf32, #tpu.memory_space<vmem>> -> memref<1x128x8xf32, #tpu.memory_space<vmem>>
    %gather3A_565 = tpu.memref_squeeze %gather3A_564 : memref<1x128x8xf32, #tpu.memory_space<vmem>> -> memref<128x8xf32, #tpu.memory_space<vmem>>
    %gather3A_566 = tpu.vector_load_idx %gather3A_565[%add3A_211, %and3A_550] : memref<128x8xf32, #tpu.memory_space<vmem>>[vector<16xi32>, vector<16xi32>], vector<16xf32>,
    %swap3A_567 = arith.constant 1 : i32
    %swap3A_568 = arith.index_cast %swap3A_567 : i32 to index
    %swap3A_569 = arith.constant 64 : index
    %swap3A_570 = tpu.vector_load %arg13[%swap3A_568, %swap3A_569] {strides = array<i32>} : memref<4x128xf32, #tpu.memory_space<vmem>>, vector<16xf32>,
    tpu.vector_store %arg13[%swap3A_568, %swap3A_569], %gather3A_566 {strides = array<i32>} : memref<4x128xf32, #tpu.memory_space<vmem>>, vector<16xf32>,
    %get3A_571 = arith.constant 1 : i32
    %get3A_572 = arith.index_cast %get3A_571 : i32 to index
    %get3A_573 = arith.constant 80 : index
    %get3A_574 = tpu.vector_load %arg8[%get3A_572, %get3A_573] {strides = array<i32>} : memref<4x128xi32, #tpu.memory_space<vmem>>, vector<16xi32>,
    %and3A_575 = arith.constant 7 : i32
    %and3A_576 = vector.broadcast %and3A_575 : i32 to vector<16xi32>
    %and3A_577 = arith.andi %get3A_574, %and3A_576 : vector<16xi32>
    %gather3A_578 = arith.constant 1 : i32
    %gather3A_579 = arith.constant 0 : i32
    %gather3A_580 = arith.constant 0 : i32
    %gather3A_581 = tpu.memref_slice %arg10[%gather3A_578, %gather3A_579, %gather3A_580] : memref<4x128x8xf32, #tpu.memory_space<vmem>> -> memref<1x128x8xf32, #tpu.memory_space<vmem>>
    %gather3A_582 = tpu.memref_squeeze %gather3A_581 : memref<1x128x8xf32, #tpu.memory_space<vmem>> -> memref<128x8xf32, #tpu.memory_space<vmem>>
    %gather3A_583 = tpu.vector_load_idx %gather3A_582[%add3A_215, %and3A_577] : memref<128x8xf32, #tpu.memory_space<vmem>>[vector<16xi32>, vector<16xi32>], vector<16xf32>,
    %swap3A_584 = arith.constant 1 : i32
    %swap3A_585 = arith.index_cast %swap3A_584 : i32 to index
    %swap3A_586 = arith.constant 80 : index
    %swap3A_587 = tpu.vector_load %arg12[%swap3A_585, %swap3A_586] {strides = array<i32>} : memref<4x128xf32, #tpu.memory_space<vmem>>, vector<16xf32>,
    tpu.vector_store %arg12[%swap3A_585, %swap3A_586], %gather3A_583 {strides = array<i32>} : memref<4x128xf32, #tpu.memory_space<vmem>>, vector<16xf32>,
    %gather3A_588 = arith.constant 1 : i32
    %gather3A_589 = arith.constant 0 : i32
    %gather3A_590 = arith.constant 0 : i32
    %gather3A_591 = tpu.memref_slice %arg11[%gather3A_588, %gather3A_589, %gather3A_590] : memref<4x128x8xf32, #tpu.memory_space<vmem>> -> memref<1x128x8xf32, #tpu.memory_space<vmem>>
    %gather3A_592 = tpu.memref_squeeze %gather3A_591 : memref<1x128x8xf32, #tpu.memory_space<vmem>> -> memref<128x8xf32, #tpu.memory_space<vmem>>
    %gather3A_593 = tpu.vector_load_idx %gather3A_592[%add3A_215, %and3A_577] : memref<128x8xf32, #tpu.memory_space<vmem>>[vector<16xi32>, vector<16xi32>], vector<16xf32>,
    %swap3A_594 = arith.constant 1 : i32
    %swap3A_595 = arith.index_cast %swap3A_594 : i32 to index
    %swap3A_596 = arith.constant 80 : index
    %swap3A_597 = tpu.vector_load %arg13[%swap3A_595, %swap3A_596] {strides = array<i32>} : memref<4x128xf32, #tpu.memory_space<vmem>>, vector<16xf32>,
    tpu.vector_store %arg13[%swap3A_595, %swap3A_596], %gather3A_593 {strides = array<i32>} : memref<4x128xf32, #tpu.memory_space<vmem>>, vector<16xf32>,
    %get3A_598 = arith.constant 1 : i32
    %get3A_599 = arith.index_cast %get3A_598 : i32 to index
    %get3A_600 = arith.constant 96 : index
    %get3A_601 = tpu.vector_load %arg8[%get3A_599, %get3A_600] {strides = array<i32>} : memref<4x128xi32, #tpu.memory_space<vmem>>, vector<16xi32>,
    %and3A_602 = arith.constant 7 : i32
    %and3A_603 = vector.broadcast %and3A_602 : i32 to vector<16xi32>
    %and3A_604 = arith.andi %get3A_601, %and3A_603 : vector<16xi32>
    %gather3A_605 = arith.constant 1 : i32
    %gather3A_606 = arith.constant 0 : i32
    %gather3A_607 = arith.constant 0 : i32
    %gather3A_608 = tpu.memref_slice %arg10[%gather3A_605, %gather3A_606, %gather3A_607] : memref<4x128x8xf32, #tpu.memory_space<vmem>> -> memref<1x128x8xf32, #tpu.memory_space<vmem>>
    %gather3A_609 = tpu.memref_squeeze %gather3A_608 : memref<1x128x8xf32, #tpu.memory_space<vmem>> -> memref<128x8xf32, #tpu.memory_space<vmem>>
    %gather3A_610 = tpu.vector_load_idx %gather3A_609[%add3A_219, %and3A_604] : memref<128x8xf32, #tpu.memory_space<vmem>>[vector<16xi32>, vector<16xi32>], vector<16xf32>,
    %swap3A_611 = arith.constant 1 : i32
    %swap3A_612 = arith.index_cast %swap3A_611 : i32 to index
    %swap3A_613 = arith.constant 96 : index
    %swap3A_614 = tpu.vector_load %arg12[%swap3A_612, %swap3A_613] {strides = array<i32>} : memref<4x128xf32, #tpu.memory_space<vmem>>, vector<16xf32>,
    tpu.vector_store %arg12[%swap3A_612, %swap3A_613], %gather3A_610 {strides = array<i32>} : memref<4x128xf32, #tpu.memory_space<vmem>>, vector<16xf32>,
    %gather3A_615 = arith.constant 1 : i32
    %gather3A_616 = arith.constant 0 : i32
    %gather3A_617 = arith.constant 0 : i32
    %gather3A_618 = tpu.memref_slice %arg11[%gather3A_615, %gather3A_616, %gather3A_617] : memref<4x128x8xf32, #tpu.memory_space<vmem>> -> memref<1x128x8xf32, #tpu.memory_space<vmem>>
    %gather3A_619 = tpu.memref_squeeze %gather3A_618 : memref<1x128x8xf32, #tpu.memory_space<vmem>> -> memref<128x8xf32, #tpu.memory_space<vmem>>
    %gather3A_620 = tpu.vector_load_idx %gather3A_619[%add3A_219, %and3A_604] : memref<128x8xf32, #tpu.memory_space<vmem>>[vector<16xi32>, vector<16xi32>], vector<16xf32>,
    %swap3A_621 = arith.constant 1 : i32
    %swap3A_622 = arith.index_cast %swap3A_621 : i32 to index
    %swap3A_623 = arith.constant 96 : index
    %swap3A_624 = tpu.vector_load %arg13[%swap3A_622, %swap3A_623] {strides = array<i32>} : memref<4x128xf32, #tpu.memory_space<vmem>>, vector<16xf32>,
    tpu.vector_store %arg13[%swap3A_622, %swap3A_623], %gather3A_620 {strides = array<i32>} : memref<4x128xf32, #tpu.memory_space<vmem>>, vector<16xf32>,
    %get3A_625 = arith.constant 1 : i32
    %get3A_626 = arith.index_cast %get3A_625 : i32 to index
    %get3A_627 = arith.constant 112 : index
    %get3A_628 = tpu.vector_load %arg8[%get3A_626, %get3A_627] {strides = array<i32>} : memref<4x128xi32, #tpu.memory_space<vmem>>, vector<16xi32>,
    %and3A_629 = arith.constant 7 : i32
    %and3A_630 = vector.broadcast %and3A_629 : i32 to vector<16xi32>
    %and3A_631 = arith.andi %get3A_628, %and3A_630 : vector<16xi32>
    %gather3A_632 = arith.constant 1 : i32
    %gather3A_633 = arith.constant 0 : i32
    %gather3A_634 = arith.constant 0 : i32
    %gather3A_635 = tpu.memref_slice %arg10[%gather3A_632, %gather3A_633, %gather3A_634] : memref<4x128x8xf32, #tpu.memory_space<vmem>> -> memref<1x128x8xf32, #tpu.memory_space<vmem>>
    %gather3A_636 = tpu.memref_squeeze %gather3A_635 : memref<1x128x8xf32, #tpu.memory_space<vmem>> -> memref<128x8xf32, #tpu.memory_space<vmem>>
    %gather3A_637 = tpu.vector_load_idx %gather3A_636[%add3A_223, %and3A_631] : memref<128x8xf32, #tpu.memory_space<vmem>>[vector<16xi32>, vector<16xi32>], vector<16xf32>,
    %swap3A_638 = arith.constant 1 : i32
    %swap3A_639 = arith.index_cast %swap3A_638 : i32 to index
    %swap3A_640 = arith.constant 112 : index
    %swap3A_641 = tpu.vector_load %arg12[%swap3A_639, %swap3A_640] {strides = array<i32>} : memref<4x128xf32, #tpu.memory_space<vmem>>, vector<16xf32>,
    tpu.vector_store %arg12[%swap3A_639, %swap3A_640], %gather3A_637 {strides = array<i32>} : memref<4x128xf32, #tpu.memory_space<vmem>>, vector<16xf32>,
    %gather3A_642 = arith.constant 1 : i32
    %gather3A_643 = arith.constant 0 : i32
    %gather3A_644 = arith.constant 0 : i32
    %gather3A_645 = tpu.memref_slice %arg11[%gather3A_642, %gather3A_643, %gather3A_644] : memref<4x128x8xf32, #tpu.memory_space<vmem>> -> memref<1x128x8xf32, #tpu.memory_space<vmem>>
    %gather3A_646 = tpu.memref_squeeze %gather3A_645 : memref<1x128x8xf32, #tpu.memory_space<vmem>> -> memref<128x8xf32, #tpu.memory_space<vmem>>
    %gather3A_647 = tpu.vector_load_idx %gather3A_646[%add3A_223, %and3A_631] : memref<128x8xf32, #tpu.memory_space<vmem>>[vector<16xi32>, vector<16xi32>], vector<16xf32>,
    %swap3A_648 = arith.constant 1 : i32
    %swap3A_649 = arith.index_cast %swap3A_648 : i32 to index
    %swap3A_650 = arith.constant 112 : index
    %swap3A_651 = tpu.vector_load %arg13[%swap3A_649, %swap3A_650] {strides = array<i32>} : memref<4x128xf32, #tpu.memory_space<vmem>>, vector<16xf32>,
    tpu.vector_store %arg13[%swap3A_649, %swap3A_650], %gather3A_647 {strides = array<i32>} : memref<4x128xf32, #tpu.memory_space<vmem>>, vector<16xf32>,
    %get3A_652 = arith.constant 2 : i32
    %get3A_653 = arith.index_cast %get3A_652 : i32 to index
    %get3A_654 = arith.constant 0 : index
    %get3A_655 = tpu.vector_load %arg8[%get3A_653, %get3A_654] {strides = array<i32>} : memref<4x128xi32, #tpu.memory_space<vmem>>, vector<16xi32>,
    %and3A_656 = arith.constant 7 : i32
    %and3A_657 = vector.broadcast %and3A_656 : i32 to vector<16xi32>
    %and3A_658 = arith.andi %get3A_655, %and3A_657 : vector<16xi32>
    %gather3A_659 = arith.constant 2 : i32
    %gather3A_660 = arith.constant 0 : i32
    %gather3A_661 = arith.constant 0 : i32
    %gather3A_662 = tpu.memref_slice %arg10[%gather3A_659, %gather3A_660, %gather3A_661] : memref<4x128x8xf32, #tpu.memory_space<vmem>> -> memref<1x128x8xf32, #tpu.memory_space<vmem>>
    %gather3A_663 = tpu.memref_squeeze %gather3A_662 : memref<1x128x8xf32, #tpu.memory_space<vmem>> -> memref<128x8xf32, #tpu.memory_space<vmem>>
    %gather3A_664 = tpu.vector_load_idx %gather3A_663[%add3A_195, %and3A_658] : memref<128x8xf32, #tpu.memory_space<vmem>>[vector<16xi32>, vector<16xi32>], vector<16xf32>,
    %swap3A_665 = arith.constant 2 : i32
    %swap3A_666 = arith.index_cast %swap3A_665 : i32 to index
    %swap3A_667 = arith.constant 0 : index
    %swap3A_668 = tpu.vector_load %arg12[%swap3A_666, %swap3A_667] {strides = array<i32>} : memref<4x128xf32, #tpu.memory_space<vmem>>, vector<16xf32>,
    tpu.vector_store %arg12[%swap3A_666, %swap3A_667], %gather3A_664 {strides = array<i32>} : memref<4x128xf32, #tpu.memory_space<vmem>>, vector<16xf32>,
    %gather3A_669 = arith.constant 2 : i32
    %gather3A_670 = arith.constant 0 : i32
    %gather3A_671 = arith.constant 0 : i32
    %gather3A_672 = tpu.memref_slice %arg11[%gather3A_669, %gather3A_670, %gather3A_671] : memref<4x128x8xf32, #tpu.memory_space<vmem>> -> memref<1x128x8xf32, #tpu.memory_space<vmem>>
    %gather3A_673 = tpu.memref_squeeze %gather3A_672 : memref<1x128x8xf32, #tpu.memory_space<vmem>> -> memref<128x8xf32, #tpu.memory_space<vmem>>
    %gather3A_674 = tpu.vector_load_idx %gather3A_673[%add3A_195, %and3A_658] : memref<128x8xf32, #tpu.memory_space<vmem>>[vector<16xi32>, vector<16xi32>], vector<16xf32>,
    %swap3A_675 = arith.constant 2 : i32
    %swap3A_676 = arith.index_cast %swap3A_675 : i32 to index
    %swap3A_677 = arith.constant 0 : index
    %swap3A_678 = tpu.vector_load %arg13[%swap3A_676, %swap3A_677] {strides = array<i32>} : memref<4x128xf32, #tpu.memory_space<vmem>>, vector<16xf32>,
    tpu.vector_store %arg13[%swap3A_676, %swap3A_677], %gather3A_674 {strides = array<i32>} : memref<4x128xf32, #tpu.memory_space<vmem>>, vector<16xf32>,
    %get3A_679 = arith.constant 2 : i32
    %get3A_680 = arith.index_cast %get3A_679 : i32 to index
    %get3A_681 = arith.constant 16 : index
    %get3A_682 = tpu.vector_load %arg8[%get3A_680, %get3A_681] {strides = array<i32>} : memref<4x128xi32, #tpu.memory_space<vmem>>, vector<16xi32>,
    %and3A_683 = arith.constant 7 : i32
    %and3A_684 = vector.broadcast %and3A_683 : i32 to vector<16xi32>
    %and3A_685 = arith.andi %get3A_682, %and3A_684 : vector<16xi32>
    %gather3A_686 = arith.constant 2 : i32
    %gather3A_687 = arith.constant 0 : i32
    %gather3A_688 = arith.constant 0 : i32
    %gather3A_689 = tpu.memref_slice %arg10[%gather3A_686, %gather3A_687, %gather3A_688] : memref<4x128x8xf32, #tpu.memory_space<vmem>> -> memref<1x128x8xf32, #tpu.memory_space<vmem>>
    %gather3A_690 = tpu.memref_squeeze %gather3A_689 : memref<1x128x8xf32, #tpu.memory_space<vmem>> -> memref<128x8xf32, #tpu.memory_space<vmem>>
    %gather3A_691 = tpu.vector_load_idx %gather3A_690[%add3A_199, %and3A_685] : memref<128x8xf32, #tpu.memory_space<vmem>>[vector<16xi32>, vector<16xi32>], vector<16xf32>,
    %swap3A_692 = arith.constant 2 : i32
    %swap3A_693 = arith.index_cast %swap3A_692 : i32 to index
    %swap3A_694 = arith.constant 16 : index
    %swap3A_695 = tpu.vector_load %arg12[%swap3A_693, %swap3A_694] {strides = array<i32>} : memref<4x128xf32, #tpu.memory_space<vmem>>, vector<16xf32>,
    tpu.vector_store %arg12[%swap3A_693, %swap3A_694], %gather3A_691 {strides = array<i32>} : memref<4x128xf32, #tpu.memory_space<vmem>>, vector<16xf32>,
    %gather3A_696 = arith.constant 2 : i32
    %gather3A_697 = arith.constant 0 : i32
    %gather3A_698 = arith.constant 0 : i32
    %gather3A_699 = tpu.memref_slice %arg11[%gather3A_696, %gather3A_697, %gather3A_698] : memref<4x128x8xf32, #tpu.memory_space<vmem>> -> memref<1x128x8xf32, #tpu.memory_space<vmem>>
    %gather3A_700 = tpu.memref_squeeze %gather3A_699 : memref<1x128x8xf32, #tpu.memory_space<vmem>> -> memref<128x8xf32, #tpu.memory_space<vmem>>
    %gather3A_701 = tpu.vector_load_idx %gather3A_700[%add3A_199, %and3A_685] : memref<128x8xf32, #tpu.memory_space<vmem>>[vector<16xi32>, vector<16xi32>], vector<16xf32>,
    %swap3A_702 = arith.constant 2 : i32
    %swap3A_703 = arith.index_cast %swap3A_702 : i32 to index
    %swap3A_704 = arith.constant 16 : index
    %swap3A_705 = tpu.vector_load %arg13[%swap3A_703, %swap3A_704] {strides = array<i32>} : memref<4x128xf32, #tpu.memory_space<vmem>>, vector<16xf32>,
    tpu.vector_store %arg13[%swap3A_703, %swap3A_704], %gather3A_701 {strides = array<i32>} : memref<4x128xf32, #tpu.memory_space<vmem>>, vector<16xf32>,
    %get3A_706 = arith.constant 2 : i32
    %get3A_707 = arith.index_cast %get3A_706 : i32 to index
    %get3A_708 = arith.constant 32 : index
    %get3A_709 = tpu.vector_load %arg8[%get3A_707, %get3A_708] {strides = array<i32>} : memref<4x128xi32, #tpu.memory_space<vmem>>, vector<16xi32>,
    %and3A_710 = arith.constant 7 : i32
    %and3A_711 = vector.broadcast %and3A_710 : i32 to vector<16xi32>
    %and3A_712 = arith.andi %get3A_709, %and3A_711 : vector<16xi32>
    %gather3A_713 = arith.constant 2 : i32
    %gather3A_714 = arith.constant 0 : i32
    %gather3A_715 = arith.constant 0 : i32
    %gather3A_716 = tpu.memref_slice %arg10[%gather3A_713, %gather3A_714, %gather3A_715] : memref<4x128x8xf32, #tpu.memory_space<vmem>> -> memref<1x128x8xf32, #tpu.memory_space<vmem>>
    %gather3A_717 = tpu.memref_squeeze %gather3A_716 : memref<1x128x8xf32, #tpu.memory_space<vmem>> -> memref<128x8xf32, #tpu.memory_space<vmem>>
    %gather3A_718 = tpu.vector_load_idx %gather3A_717[%add3A_203, %and3A_712] : memref<128x8xf32, #tpu.memory_space<vmem>>[vector<16xi32>, vector<16xi32>], vector<16xf32>,
    %swap3A_719 = arith.constant 2 : i32
    %swap3A_720 = arith.index_cast %swap3A_719 : i32 to index
    %swap3A_721 = arith.constant 32 : index
    %swap3A_722 = tpu.vector_load %arg12[%swap3A_720, %swap3A_721] {strides = array<i32>} : memref<4x128xf32, #tpu.memory_space<vmem>>, vector<16xf32>,
    tpu.vector_store %arg12[%swap3A_720, %swap3A_721], %gather3A_718 {strides = array<i32>} : memref<4x128xf32, #tpu.memory_space<vmem>>, vector<16xf32>,
    %gather3A_723 = arith.constant 2 : i32
    %gather3A_724 = arith.constant 0 : i32
    %gather3A_725 = arith.constant 0 : i32
    %gather3A_726 = tpu.memref_slice %arg11[%gather3A_723, %gather3A_724, %gather3A_725] : memref<4x128x8xf32, #tpu.memory_space<vmem>> -> memref<1x128x8xf32, #tpu.memory_space<vmem>>
    %gather3A_727 = tpu.memref_squeeze %gather3A_726 : memref<1x128x8xf32, #tpu.memory_space<vmem>> -> memref<128x8xf32, #tpu.memory_space<vmem>>
    %gather3A_728 = tpu.vector_load_idx %gather3A_727[%add3A_203, %and3A_712] : memref<128x8xf32, #tpu.memory_space<vmem>>[vector<16xi32>, vector<16xi32>], vector<16xf32>,
    %swap3A_729 = arith.constant 2 : i32
    %swap3A_730 = arith.index_cast %swap3A_729 : i32 to index
    %swap3A_731 = arith.constant 32 : index
    %swap3A_732 = tpu.vector_load %arg13[%swap3A_730, %swap3A_731] {strides = array<i32>} : memref<4x128xf32, #tpu.memory_space<vmem>>, vector<16xf32>,
    tpu.vector_store %arg13[%swap3A_730, %swap3A_731], %gather3A_728 {strides = array<i32>} : memref<4x128xf32, #tpu.memory_space<vmem>>, vector<16xf32>,
    %get3A_733 = arith.constant 2 : i32
    %get3A_734 = arith.index_cast %get3A_733 : i32 to index
    %get3A_735 = arith.constant 48 : index
    %get3A_736 = tpu.vector_load %arg8[%get3A_734, %get3A_735] {strides = array<i32>} : memref<4x128xi32, #tpu.memory_space<vmem>>, vector<16xi32>,
    %and3A_737 = arith.constant 7 : i32
    %and3A_738 = vector.broadcast %and3A_737 : i32 to vector<16xi32>
    %and3A_739 = arith.andi %get3A_736, %and3A_738 : vector<16xi32>
    %gather3A_740 = arith.constant 2 : i32
    %gather3A_741 = arith.constant 0 : i32
    %gather3A_742 = arith.constant 0 : i32
    %gather3A_743 = tpu.memref_slice %arg10[%gather3A_740, %gather3A_741, %gather3A_742] : memref<4x128x8xf32, #tpu.memory_space<vmem>> -> memref<1x128x8xf32, #tpu.memory_space<vmem>>
    %gather3A_744 = tpu.memref_squeeze %gather3A_743 : memref<1x128x8xf32, #tpu.memory_space<vmem>> -> memref<128x8xf32, #tpu.memory_space<vmem>>
    %gather3A_745 = tpu.vector_load_idx %gather3A_744[%add3A_207, %and3A_739] : memref<128x8xf32, #tpu.memory_space<vmem>>[vector<16xi32>, vector<16xi32>], vector<16xf32>,
    %swap3A_746 = arith.constant 2 : i32
    %swap3A_747 = arith.index_cast %swap3A_746 : i32 to index
    %swap3A_748 = arith.constant 48 : index
    %swap3A_749 = tpu.vector_load %arg12[%swap3A_747, %swap3A_748] {strides = array<i32>} : memref<4x128xf32, #tpu.memory_space<vmem>>, vector<16xf32>,
    tpu.vector_store %arg12[%swap3A_747, %swap3A_748], %gather3A_745 {strides = array<i32>} : memref<4x128xf32, #tpu.memory_space<vmem>>, vector<16xf32>,
    %gather3A_750 = arith.constant 2 : i32
    %gather3A_751 = arith.constant 0 : i32
    %gather3A_752 = arith.constant 0 : i32
    %gather3A_753 = tpu.memref_slice %arg11[%gather3A_750, %gather3A_751, %gather3A_752] : memref<4x128x8xf32, #tpu.memory_space<vmem>> -> memref<1x128x8xf32, #tpu.memory_space<vmem>>
    %gather3A_754 = tpu.memref_squeeze %gather3A_753 : memref<1x128x8xf32, #tpu.memory_space<vmem>> -> memref<128x8xf32, #tpu.memory_space<vmem>>
    %gather3A_755 = tpu.vector_load_idx %gather3A_754[%add3A_207, %and3A_739] : memref<128x8xf32, #tpu.memory_space<vmem>>[vector<16xi32>, vector<16xi32>], vector<16xf32>,
    %swap3A_756 = arith.constant 2 : i32
    %swap3A_757 = arith.index_cast %swap3A_756 : i32 to index
    %swap3A_758 = arith.constant 48 : index
    %swap3A_759 = tpu.vector_load %arg13[%swap3A_757, %swap3A_758] {strides = array<i32>} : memref<4x128xf32, #tpu.memory_space<vmem>>, vector<16xf32>,
    tpu.vector_store %arg13[%swap3A_757, %swap3A_758], %gather3A_755 {strides = array<i32>} : memref<4x128xf32, #tpu.memory_space<vmem>>, vector<16xf32>,
    %get3A_760 = arith.constant 2 : i32
    %get3A_761 = arith.index_cast %get3A_760 : i32 to index
    %get3A_762 = arith.constant 64 : index
    %get3A_763 = tpu.vector_load %arg8[%get3A_761, %get3A_762] {strides = array<i32>} : memref<4x128xi32, #tpu.memory_space<vmem>>, vector<16xi32>,
    %and3A_764 = arith.constant 7 : i32
    %and3A_765 = vector.broadcast %and3A_764 : i32 to vector<16xi32>
    %and3A_766 = arith.andi %get3A_763, %and3A_765 : vector<16xi32>
    %gather3A_767 = arith.constant 2 : i32
    %gather3A_768 = arith.constant 0 : i32
    %gather3A_769 = arith.constant 0 : i32
    %gather3A_770 = tpu.memref_slice %arg10[%gather3A_767, %gather3A_768, %gather3A_769] : memref<4x128x8xf32, #tpu.memory_space<vmem>> -> memref<1x128x8xf32, #tpu.memory_space<vmem>>
    %gather3A_771 = tpu.memref_squeeze %gather3A_770 : memref<1x128x8xf32, #tpu.memory_space<vmem>> -> memref<128x8xf32, #tpu.memory_space<vmem>>
    %gather3A_772 = tpu.vector_load_idx %gather3A_771[%add3A_211, %and3A_766] : memref<128x8xf32, #tpu.memory_space<vmem>>[vector<16xi32>, vector<16xi32>], vector<16xf32>,
    %swap3A_773 = arith.constant 2 : i32
    %swap3A_774 = arith.index_cast %swap3A_773 : i32 to index
    %swap3A_775 = arith.constant 64 : index
    %swap3A_776 = tpu.vector_load %arg12[%swap3A_774, %swap3A_775] {strides = array<i32>} : memref<4x128xf32, #tpu.memory_space<vmem>>, vector<16xf32>,
    tpu.vector_store %arg12[%swap3A_774, %swap3A_775], %gather3A_772 {strides = array<i32>} : memref<4x128xf32, #tpu.memory_space<vmem>>, vector<16xf32>,
    %gather3A_777 = arith.constant 2 : i32
    %gather3A_778 = arith.constant 0 : i32
    %gather3A_779 = arith.constant 0 : i32
    %gather3A_780 = tpu.memref_slice %arg11[%gather3A_777, %gather3A_778, %gather3A_779] : memref<4x128x8xf32, #tpu.memory_space<vmem>> -> memref<1x128x8xf32, #tpu.memory_space<vmem>>
    %gather3A_781 = tpu.memref_squeeze %gather3A_780 : memref<1x128x8xf32, #tpu.memory_space<vmem>> -> memref<128x8xf32, #tpu.memory_space<vmem>>
    %gather3A_782 = tpu.vector_load_idx %gather3A_781[%add3A_211, %and3A_766] : memref<128x8xf32, #tpu.memory_space<vmem>>[vector<16xi32>, vector<16xi32>], vector<16xf32>,
    %swap3A_783 = arith.constant 2 : i32
    %swap3A_784 = arith.index_cast %swap3A_783 : i32 to index
    %swap3A_785 = arith.constant 64 : index
    %swap3A_786 = tpu.vector_load %arg13[%swap3A_784, %swap3A_785] {strides = array<i32>} : memref<4x128xf32, #tpu.memory_space<vmem>>, vector<16xf32>,
    tpu.vector_store %arg13[%swap3A_784, %swap3A_785], %gather3A_782 {strides = array<i32>} : memref<4x128xf32, #tpu.memory_space<vmem>>, vector<16xf32>,
    %get3A_787 = arith.constant 2 : i32
    %get3A_788 = arith.index_cast %get3A_787 : i32 to index
    %get3A_789 = arith.constant 80 : index
    %get3A_790 = tpu.vector_load %arg8[%get3A_788, %get3A_789] {strides = array<i32>} : memref<4x128xi32, #tpu.memory_space<vmem>>, vector<16xi32>,
    %and3A_791 = arith.constant 7 : i32
    %and3A_792 = vector.broadcast %and3A_791 : i32 to vector<16xi32>
    %and3A_793 = arith.andi %get3A_790, %and3A_792 : vector<16xi32>
    %gather3A_794 = arith.constant 2 : i32
    %gather3A_795 = arith.constant 0 : i32
    %gather3A_796 = arith.constant 0 : i32
    %gather3A_797 = tpu.memref_slice %arg10[%gather3A_794, %gather3A_795, %gather3A_796] : memref<4x128x8xf32, #tpu.memory_space<vmem>> -> memref<1x128x8xf32, #tpu.memory_space<vmem>>
    %gather3A_798 = tpu.memref_squeeze %gather3A_797 : memref<1x128x8xf32, #tpu.memory_space<vmem>> -> memref<128x8xf32, #tpu.memory_space<vmem>>
    %gather3A_799 = tpu.vector_load_idx %gather3A_798[%add3A_215, %and3A_793] : memref<128x8xf32, #tpu.memory_space<vmem>>[vector<16xi32>, vector<16xi32>], vector<16xf32>,
    %swap3A_800 = arith.constant 2 : i32
    %swap3A_801 = arith.index_cast %swap3A_800 : i32 to index
    %swap3A_802 = arith.constant 80 : index
    %swap3A_803 = tpu.vector_load %arg12[%swap3A_801, %swap3A_802] {strides = array<i32>} : memref<4x128xf32, #tpu.memory_space<vmem>>, vector<16xf32>,
    tpu.vector_store %arg12[%swap3A_801, %swap3A_802], %gather3A_799 {strides = array<i32>} : memref<4x128xf32, #tpu.memory_space<vmem>>, vector<16xf32>,
    %gather3A_804 = arith.constant 2 : i32
    %gather3A_805 = arith.constant 0 : i32
    %gather3A_806 = arith.constant 0 : i32
    %gather3A_807 = tpu.memref_slice %arg11[%gather3A_804, %gather3A_805, %gather3A_806] : memref<4x128x8xf32, #tpu.memory_space<vmem>> -> memref<1x128x8xf32, #tpu.memory_space<vmem>>
    %gather3A_808 = tpu.memref_squeeze %gather3A_807 : memref<1x128x8xf32, #tpu.memory_space<vmem>> -> memref<128x8xf32, #tpu.memory_space<vmem>>
    %gather3A_809 = tpu.vector_load_idx %gather3A_808[%add3A_215, %and3A_793] : memref<128x8xf32, #tpu.memory_space<vmem>>[vector<16xi32>, vector<16xi32>], vector<16xf32>,
    %swap3A_810 = arith.constant 2 : i32
    %swap3A_811 = arith.index_cast %swap3A_810 : i32 to index
    %swap3A_812 = arith.constant 80 : index
    %swap3A_813 = tpu.vector_load %arg13[%swap3A_811, %swap3A_812] {strides = array<i32>} : memref<4x128xf32, #tpu.memory_space<vmem>>, vector<16xf32>,
    tpu.vector_store %arg13[%swap3A_811, %swap3A_812], %gather3A_809 {strides = array<i32>} : memref<4x128xf32, #tpu.memory_space<vmem>>, vector<16xf32>,
    %get3A_814 = arith.constant 2 : i32
    %get3A_815 = arith.index_cast %get3A_814 : i32 to index
    %get3A_816 = arith.constant 96 : index
    %get3A_817 = tpu.vector_load %arg8[%get3A_815, %get3A_816] {strides = array<i32>} : memref<4x128xi32, #tpu.memory_space<vmem>>, vector<16xi32>,
    %and3A_818 = arith.constant 7 : i32
    %and3A_819 = vector.broadcast %and3A_818 : i32 to vector<16xi32>
    %and3A_820 = arith.andi %get3A_817, %and3A_819 : vector<16xi32>
    %gather3A_821 = arith.constant 2 : i32
    %gather3A_822 = arith.constant 0 : i32
    %gather3A_823 = arith.constant 0 : i32
    %gather3A_824 = tpu.memref_slice %arg10[%gather3A_821, %gather3A_822, %gather3A_823] : memref<4x128x8xf32, #tpu.memory_space<vmem>> -> memref<1x128x8xf32, #tpu.memory_space<vmem>>
    %gather3A_825 = tpu.memref_squeeze %gather3A_824 : memref<1x128x8xf32, #tpu.memory_space<vmem>> -> memref<128x8xf32, #tpu.memory_space<vmem>>
    %gather3A_826 = tpu.vector_load_idx %gather3A_825[%add3A_219, %and3A_820] : memref<128x8xf32, #tpu.memory_space<vmem>>[vector<16xi32>, vector<16xi32>], vector<16xf32>,
    %swap3A_827 = arith.constant 2 : i32
    %swap3A_828 = arith.index_cast %swap3A_827 : i32 to index
    %swap3A_829 = arith.constant 96 : index
    %swap3A_830 = tpu.vector_load %arg12[%swap3A_828, %swap3A_829] {strides = array<i32>} : memref<4x128xf32, #tpu.memory_space<vmem>>, vector<16xf32>,
    tpu.vector_store %arg12[%swap3A_828, %swap3A_829], %gather3A_826 {strides = array<i32>} : memref<4x128xf32, #tpu.memory_space<vmem>>, vector<16xf32>,
    %gather3A_831 = arith.constant 2 : i32
    %gather3A_832 = arith.constant 0 : i32
    %gather3A_833 = arith.constant 0 : i32
    %gather3A_834 = tpu.memref_slice %arg11[%gather3A_831, %gather3A_832, %gather3A_833] : memref<4x128x8xf32, #tpu.memory_space<vmem>> -> memref<1x128x8xf32, #tpu.memory_space<vmem>>
    %gather3A_835 = tpu.memref_squeeze %gather3A_834 : memref<1x128x8xf32, #tpu.memory_space<vmem>> -> memref<128x8xf32, #tpu.memory_space<vmem>>
    %gather3A_836 = tpu.vector_load_idx %gather3A_835[%add3A_219, %and3A_820] : memref<128x8xf32, #tpu.memory_space<vmem>>[vector<16xi32>, vector<16xi32>], vector<16xf32>,
    %swap3A_837 = arith.constant 2 : i32
    %swap3A_838 = arith.index_cast %swap3A_837 : i32 to index
    %swap3A_839 = arith.constant 96 : index
    %swap3A_840 = tpu.vector_load %arg13[%swap3A_838, %swap3A_839] {strides = array<i32>} : memref<4x128xf32, #tpu.memory_space<vmem>>, vector<16xf32>,
    tpu.vector_store %arg13[%swap3A_838, %swap3A_839], %gather3A_836 {strides = array<i32>} : memref<4x128xf32, #tpu.memory_space<vmem>>, vector<16xf32>,
    %get3A_841 = arith.constant 2 : i32
    %get3A_842 = arith.index_cast %get3A_841 : i32 to index
    %get3A_843 = arith.constant 112 : index
    %get3A_844 = tpu.vector_load %arg8[%get3A_842, %get3A_843] {strides = array<i32>} : memref<4x128xi32, #tpu.memory_space<vmem>>, vector<16xi32>,
    %and3A_845 = arith.constant 7 : i32
    %and3A_846 = vector.broadcast %and3A_845 : i32 to vector<16xi32>
    %and3A_847 = arith.andi %get3A_844, %and3A_846 : vector<16xi32>
    %gather3A_848 = arith.constant 2 : i32
    %gather3A_849 = arith.constant 0 : i32
    %gather3A_850 = arith.constant 0 : i32
    %gather3A_851 = tpu.memref_slice %arg10[%gather3A_848, %gather3A_849, %gather3A_850] : memref<4x128x8xf32, #tpu.memory_space<vmem>> -> memref<1x128x8xf32, #tpu.memory_space<vmem>>
    %gather3A_852 = tpu.memref_squeeze %gather3A_851 : memref<1x128x8xf32, #tpu.memory_space<vmem>> -> memref<128x8xf32, #tpu.memory_space<vmem>>
    %gather3A_853 = tpu.vector_load_idx %gather3A_852[%add3A_223, %and3A_847] : memref<128x8xf32, #tpu.memory_space<vmem>>[vector<16xi32>, vector<16xi32>], vector<16xf32>,
    %swap3A_854 = arith.constant 2 : i32
    %swap3A_855 = arith.index_cast %swap3A_854 : i32 to index
    %swap3A_856 = arith.constant 112 : index
    %swap3A_857 = tpu.vector_load %arg12[%swap3A_855, %swap3A_856] {strides = array<i32>} : memref<4x128xf32, #tpu.memory_space<vmem>>, vector<16xf32>,
    tpu.vector_store %arg12[%swap3A_855, %swap3A_856], %gather3A_853 {strides = array<i32>} : memref<4x128xf32, #tpu.memory_space<vmem>>, vector<16xf32>,
    %gather3A_858 = arith.constant 2 : i32
    %gather3A_859 = arith.constant 0 : i32
    %gather3A_860 = arith.constant 0 : i32
    %gather3A_861 = tpu.memref_slice %arg11[%gather3A_858, %gather3A_859, %gather3A_860] : memref<4x128x8xf32, #tpu.memory_space<vmem>> -> memref<1x128x8xf32, #tpu.memory_space<vmem>>
    %gather3A_862 = tpu.memref_squeeze %gather3A_861 : memref<1x128x8xf32, #tpu.memory_space<vmem>> -> memref<128x8xf32, #tpu.memory_space<vmem>>
    %gather3A_863 = tpu.vector_load_idx %gather3A_862[%add3A_223, %and3A_847] : memref<128x8xf32, #tpu.memory_space<vmem>>[vector<16xi32>, vector<16xi32>], vector<16xf32>,
    %swap3A_864 = arith.constant 2 : i32
    %swap3A_865 = arith.index_cast %swap3A_864 : i32 to index
    %swap3A_866 = arith.constant 112 : index
    %swap3A_867 = tpu.vector_load %arg13[%swap3A_865, %swap3A_866] {strides = array<i32>} : memref<4x128xf32, #tpu.memory_space<vmem>>, vector<16xf32>,
    tpu.vector_store %arg13[%swap3A_865, %swap3A_866], %gather3A_863 {strides = array<i32>} : memref<4x128xf32, #tpu.memory_space<vmem>>, vector<16xf32>,
    %get3A_868 = arith.constant 3 : i32
    %get3A_869 = arith.index_cast %get3A_868 : i32 to index
    %get3A_870 = arith.constant 0 : index
    %get3A_871 = tpu.vector_load %arg8[%get3A_869, %get3A_870] {strides = array<i32>} : memref<4x128xi32, #tpu.memory_space<vmem>>, vector<16xi32>,
    %and3A_872 = arith.constant 7 : i32
    %and3A_873 = vector.broadcast %and3A_872 : i32 to vector<16xi32>
    %and3A_874 = arith.andi %get3A_871, %and3A_873 : vector<16xi32>
    %gather3A_875 = arith.constant 3 : i32
    %gather3A_876 = arith.constant 0 : i32
    %gather3A_877 = arith.constant 0 : i32
    %gather3A_878 = tpu.memref_slice %arg10[%gather3A_875, %gather3A_876, %gather3A_877] : memref<4x128x8xf32, #tpu.memory_space<vmem>> -> memref<1x128x8xf32, #tpu.memory_space<vmem>>
    %gather3A_879 = tpu.memref_squeeze %gather3A_878 : memref<1x128x8xf32, #tpu.memory_space<vmem>> -> memref<128x8xf32, #tpu.memory_space<vmem>>
    %gather3A_880 = tpu.vector_load_idx %gather3A_879[%add3A_195, %and3A_874] : memref<128x8xf32, #tpu.memory_space<vmem>>[vector<16xi32>, vector<16xi32>], vector<16xf32>,
    %swap3A_881 = arith.constant 3 : i32
    %swap3A_882 = arith.index_cast %swap3A_881 : i32 to index
    %swap3A_883 = arith.constant 0 : index
    %swap3A_884 = tpu.vector_load %arg12[%swap3A_882, %swap3A_883] {strides = array<i32>} : memref<4x128xf32, #tpu.memory_space<vmem>>, vector<16xf32>,
    tpu.vector_store %arg12[%swap3A_882, %swap3A_883], %gather3A_880 {strides = array<i32>} : memref<4x128xf32, #tpu.memory_space<vmem>>, vector<16xf32>,
    %gather3A_885 = arith.constant 3 : i32
    %gather3A_886 = arith.constant 0 : i32
    %gather3A_887 = arith.constant 0 : i32
    %gather3A_888 = tpu.memref_slice %arg11[%gather3A_885, %gather3A_886, %gather3A_887] : memref<4x128x8xf32, #tpu.memory_space<vmem>> -> memref<1x128x8xf32, #tpu.memory_space<vmem>>
    %gather3A_889 = tpu.memref_squeeze %gather3A_888 : memref<1x128x8xf32, #tpu.memory_space<vmem>> -> memref<128x8xf32, #tpu.memory_space<vmem>>
    %gather3A_890 = tpu.vector_load_idx %gather3A_889[%add3A_195, %and3A_874] : memref<128x8xf32, #tpu.memory_space<vmem>>[vector<16xi32>, vector<16xi32>], vector<16xf32>,
    %swap3A_891 = arith.constant 3 : i32
    %swap3A_892 = arith.index_cast %swap3A_891 : i32 to index
    %swap3A_893 = arith.constant 0 : index
    %swap3A_894 = tpu.vector_load %arg13[%swap3A_892, %swap3A_893] {strides = array<i32>} : memref<4x128xf32, #tpu.memory_space<vmem>>, vector<16xf32>,
    tpu.vector_store %arg13[%swap3A_892, %swap3A_893], %gather3A_890 {strides = array<i32>} : memref<4x128xf32, #tpu.memory_space<vmem>>, vector<16xf32>,
    %get3A_895 = arith.constant 3 : i32
    %get3A_896 = arith.index_cast %get3A_895 : i32 to index
    %get3A_897 = arith.constant 16 : index
    %get3A_898 = tpu.vector_load %arg8[%get3A_896, %get3A_897] {strides = array<i32>} : memref<4x128xi32, #tpu.memory_space<vmem>>, vector<16xi32>,
    %and3A_899 = arith.constant 7 : i32
    %and3A_900 = vector.broadcast %and3A_899 : i32 to vector<16xi32>
    %and3A_901 = arith.andi %get3A_898, %and3A_900 : vector<16xi32>
    %gather3A_902 = arith.constant 3 : i32
    %gather3A_903 = arith.constant 0 : i32
    %gather3A_904 = arith.constant 0 : i32
    %gather3A_905 = tpu.memref_slice %arg10[%gather3A_902, %gather3A_903, %gather3A_904] : memref<4x128x8xf32, #tpu.memory_space<vmem>> -> memref<1x128x8xf32, #tpu.memory_space<vmem>>
    %gather3A_906 = tpu.memref_squeeze %gather3A_905 : memref<1x128x8xf32, #tpu.memory_space<vmem>> -> memref<128x8xf32, #tpu.memory_space<vmem>>
    %gather3A_907 = tpu.vector_load_idx %gather3A_906[%add3A_199, %and3A_901] : memref<128x8xf32, #tpu.memory_space<vmem>>[vector<16xi32>, vector<16xi32>], vector<16xf32>,
    %swap3A_908 = arith.constant 3 : i32
    %swap3A_909 = arith.index_cast %swap3A_908 : i32 to index
    %swap3A_910 = arith.constant 16 : index
    %swap3A_911 = tpu.vector_load %arg12[%swap3A_909, %swap3A_910] {strides = array<i32>} : memref<4x128xf32, #tpu.memory_space<vmem>>, vector<16xf32>,
    tpu.vector_store %arg12[%swap3A_909, %swap3A_910], %gather3A_907 {strides = array<i32>} : memref<4x128xf32, #tpu.memory_space<vmem>>, vector<16xf32>,
    %gather3A_912 = arith.constant 3 : i32
    %gather3A_913 = arith.constant 0 : i32
    %gather3A_914 = arith.constant 0 : i32
    %gather3A_915 = tpu.memref_slice %arg11[%gather3A_912, %gather3A_913, %gather3A_914] : memref<4x128x8xf32, #tpu.memory_space<vmem>> -> memref<1x128x8xf32, #tpu.memory_space<vmem>>
    %gather3A_916 = tpu.memref_squeeze %gather3A_915 : memref<1x128x8xf32, #tpu.memory_space<vmem>> -> memref<128x8xf32, #tpu.memory_space<vmem>>
    %gather3A_917 = tpu.vector_load_idx %gather3A_916[%add3A_199, %and3A_901] : memref<128x8xf32, #tpu.memory_space<vmem>>[vector<16xi32>, vector<16xi32>], vector<16xf32>,
    %swap3A_918 = arith.constant 3 : i32
    %swap3A_919 = arith.index_cast %swap3A_918 : i32 to index
    %swap3A_920 = arith.constant 16 : index
    %swap3A_921 = tpu.vector_load %arg13[%swap3A_919, %swap3A_920] {strides = array<i32>} : memref<4x128xf32, #tpu.memory_space<vmem>>, vector<16xf32>,
    tpu.vector_store %arg13[%swap3A_919, %swap3A_920], %gather3A_917 {strides = array<i32>} : memref<4x128xf32, #tpu.memory_space<vmem>>, vector<16xf32>,
    %get3A_922 = arith.constant 3 : i32
    %get3A_923 = arith.index_cast %get3A_922 : i32 to index
    %get3A_924 = arith.constant 32 : index
    %get3A_925 = tpu.vector_load %arg8[%get3A_923, %get3A_924] {strides = array<i32>} : memref<4x128xi32, #tpu.memory_space<vmem>>, vector<16xi32>,
    %and3A_926 = arith.constant 7 : i32
    %and3A_927 = vector.broadcast %and3A_926 : i32 to vector<16xi32>
    %and3A_928 = arith.andi %get3A_925, %and3A_927 : vector<16xi32>
    %gather3A_929 = arith.constant 3 : i32
    %gather3A_930 = arith.constant 0 : i32
    %gather3A_931 = arith.constant 0 : i32
    %gather3A_932 = tpu.memref_slice %arg10[%gather3A_929, %gather3A_930, %gather3A_931] : memref<4x128x8xf32, #tpu.memory_space<vmem>> -> memref<1x128x8xf32, #tpu.memory_space<vmem>>
    %gather3A_933 = tpu.memref_squeeze %gather3A_932 : memref<1x128x8xf32, #tpu.memory_space<vmem>> -> memref<128x8xf32, #tpu.memory_space<vmem>>
    %gather3A_934 = tpu.vector_load_idx %gather3A_933[%add3A_203, %and3A_928] : memref<128x8xf32, #tpu.memory_space<vmem>>[vector<16xi32>, vector<16xi32>], vector<16xf32>,
    %swap3A_935 = arith.constant 3 : i32
    %swap3A_936 = arith.index_cast %swap3A_935 : i32 to index
    %swap3A_937 = arith.constant 32 : index
    %swap3A_938 = tpu.vector_load %arg12[%swap3A_936, %swap3A_937] {strides = array<i32>} : memref<4x128xf32, #tpu.memory_space<vmem>>, vector<16xf32>,
    tpu.vector_store %arg12[%swap3A_936, %swap3A_937], %gather3A_934 {strides = array<i32>} : memref<4x128xf32, #tpu.memory_space<vmem>>, vector<16xf32>,
    %gather3A_939 = arith.constant 3 : i32
    %gather3A_940 = arith.constant 0 : i32
    %gather3A_941 = arith.constant 0 : i32
    %gather3A_942 = tpu.memref_slice %arg11[%gather3A_939, %gather3A_940, %gather3A_941] : memref<4x128x8xf32, #tpu.memory_space<vmem>> -> memref<1x128x8xf32, #tpu.memory_space<vmem>>
    %gather3A_943 = tpu.memref_squeeze %gather3A_942 : memref<1x128x8xf32, #tpu.memory_space<vmem>> -> memref<128x8xf32, #tpu.memory_space<vmem>>
    %gather3A_944 = tpu.vector_load_idx %gather3A_943[%add3A_203, %and3A_928] : memref<128x8xf32, #tpu.memory_space<vmem>>[vector<16xi32>, vector<16xi32>], vector<16xf32>,
    %swap3A_945 = arith.constant 3 : i32
    %swap3A_946 = arith.index_cast %swap3A_945 : i32 to index
    %swap3A_947 = arith.constant 32 : index
    %swap3A_948 = tpu.vector_load %arg13[%swap3A_946, %swap3A_947] {strides = array<i32>} : memref<4x128xf32, #tpu.memory_space<vmem>>, vector<16xf32>,
    tpu.vector_store %arg13[%swap3A_946, %swap3A_947], %gather3A_944 {strides = array<i32>} : memref<4x128xf32, #tpu.memory_space<vmem>>, vector<16xf32>,
    %get3A_949 = arith.constant 3 : i32
    %get3A_950 = arith.index_cast %get3A_949 : i32 to index
    %get3A_951 = arith.constant 48 : index
    %get3A_952 = tpu.vector_load %arg8[%get3A_950, %get3A_951] {strides = array<i32>} : memref<4x128xi32, #tpu.memory_space<vmem>>, vector<16xi32>,
    %and3A_953 = arith.constant 7 : i32
    %and3A_954 = vector.broadcast %and3A_953 : i32 to vector<16xi32>
    %and3A_955 = arith.andi %get3A_952, %and3A_954 : vector<16xi32>
    %gather3A_956 = arith.constant 3 : i32
    %gather3A_957 = arith.constant 0 : i32
    %gather3A_958 = arith.constant 0 : i32
    %gather3A_959 = tpu.memref_slice %arg10[%gather3A_956, %gather3A_957, %gather3A_958] : memref<4x128x8xf32, #tpu.memory_space<vmem>> -> memref<1x128x8xf32, #tpu.memory_space<vmem>>
    %gather3A_960 = tpu.memref_squeeze %gather3A_959 : memref<1x128x8xf32, #tpu.memory_space<vmem>> -> memref<128x8xf32, #tpu.memory_space<vmem>>
    %gather3A_961 = tpu.vector_load_idx %gather3A_960[%add3A_207, %and3A_955] : memref<128x8xf32, #tpu.memory_space<vmem>>[vector<16xi32>, vector<16xi32>], vector<16xf32>,
    %swap3A_962 = arith.constant 3 : i32
    %swap3A_963 = arith.index_cast %swap3A_962 : i32 to index
    %swap3A_964 = arith.constant 48 : index
    %swap3A_965 = tpu.vector_load %arg12[%swap3A_963, %swap3A_964] {strides = array<i32>} : memref<4x128xf32, #tpu.memory_space<vmem>>, vector<16xf32>,
    tpu.vector_store %arg12[%swap3A_963, %swap3A_964], %gather3A_961 {strides = array<i32>} : memref<4x128xf32, #tpu.memory_space<vmem>>, vector<16xf32>,
    %gather3A_966 = arith.constant 3 : i32
    %gather3A_967 = arith.constant 0 : i32
    %gather3A_968 = arith.constant 0 : i32
    %gather3A_969 = tpu.memref_slice %arg11[%gather3A_966, %gather3A_967, %gather3A_968] : memref<4x128x8xf32, #tpu.memory_space<vmem>> -> memref<1x128x8xf32, #tpu.memory_space<vmem>>
    %gather3A_970 = tpu.memref_squeeze %gather3A_969 : memref<1x128x8xf32, #tpu.memory_space<vmem>> -> memref<128x8xf32, #tpu.memory_space<vmem>>
    %gather3A_971 = tpu.vector_load_idx %gather3A_970[%add3A_207, %and3A_955] : memref<128x8xf32, #tpu.memory_space<vmem>>[vector<16xi32>, vector<16xi32>], vector<16xf32>,
    %swap3A_972 = arith.constant 3 : i32
    %swap3A_973 = arith.index_cast %swap3A_972 : i32 to index
    %swap3A_974 = arith.constant 48 : index
    %swap3A_975 = tpu.vector_load %arg13[%swap3A_973, %swap3A_974] {strides = array<i32>} : memref<4x128xf32, #tpu.memory_space<vmem>>, vector<16xf32>,
    tpu.vector_store %arg13[%swap3A_973, %swap3A_974], %gather3A_971 {strides = array<i32>} : memref<4x128xf32, #tpu.memory_space<vmem>>, vector<16xf32>,
    %get3A_976 = arith.constant 3 : i32
    %get3A_977 = arith.index_cast %get3A_976 : i32 to index
    %get3A_978 = arith.constant 64 : index
    %get3A_979 = tpu.vector_load %arg8[%get3A_977, %get3A_978] {strides = array<i32>} : memref<4x128xi32, #tpu.memory_space<vmem>>, vector<16xi32>,
    %and3A_980 = arith.constant 7 : i32
    %and3A_981 = vector.broadcast %and3A_980 : i32 to vector<16xi32>
    %and3A_982 = arith.andi %get3A_979, %and3A_981 : vector<16xi32>
    %gather3A_983 = arith.constant 3 : i32
    %gather3A_984 = arith.constant 0 : i32
    %gather3A_985 = arith.constant 0 : i32
    %gather3A_986 = tpu.memref_slice %arg10[%gather3A_983, %gather3A_984, %gather3A_985] : memref<4x128x8xf32, #tpu.memory_space<vmem>> -> memref<1x128x8xf32, #tpu.memory_space<vmem>>
    %gather3A_987 = tpu.memref_squeeze %gather3A_986 : memref<1x128x8xf32, #tpu.memory_space<vmem>> -> memref<128x8xf32, #tpu.memory_space<vmem>>
    %gather3A_988 = tpu.vector_load_idx %gather3A_987[%add3A_211, %and3A_982] : memref<128x8xf32, #tpu.memory_space<vmem>>[vector<16xi32>, vector<16xi32>], vector<16xf32>,
    %swap3A_989 = arith.constant 3 : i32
    %swap3A_990 = arith.index_cast %swap3A_989 : i32 to index
    %swap3A_991 = arith.constant 64 : index
    %swap3A_992 = tpu.vector_load %arg12[%swap3A_990, %swap3A_991] {strides = array<i32>} : memref<4x128xf32, #tpu.memory_space<vmem>>, vector<16xf32>,
    tpu.vector_store %arg12[%swap3A_990, %swap3A_991], %gather3A_988 {strides = array<i32>} : memref<4x128xf32, #tpu.memory_space<vmem>>, vector<16xf32>,
    %gather3A_993 = arith.constant 3 : i32
    %gather3A_994 = arith.constant 0 : i32
    %gather3A_995 = arith.constant 0 : i32
    %gather3A_996 = tpu.memref_slice %arg11[%gather3A_993, %gather3A_994, %gather3A_995] : memref<4x128x8xf32, #tpu.memory_space<vmem>> -> memref<1x128x8xf32, #tpu.memory_space<vmem>>
    %gather3A_997 = tpu.memref_squeeze %gather3A_996 : memref<1x128x8xf32, #tpu.memory_space<vmem>> -> memref<128x8xf32, #tpu.memory_space<vmem>>
    %gather3A_998 = tpu.vector_load_idx %gather3A_997[%add3A_211, %and3A_982] : memref<128x8xf32, #tpu.memory_space<vmem>>[vector<16xi32>, vector<16xi32>], vector<16xf32>,
    %swap3A_999 = arith.constant 3 : i32
    %swap3A_1000 = arith.index_cast %swap3A_999 : i32 to index
    %swap3A_1001 = arith.constant 64 : index
    %swap3A_1002 = tpu.vector_load %arg13[%swap3A_1000, %swap3A_1001] {strides = array<i32>} : memref<4x128xf32, #tpu.memory_space<vmem>>, vector<16xf32>,
    tpu.vector_store %arg13[%swap3A_1000, %swap3A_1001], %gather3A_998 {strides = array<i32>} : memref<4x128xf32, #tpu.memory_space<vmem>>, vector<16xf32>,
    %get3A_1003 = arith.constant 3 : i32
    %get3A_1004 = arith.index_cast %get3A_1003 : i32 to index
    %get3A_1005 = arith.constant 80 : index
    %get3A_1006 = tpu.vector_load %arg8[%get3A_1004, %get3A_1005] {strides = array<i32>} : memref<4x128xi32, #tpu.memory_space<vmem>>, vector<16xi32>,
    %and3A_1007 = arith.constant 7 : i32
    %and3A_1008 = vector.broadcast %and3A_1007 : i32 to vector<16xi32>
    %and3A_1009 = arith.andi %get3A_1006, %and3A_1008 : vector<16xi32>
    %gather3A_1010 = arith.constant 3 : i32
    %gather3A_1011 = arith.constant 0 : i32
    %gather3A_1012 = arith.constant 0 : i32
    %gather3A_1013 = tpu.memref_slice %arg10[%gather3A_1010, %gather3A_1011, %gather3A_1012] : memref<4x128x8xf32, #tpu.memory_space<vmem>> -> memref<1x128x8xf32, #tpu.memory_space<vmem>>
    %gather3A_1014 = tpu.memref_squeeze %gather3A_1013 : memref<1x128x8xf32, #tpu.memory_space<vmem>> -> memref<128x8xf32, #tpu.memory_space<vmem>>
    %gather3A_1015 = tpu.vector_load_idx %gather3A_1014[%add3A_215, %and3A_1009] : memref<128x8xf32, #tpu.memory_space<vmem>>[vector<16xi32>, vector<16xi32>], vector<16xf32>,
    %swap3A_1016 = arith.constant 3 : i32
    %swap3A_1017 = arith.index_cast %swap3A_1016 : i32 to index
    %swap3A_1018 = arith.constant 80 : index
    %swap3A_1019 = tpu.vector_load %arg12[%swap3A_1017, %swap3A_1018] {strides = array<i32>} : memref<4x128xf32, #tpu.memory_space<vmem>>, vector<16xf32>,
    tpu.vector_store %arg12[%swap3A_1017, %swap3A_1018], %gather3A_1015 {strides = array<i32>} : memref<4x128xf32, #tpu.memory_space<vmem>>, vector<16xf32>,
    %gather3A_1020 = arith.constant 3 : i32
    %gather3A_1021 = arith.constant 0 : i32
    %gather3A_1022 = arith.constant 0 : i32
    %gather3A_1023 = tpu.memref_slice %arg11[%gather3A_1020, %gather3A_1021, %gather3A_1022] : memref<4x128x8xf32, #tpu.memory_space<vmem>> -> memref<1x128x8xf32, #tpu.memory_space<vmem>>
    %gather3A_1024 = tpu.memref_squeeze %gather3A_1023 : memref<1x128x8xf32, #tpu.memory_space<vmem>> -> memref<128x8xf32, #tpu.memory_space<vmem>>
    %gather3A_1025 = tpu.vector_load_idx %gather3A_1024[%add3A_215, %and3A_1009] : memref<128x8xf32, #tpu.memory_space<vmem>>[vector<16xi32>, vector<16xi32>], vector<16xf32>,
    %swap3A_1026 = arith.constant 3 : i32
    %swap3A_1027 = arith.index_cast %swap3A_1026 : i32 to index
    %swap3A_1028 = arith.constant 80 : index
    %swap3A_1029 = tpu.vector_load %arg13[%swap3A_1027, %swap3A_1028] {strides = array<i32>} : memref<4x128xf32, #tpu.memory_space<vmem>>, vector<16xf32>,
    tpu.vector_store %arg13[%swap3A_1027, %swap3A_1028], %gather3A_1025 {strides = array<i32>} : memref<4x128xf32, #tpu.memory_space<vmem>>, vector<16xf32>,
    %get3A_1030 = arith.constant 3 : i32
    %get3A_1031 = arith.index_cast %get3A_1030 : i32 to index
    %get3A_1032 = arith.constant 96 : index
    %get3A_1033 = tpu.vector_load %arg8[%get3A_1031, %get3A_1032] {strides = array<i32>} : memref<4x128xi32, #tpu.memory_space<vmem>>, vector<16xi32>,
    %and3A_1034 = arith.constant 7 : i32
    %and3A_1035 = vector.broadcast %and3A_1034 : i32 to vector<16xi32>
    %and3A_1036 = arith.andi %get3A_1033, %and3A_1035 : vector<16xi32>
    %gather3A_1037 = arith.constant 3 : i32
    %gather3A_1038 = arith.constant 0 : i32
    %gather3A_1039 = arith.constant 0 : i32
    %gather3A_1040 = tpu.memref_slice %arg10[%gather3A_1037, %gather3A_1038, %gather3A_1039] : memref<4x128x8xf32, #tpu.memory_space<vmem>> -> memref<1x128x8xf32, #tpu.memory_space<vmem>>
    %gather3A_1041 = tpu.memref_squeeze %gather3A_1040 : memref<1x128x8xf32, #tpu.memory_space<vmem>> -> memref<128x8xf32, #tpu.memory_space<vmem>>
    %gather3A_1042 = tpu.vector_load_idx %gather3A_1041[%add3A_219, %and3A_1036] : memref<128x8xf32, #tpu.memory_space<vmem>>[vector<16xi32>, vector<16xi32>], vector<16xf32>,
    %swap3A_1043 = arith.constant 3 : i32
    %swap3A_1044 = arith.index_cast %swap3A_1043 : i32 to index
    %swap3A_1045 = arith.constant 96 : index
    %swap3A_1046 = tpu.vector_load %arg12[%swap3A_1044, %swap3A_1045] {strides = array<i32>} : memref<4x128xf32, #tpu.memory_space<vmem>>, vector<16xf32>,
    tpu.vector_store %arg12[%swap3A_1044, %swap3A_1045], %gather3A_1042 {strides = array<i32>} : memref<4x128xf32, #tpu.memory_space<vmem>>, vector<16xf32>,
    %gather3A_1047 = arith.constant 3 : i32
    %gather3A_1048 = arith.constant 0 : i32
    %gather3A_1049 = arith.constant 0 : i32
    %gather3A_1050 = tpu.memref_slice %arg11[%gather3A_1047, %gather3A_1048, %gather3A_1049] : memref<4x128x8xf32, #tpu.memory_space<vmem>> -> memref<1x128x8xf32, #tpu.memory_space<vmem>>
    %gather3A_1051 = tpu.memref_squeeze %gather3A_1050 : memref<1x128x8xf32, #tpu.memory_space<vmem>> -> memref<128x8xf32, #tpu.memory_space<vmem>>
    %gather3A_1052 = tpu.vector_load_idx %gather3A_1051[%add3A_219, %and3A_1036] : memref<128x8xf32, #tpu.memory_space<vmem>>[vector<16xi32>, vector<16xi32>], vector<16xf32>,
    %swap3A_1053 = arith.constant 3 : i32
    %swap3A_1054 = arith.index_cast %swap3A_1053 : i32 to index
    %swap3A_1055 = arith.constant 96 : index
    %swap3A_1056 = tpu.vector_load %arg13[%swap3A_1054, %swap3A_1055] {strides = array<i32>} : memref<4x128xf32, #tpu.memory_space<vmem>>, vector<16xf32>,
    tpu.vector_store %arg13[%swap3A_1054, %swap3A_1055], %gather3A_1052 {strides = array<i32>} : memref<4x128xf32, #tpu.memory_space<vmem>>, vector<16xf32>,
    %get3A_1057 = arith.constant 3 : i32
    %get3A_1058 = arith.index_cast %get3A_1057 : i32 to index
    %get3A_1059 = arith.constant 112 : index
    %get3A_1060 = tpu.vector_load %arg8[%get3A_1058, %get3A_1059] {strides = array<i32>} : memref<4x128xi32, #tpu.memory_space<vmem>>, vector<16xi32>,
    %and3A_1061 = arith.constant 7 : i32
    %and3A_1062 = vector.broadcast %and3A_1061 : i32 to vector<16xi32>
    %and3A_1063 = arith.andi %get3A_1060, %and3A_1062 : vector<16xi32>
    %gather3A_1064 = arith.constant 3 : i32
    %gather3A_1065 = arith.constant 0 : i32
    %gather3A_1066 = arith.constant 0 : i32
    %gather3A_1067 = tpu.memref_slice %arg10[%gather3A_1064, %gather3A_1065, %gather3A_1066] : memref<4x128x8xf32, #tpu.memory_space<vmem>> -> memref<1x128x8xf32, #tpu.memory_space<vmem>>
    %gather3A_1068 = tpu.memref_squeeze %gather3A_1067 : memref<1x128x8xf32, #tpu.memory_space<vmem>> -> memref<128x8xf32, #tpu.memory_space<vmem>>
    %gather3A_1069 = tpu.vector_load_idx %gather3A_1068[%add3A_223, %and3A_1063] : memref<128x8xf32, #tpu.memory_space<vmem>>[vector<16xi32>, vector<16xi32>], vector<16xf32>,
    %swap3A_1070 = arith.constant 3 : i32
    %swap3A_1071 = arith.index_cast %swap3A_1070 : i32 to index
    %swap3A_1072 = arith.constant 112 : index
    %swap3A_1073 = tpu.vector_load %arg12[%swap3A_1071, %swap3A_1072] {strides = array<i32>} : memref<4x128xf32, #tpu.memory_space<vmem>>, vector<16xf32>,
    tpu.vector_store %arg12[%swap3A_1071, %swap3A_1072], %gather3A_1069 {strides = array<i32>} : memref<4x128xf32, #tpu.memory_space<vmem>>, vector<16xf32>,
    %gather3A_1074 = arith.constant 3 : i32
    %gather3A_1075 = arith.constant 0 : i32
    %gather3A_1076 = arith.constant 0 : i32
    %gather3A_1077 = tpu.memref_slice %arg11[%gather3A_1074, %gather3A_1075, %gather3A_1076] : memref<4x128x8xf32, #tpu.memory_space<vmem>> -> memref<1x128x8xf32, #tpu.memory_space<vmem>>
    %gather3A_1078 = tpu.memref_squeeze %gather3A_1077 : memref<1x128x8xf32, #tpu.memory_space<vmem>> -> memref<128x8xf32, #tpu.memory_space<vmem>>
    %gather3A_1079 = tpu.vector_load_idx %gather3A_1078[%add3A_223, %and3A_1063] : memref<128x8xf32, #tpu.memory_space<vmem>>[vector<16xi32>, vector<16xi32>], vector<16xf32>,
    %swap3A_1080 = arith.constant 3 : i32
    %swap3A_1081 = arith.index_cast %swap3A_1080 : i32 to index
    %swap3A_1082 = arith.constant 112 : index
    %swap3A_1083 = tpu.vector_load %arg13[%swap3A_1081, %swap3A_1082] {strides = array<i32>} : memref<4x128xf32, #tpu.memory_space<vmem>>, vector<16xf32>,
    tpu.vector_store %arg13[%swap3A_1081, %swap3A_1082], %gather3A_1079 {strides = array<i32>} : memref<4x128xf32, #tpu.memory_space<vmem>>, vector<16xf32>,
    "tpu.region"() ({
      %run_scoped3A = tpu.sem_alloc : memref<!tpu.dma_semaphore, #tpu.memory_space<semaphore_mem>>
      %dma_start3A_1084 = arith.constant 0 : i32
      %dma_start3A_1085 = tpu.memref_slice %arg6[%mul3A_2, %dma_start3A_1084] : memref<128x128xf32, #tpu.memory_space<hbm>> -> memref<4x128xf32, #tpu.memory_space<hbm>>
      %dma_start3A_1086 = arith.constant 0 : i32
      %dma_start3A_1087 = tpu.memref_slice %arg6[%mul3A_2, %dma_start3A_1086] : memref<128x128xf32, #tpu.memory_space<hbm>> -> memref<4x128xf32, #tpu.memory_space<hbm>>
      tpu.enqueue_dma source(%arg12 : memref<4x128xf32, #tpu.memory_space<vmem>>) target(%dma_start3A_1087 : memref<4x128xf32, #tpu.memory_space<hbm>>) target_semaphore(%run_scoped3A : memref<!tpu.dma_semaphore, #tpu.memory_space<semaphore_mem>>)
      %dma_wait3A_1088 = arith.constant 0 : i32
      %dma_wait3A_1089 = tpu.memref_slice %arg6[%mul3A_2, %dma_wait3A_1088] : memref<128x128xf32, #tpu.memory_space<hbm>> -> memref<4x128xf32, #tpu.memory_space<hbm>>
      %dma_wait3A_1090 = arith.constant 0 : i32
      %dma_wait3A_1091 = tpu.memref_slice %arg6[%mul3A_2, %dma_wait3A_1090] : memref<128x128xf32, #tpu.memory_space<hbm>> -> memref<4x128xf32, #tpu.memory_space<hbm>>
      tpu.wait_dma2 semaphore(%run_scoped3A : memref<!tpu.dma_semaphore, #tpu.memory_space<semaphore_mem>>) src(%arg12 : memref<4x128xf32, #tpu.memory_space<vmem>>) dst(%dma_wait3A_1091 : memref<4x128xf32, #tpu.memory_space<hbm>>)
      tpu.yield
    }) : () -> ()
    "tpu.region"() ({
      %run_scoped3A = tpu.sem_alloc : memref<!tpu.dma_semaphore, #tpu.memory_space<semaphore_mem>>
      %dma_start3A_1084 = arith.constant 0 : i32
      %dma_start3A_1085 = tpu.memref_slice %arg7[%mul3A_2, %dma_start3A_1084] : memref<128x128xf32, #tpu.memory_space<hbm>> -> memref<4x128xf32, #tpu.memory_space<hbm>>
      %dma_start3A_1086 = arith.constant 0 : i32
      %dma_start3A_1087 = tpu.memref_slice %arg7[%mul3A_2, %dma_start3A_1086] : memref<128x128xf32, #tpu.memory_space<hbm>> -> memref<4x128xf32, #tpu.memory_space<hbm>>
      tpu.enqueue_dma source(%arg13 : memref<4x128xf32, #tpu.memory_space<vmem>>) target(%dma_start3A_1087 : memref<4x128xf32, #tpu.memory_space<hbm>>) target_semaphore(%run_scoped3A : memref<!tpu.dma_semaphore, #tpu.memory_space<semaphore_mem>>)
      %dma_wait3A_1088 = arith.constant 0 : i32
      %dma_wait3A_1089 = tpu.memref_slice %arg7[%mul3A_2, %dma_wait3A_1088] : memref<128x128xf32, #tpu.memory_space<hbm>> -> memref<4x128xf32, #tpu.memory_space<hbm>>
      %dma_wait3A_1090 = arith.constant 0 : i32
      %dma_wait3A_1091 = tpu.memref_slice %arg7[%mul3A_2, %dma_wait3A_1090] : memref<128x128xf32, #tpu.memory_space<hbm>> -> memref<4x128xf32, #tpu.memory_space<hbm>>
      tpu.wait_dma2 semaphore(%run_scoped3A : memref<!tpu.dma_semaphore, #tpu.memory_space<semaphore_mem>>) src(%arg13 : memref<4x128xf32, #tpu.memory_space<vmem>>) dst(%dma_wait3A_1091 : memref<4x128xf32, #tpu.memory_space<hbm>>)
      tpu.yield
    }) : () -> ()
    return
  }
}

</mosaic_0001>

<sc_bundles>
// kernel: kernel.4.cloned.1.call-start
scs
__scs_entry_jumppad:
0x0: {  	(pc) =	sbr.rel $0x88, $3  }
0x1: {  	(tag) =	ssettag $0x0;
	lr =	simm.s32 $0x1  }
0x2: {  	[smem:$0x3F9D] =	sst lr;
	_ =	strace $0xD0000000  }
0x3: {  	_ = 	snop  }
0x4: {  	_ = 	snop  }
0x5: {  	_ = 	snop  }
0x6: {  	_ = 	snop  }
0x7: {  	_ = 	snop  }
__scs_overlays_trampoline_lowered:
0x8: {  	[smem:$0x3FAC] =	sst s0  }
0x9: {  	[smem:$0x3FAD] =	sst s1  }
0xa: {  	[smem:$0x3FAE] =	sst s2  }
0xb: {  	[smem:$0x3FAF] =	sst s3  }
0xc: {  	[smem:$0x3FB0] =	sst s4  }
0xd: {  	[smem:$0x3FB1] =	sst s5  }
0xe: {  	[smem:$0x3FB2] =	sst s6  }
0xf: {  	[smem:$0x3FB3] =	sst s7  }
0x10: {  	[smem:$0x3FB4] =	sst s8  }
0x11: {  	[smem:$0x3FB5] =	sst s9;
	s0 =	simm.s32 @!p0 $0x0  }
0x12: {  	s1 =	sld [smem:$0x3F9B];
	s0 =	simm.s32 @p0 $0x1  }
0x13: {  	[smem:$0x3FB6] =	sst s0;
	s0 =	simm.s32 @!p1 $0x0  }
0x14: {  	s2 =	sld [smem:$0x3F9A];
	s0 =	simm.s32 @p1 $0x1  }
0x15: {  	[smem:$0x3FB7] =	sst s0;
	s0 =	simm.s32 @!p2 $0x0  }
0x16: {  	s3 =	sld [smem:$0x3FDB];
	s0 =	simm.s32 @p2 $0x1  }
0x17: {  	s4 =	simm.s32 $0x1BF5;
	[smem:$0x3FB9] =	sst s0  }
0x18: {  	s0 =	sld [smem:$0x3F9C];
	_ =	swait.ge [sflag:s4], $0x0  }
0x19: {  	s7 =	sld [smem:$0x3F9D]  }
0x1a: {  	s8 =	sadd.s32 $0xFFFFE003, lr  }
0x1b: {  	s9 =	sadd.s32 $0xFFFFFEF7, lr;
	s5 =	simm.s32 $0xFFFFFFFF;
	p2 =	slt.u32 s8, $0xFFFFF086  }
0x1c: {  	p1 =	slt.u32 s9, $0xF7A;
	s5 =	simm.s32 @!p2 $0x0  }
0x1d: {  	s5 =	simm.s32 @p1 $0x1;
	p0 =	seq.s32 s7, s2  }
0x1e: {  	s7 =	smul.u32 @!p0 $0xF7A, s2;
	p2 =	seq.s32 @!p0 s5, $0x0  }
0x1f: {  	s9 =	smul.u32 $0xF7A, s1;
	s8 =	simm.s32 @!p0 $0x1BF5;
	p2 =	por !p2, p0  }
0x20: {  	[sflag:s8] =	ssyncset.s32 @!p0 $0xFFFFF086;
	s6 =	sadd.s32 @!p0 s3, s7;
	s7 =	simm.s32 @!p0 $0x108  }
0x21: {  	s3 =	sadd.s32 s3, s9;
	s6 =	sadd.s32 @!p0 $0x88, s6;
	s7 =	simm.s32 @p2 $0x1082  }
0x22: {  	[simem:s7], [sflag:s8] =	dma.local @!p0 [hbm:s6], $0xF7A  }
0x23: {  	s9 =	sor.u32 $0xD0000000, s2;
	s6 =	simm.s32 $0x108;
	_ =	swait.ge @!p0 [sflag:s8], $0x0  }
0x24: {  	s3 =	sadd.s32 $0x88, s3;
	s6 =	simm.s32 @!p1 $0x1082;
	[sflag:s4] =	ssyncset.s32 $0xFFFFF086  }
0x25: {  	[simem:s6], [sflag:s4] =	dma.local [hbm:s3], $0xF7A  }
0x26: {  	[smem:$0x3F9D] =	sst s1;
	(tag) =	ssettag s2;
	_ =	strace s9  }
0x27: {  	s1 =	sld [smem:$0x3FAD]  }
0x28: {  	s2 =	sld [smem:$0x3FAE]  }
0x29: {  	s4 =	sld [smem:$0x3FB0]  }
0x2a: {  	p0 =	seq.s32 s5, $0x0;
	s5 =	sld [smem:$0x3FB1]  }
0x2b: {  	s6 =	sld [smem:$0x3FB2]  }
0x2c: {  	s7 =	sld [smem:$0x3FB3]  }
0x2d: {  	s3 =	simm.s32 $0x108;
	s8 =	sld [smem:$0x3FB4]  }
0x2e: {  	s3 =	simm.s32 @!p0 $0x1082;
	s9 =	sld [smem:$0x3FB5]  }
0x2f: {  	lr =	sadd.s32 s0, s3;
	s0 =	sld [smem:$0x3FAC]  }
0x30: {  	s3 =	sld [smem:$0x3FAF]  }
0x31: {  	[smem:$0x3FB8] =	sst s10  }
0x32: {  	s10 =	sld [smem:$0x3FB6];
	_ =	sdelay $0x3  }
0x33: {  	p0 =	seq.s32 s10, $0x1;
	s10 =	sld [smem:$0x3FB8];
	_ =	sdelay $0x3  }
0x34: {  	[smem:$0x3FB8] =	sst s10  }
0x35: {  	s10 =	sld [smem:$0x3FB7];
	_ =	sdelay $0x3  }
0x36: {  	p1 =	seq.s32 s10, $0x1;
	s10 =	sld [smem:$0x3FB8];
	_ =	sdelay $0x3  }
0x37: {  	[smem:$0x3FB8] =	sst s10  }
0x38: {  	s10 =	sld [smem:$0x3FB9]  }
0x39: {  	_ = 	snop;
	(pc) =	sbr.ind lr, $3  }
0x3a: {  	_ = 	snop  }
0x3b: {  	_ = 	snop  }
0x3c: {  	p2 =	seq.s32 s10, $0x1;
	s10 =	sld [smem:$0x3FB8]  }
0x3d: {  	_ =	shalt  }
0x3e: {  	_ =	shalt  }
0x3f: {  	_ =	shalt  }
0x40: {  	_ =	shalt  }
0x41: {  	_ =	shalt  }
0x42: {  	_ =	shalt  }
0x43: {  	_ =	shalt  }
0x44: {  	_ =	shalt  }
0x45: {  	_ =	shalt  }
0x46: {  	_ =	shalt  }
0x47: {  	_ =	shalt  }
0x48: {  	_ =	shalt  }
0x49: {  	_ =	shalt  }
0x4a: {  	_ =	shalt  }
0x4b: {  	_ =	shalt  }
0x4c: {  	_ =	shalt  }
0x4d: {  	_ =	shalt  }
0x4e: {  	_ =	shalt  }
0x4f: {  	_ =	shalt  }
0x50: {  	_ =	shalt  }
0x51: {  	_ =	shalt  }
0x52: {  	_ =	shalt  }
0x53: {  	_ =	shalt  }
0x54: {  	_ =	shalt  }
0x55: {  	_ =	shalt  }
0x56: {  	_ =	shalt  }
0x57: {  	_ =	shalt  }
0x58: {  	_ =	shalt  }
0x59: {  	_ =	shalt  }
0x5a: {  	_ =	shalt  }
0x5b: {  	_ =	shalt  }
0x5c: {  	_ =	shalt  }
0x5d: {  	_ =	shalt  }
0x5e: {  	_ =	shalt  }
0x5f: {  	_ =	shalt  }
0x60: {  	_ =	shalt  }
0x61: {  	_ =	shalt  }
0x62: {  	_ =	shalt  }
0x63: {  	_ =	shalt  }
0x64: {  	_ =	shalt  }
0x65: {  	_ =	shalt  }
0x66: {  	_ =	shalt  }
0x67: {  	_ =	shalt  }
0x68: {  	_ =	shalt  }
0x69: {  	_ =	shalt  }
0x6a: {  	_ =	shalt  }
0x6b: {  	_ =	shalt  }
0x6c: {  	_ =	shalt  }
0x6d: {  	_ =	shalt  }
0x6e: {  	_ =	shalt  }
0x6f: {  	_ =	shalt  }
0x70: {  	_ =	shalt  }
0x71: {  	_ =	shalt  }
0x72: {  	_ =	shalt  }
0x73: {  	_ =	shalt  }
0x74: {  	_ =	shalt  }
0x75: {  	_ =	shalt  }
0x76: {  	_ =	shalt  }
0x77: {  	_ =	shalt  }
0x78: {  	_ =	shalt  }
0x79: {  	_ =	shalt  }
0x7a: {  	_ =	shalt  }
0x7b: {  	_ =	shalt  }
0x7c: {  	_ =	shalt  }
0x7d: {  	_ =	shalt  }
0x7e: {  	_ =	shalt  }
0x7f: {  	_ =	shalt  }
0x80: {  	_ =	shalt  }
0x81: {  	_ =	shalt  }
0x82: {  	_ =	shalt  }
0x83: {  	_ =	shalt  }
0x84: {  	_ =	shalt  }
0x85: {  	_ =	shalt  }
0x86: {  	_ =	shalt  }
0x87: {  	_ =	shalt  }
.Lfunc_end0:
.L_simem_size_0:
called_computation_lowered:
.L_overlay_start_0:
0x88: {  	s2 =	sld [smem:$0x3FD9]  }
0x89: {  	s3 =	sld [smem:$0x3FFE];
	_ =	sdelay $0x1  }
0x8a: {  	s1 =	srdreg.scid  }
0x8b: {  	s0 =	sand.u32 $0x1, s1  }
0x8c: {  	s15 =	sshll.u32 s0, $0xA;
	s2 =	sadd.s32 s3, s2  }
0x8d: {  	s2 =	sadd.s32 s2, s15  }
0x8e: {  	[smem:$0x3FC4] =	sst s2  }
0x8f: {  	_ = 	snop  }
0x90: {  	s16 =	sld [smem:$0x3FD0];
	_ =	sdelay $0x2  }
0x91: {  	s5 =	simm.s32 $0xB;
	s4 =	simm.s32 $0x10;
	s2 =	sld [smem:$0x3FC9]  }
0x92: {  	[smem:s4], [sflag:s5] =	dma.local [hbm:s16], $0x1  }
0x93: {  	_ =	swait.eq [sflag:s5], $0x1  }
0x94: {  	[sflag:s5] =	ssyncset.done $0x0  }
0x95: {  	s17 =	sld [smem:$0x11];
	[sflag:s5] =	ssyncadd.s32 $0xFFFFFFFF  }
0x96: {  	s18 =	sld [smem:$0x12];
	(tm) =	ssettm $0x1  }
0x97: {  	s19 =	sld [smem:$0x3FFB];
	_ =	sdelay $0x3  }
0x98: {  	_ =	strace s19  }
0x99: {  	s3 =	sld [smem:$0x3FFC];
	_ =	sdelay $0x3  }
0x9a: {  	_ =	strace s3  }
0x9b: {  	s3 =	sld [smem:$0x3FFD];
	_ =	sdelay $0x3  }
0x9c: {  	_ =	strace s3  }
0x9d: {  	_ =	strace $0x8FFFFFFF  }
0x9e: {  	s20 =	sld [smem:$0x3FDB];
	_ =	sdelay $0x1  }
0x9f: {  	s6 =	simm.s32 $_scs_section_size  }
0xa0: {  	s7 =	simm.s32 $_size__tile_overlayer_lowered;
	s8 =	simm.s32 $_tile_overlayer_lowered  }
0xa1: {  	s9 =	simm.s32 $0x1BFF;
	s21 =	sshll.u32 s8, $0x1;
	s6 =	sadd.s32 s6, s20  }
0xa2: {  	s22 =	simm.s32 $0x0;
	s7 =	sshll.u32 s7, $0x1;
	s8 =	sadd.s32 s21, s6  }
0xa3: {  	[timem:s22], [sflag:s9] =	dma.local [hbm:s8], s7  }
0xa4: {  	_ =	swait.ge [sflag:s9], s7  }
0xa5: {  	s7 =	ssub.s32 $0x0, s7;
	[sflag:s9] =	ssyncset.done $0x0  }
0xa6: {  	[sflag:s9] =	ssyncadd.s32 s7;
	_ =	sdelay $0x1  }
0xa7: {  	s23 =	simm.s32 $0x1B8B  }
0xa8: {  	_ =	swait.ge [sflag:s23], $0x1  }
0xa9: {  	[sflag:s23] =	ssyncset.done $0x0  }
0xaa: {  	[sflag:s23] =	ssyncadd.s32 $0xFFFFFFFF  }
0xab: {  	s7 =	sld [smem:$0x0]  }
0xac: {  	s8 =	sand.u32 $0xFFFFFFFE, s1  }
0xad: {  	p0 =	sne.s32 s1, s8  }
0xae: {  	s8 =	sshll.u32 @p0 s8, $0xE  }
0xaf: {  	s8 =	sadd.s32 @p0 $0x11B8D, s8;
	s9 =	sshll.u32 @p0 s7, $0x11  }
0xb0: {  	s8 =	sor.u32 @p0 s9, s8  }
0xb1: {  	[sflag:s8] =	ssyncadd.remote.s32 @p0 $0x1;
	_ =	sdelay $0x1  }
0xb2: {  	s8 =	simm.s32 @p0 $0x1B8D  }
0xb3: {  	_ =	swait.eq @p0 [sflag:s8], $0x1  }
0xb4: {  	[sflag:s8] =	ssyncadd.s32 @p0 $0xFFFFFFFF  }
0xb5: {  	s9 =	sshll.u32 @!p0 s1, $0xE  }
0xb6: {  	s9 =	sor.u32 @!p0 $0x4000, s9;
	s8 =	simm.s32 @!p0 $0x1B8D  }
0xb7: {  	s7 =	sshll.u32 @!p0 s7, $0x11;
	s9 =	sadd.s32 @!p0 $0x11B8D, s9;
	_ =	swait.eq @!p0 [sflag:s8], $0x1  }
0xb8: {  	s7 =	sor.u32 @!p0 s7, s9;
	[sflag:s8] =	ssyncadd.s32 @!p0 $0xFFFFFFFF  }
0xb9: {  	s25 =	simm.s32 $0x1B8E;
	s24 =	sld [smem:$0x3FFE];
	[sflag:s7] =	ssyncadd.remote.s32 @!p0 $0x1  }
0xba: {  	s26 =	simm.s32 $execute0_lowered;
	[smem:$0x3FD2] =	sst s25  }
0xbb: {  	s8 =	sshll.u32 s26, $0x1;
	_ =	strace $0x80000049;
	[dreg:$0x1] =	wrdreg $0xFFFFFFFF  }
0xbc: {  	s28 =	simm.s32 $_size_execute0_lowered;
	s6 =	sadd.s32 s6, s8;
	[dreg:$0x0] =	wrdreg $0x0  }
0xbd: {  	s8 =	sshll.u32 s28, $0x1;
	[dreg:$0x2] =	wrdreg s6  }
0xbe: {  	[dreg:$0x3] =	wrdreg s8  }
0xbf: {  	[dreg:$0x4] =	wrdreg $0xC0  }
0xc0: {  	_ =	task [dreg:s22], $0x5FFFF  }
0xc1: {  	[dreg:$0x1] =	wrdreg $0xFFFFFFFF  }
0xc2: {  	[dreg:$0x0] =	wrdreg $0x60  }
0xc3: {  	[dreg:$0x2] =	wrdreg s2  }
0xc4: {  	[dreg:$0x3] =	wrdreg s24  }
0xc5: {  	[dreg:$0x4] =	wrdreg s17  }
0xc6: {  	[dreg:$0x5] =	wrdreg s18  }
0xc7: {  	[dreg:$0x6] =	wrdreg $0x9  }
0xc8: {  	_ =	task.clear_ibuf [dreg:s22], $0x7FFFF;
	_ =	strace $0x90000049  }
0xc9: {  	s29 =	simm.s32 $0x9;
	_ =	strace $0x8000004B  }
0xca: {  	_ =	swait.ge [sflag:s29], $0x1  }
0xcb: {  	[sflag:s29] =	ssyncadd.s32 $0xFFFFFFFF  }
0xcc: {  	_ =	strace $0x9000004B  }
0xcd: {  	_ =	sfence  }
0xce: {  	s30 =	sld [smem:$0x0];
	_ =	sdelay $0x2  }
0xcf: {  	s31 =	sshll.u32 s1, $0xD;
	s1 =	sshrl.u32 s1, $0x2  }
0xd0: {  	s4 =	sand.u32 $0x4000, s31;
	s1 =	sadd.s32 s1, s30  }
0xd1: {  	s0 =	sor.u32 s4, s0;
	s1 =	sshll.u32 s1, $0x11  }
0xd2: {  	s0 =	sor.u32 s1, s0  }
0xd3: {  	s0 =	sadd.s32 $0x8F2B, s0  }
0xd4: {  	[sflag:s0] =	ssyncadd.remote.s32 $0x1  }
0xd5: {  	_ =	sfence.sel $0xFFFF  }
0xd6: {  	[dreg:$0x0] =	wrdreg $0xFFFFFFFF;
	(pc) =	sbr.abs _section_cstart, $3  }
0xd7: {  	[dreg:$0x1] =	wrdreg $0xFFFFFFFF  }
0xd8: {  	_ =	task.clear_ibuf [dreg:s22], $0x2FFFF;
	_ =	strace $0x9FFFFFFF  }
0xd9: {  	(tm) =	ssettm $0x7FFFFFFF  }
tec
execute0_lowered:
.L_overlay_start_1:
0x0: {  	(tag) =	ssettag $0x1  }
0x1: {  	s5 =	rddreg [dreg:$0x0]  }
0x2: {  	s4 =	rddreg [dreg:$0x1]  }
0x3: {  	s7 =	rddreg [dreg:$0x2]  }
0x4: {  	s8 =	rddreg [dreg:$0x3]  }
0x5: {  	s0 =	rddreg [dreg:$0x4];
	s3 =	srdreg.scid  }
0x6: {  	s2 =	simm.s32 $0x0;
	s1 =	stileid.u32;
	s12 =	simm.s32 $0x80  }
0x7: {  	s13 =	simm.s32 $0x400;
	s14 =	simm.s32 $0x1400;
	s15 =	simm.s32 $0x280  }
0x8: {  	s16 =	simm.s32 $0x800;
	s17 =	simm.s32 $0x1800;
	s18 =	simm.s32 $0x300  }
0x9: {  	s19 =	simm.s32 $0xC00;
	s20 =	simm.s32 $0x1C00;
	s21 =	simm.s32 $0x380  }
0xa: {  	s22 =	simm.s32 $0x1000;
	s23 =	simm.s32 $0x2000;
	s24 =	simm.s32 $0x1  }
0xb: {  	s25 =	simm.s32 $0x2400;
	s26 =	simm.s32 $0x2600;
	s3 =	sand.u32 $0x1, s3  }
0xc: {  	v0 =	vlaneseq.u32;
	[smem:$0x7FF] =	sst s2;
	s6 =	sshll.u32 s1, $0x7;
	s9 =	sshll.u32 s3, $0x6  }
0xd: {  	v0 =	vmul.u32 $0x8, v0;
	_ =	strace $0x8000004A;
	s31 =	ssub.s32 $0x2, s3;
	s9 =	sor.u32 s9, s6  }
0xe: {  	s3 =	sadd.s32 $0x1C7200, s4;
	s11 =	sshrl.u32 s31, $0x1;
	s10 =	sadd.s32 s9, s4  }
0xf: {  	v1 =	vor.u32 $0x80, v0;
	s4 =	sadd.s32 $0x1CA400, s4;
	s11 =	ssub.s32 s31, s11;
	s5 =	sadd.s32 s5, s9  }
0x10: {  	v2 =	vor.u32 $0x100, v0;
	v3 =	vor.u32 $0x180, v0;
	v4 =	vor.u32 $0x200, v0;
	s7 =	sadd.s32 s7, s9;
	s8 =	sadd.s32 s8, s9;
	s6 =	sadd.s32 $0x1CD600, s10  }
0x11: {  	v5 =	vor.u32 $0x280, v0;
	v6 =	vor.u32 $0x300, v0;
	v7 =	vor.u32 $0x380, v0;
	s9 =	smax.u32 s11, $0x1;
	s10 =	simm.s32 $0x2;
	s11 =	simm.s32 $0x200  }
.LBB2_1:
0x12: {  	[tilespmem:s2], [sflag:$0x2] =	stream.linear.gather [hbm4b:s5+s2], $0x200, $0x38;
	[tilespmem:$0x2800] =	vst v63  }
0x13: {  	_ =	swait.ge [sflag:s10], $0x200  }
0x14: {  	[sflag:s10] =	ssyncset.done $0x0  }
0x15: {  	[sflag:s10] =	ssyncadd.s32 $0xFFFFFE00  }
0x16: {  	[tilespmem:s11], [sflag:$0x2] =	stream.linear.gather [hbm4b:s6+s2], $0x200, $0x38;
	[tilespmem:$0x2800] =	vst v63  }
0x17: {  	_ =	swait.ge [sflag:s10], $0x200  }
0x18: {  	[sflag:s10] =	ssyncset.done $0x0  }
0x19: {  	[sflag:s10] =	ssyncadd.s32 $0xFFFFFE00  }
0x1a: {  	[tilespmem:s13], [sflag:$0x1] =	stream.indirect.gather [hbm4b:s3+s12], $0x8, s11, s12, $0xb8;
	[tilespmem:$0x2800] =	vst v63  }
0x1b: {  	_ = 	snop  }
0x1c: {  	[tilespmem:s14], [sflag:$0x1] =	stream.indirect.gather [hbm4b:s4+s12], $0x8, s11, s12, $0xb8;
	[tilespmem:$0x2800] =	vst v63  }
0x1d: {  	_ = 	snop  }
0x1e: {  	[tilespmem:s16], [sflag:$0x1] =	stream.indirect.gather [hbm4b:s3+s12], $0x8, s15, s12, $0xb8;
	[tilespmem:$0x2800] =	vst v63  }
0x1f: {  	_ = 	snop  }
0x20: {  	[tilespmem:s17], [sflag:$0x1] =	stream.indirect.gather [hbm4b:s4+s12], $0x8, s15, s12, $0xb8;
	[tilespmem:$0x2800] =	vst v63  }
0x21: {  	_ = 	snop  }
0x22: {  	[tilespmem:s19], [sflag:$0x1] =	stream.indirect.gather [hbm4b:s3+s12], $0x8, s18, s12, $0xb8;
	[tilespmem:$0x2800] =	vst v63  }
0x23: {  	_ = 	snop  }
0x24: {  	[tilespmem:s20], [sflag:$0x1] =	stream.indirect.gather [hbm4b:s4+s12], $0x8, s18, s12, $0xb8;
	[tilespmem:$0x2800] =	vst v63  }
0x25: {  	_ = 	snop  }
0x26: {  	[tilespmem:s22], [sflag:$0x1] =	stream.indirect.gather [hbm4b:s3+s12], $0x8, s21, s12, $0xb8;
	[tilespmem:$0x2800] =	vst v63  }
0x27: {  	_ = 	snop  }
0x28: {  	[tilespmem:s23], [sflag:$0x1] =	stream.indirect.gather [hbm4b:s4+s12], $0x8, s21, s12, $0xb8;
	[tilespmem:$0x2800] =	vst v63  }
0x29: {  	_ =	swait.ge [sflag:s24], $0x400  }
0x2a: {  	[sflag:s24] =	ssyncset.done $0x0  }
0x2b: {  	[sflag:s24] =	ssyncadd.s32 $0xFFFFFC00  }
0x2c: {  	_ =	swait.ge [sflag:s24], $0x400  }
0x2d: {  	[sflag:s24] =	ssyncset.done $0x0  }
0x2e: {  	[sflag:s24] =	ssyncadd.s32 $0xFFFFFC00  }
0x2f: {  	_ =	swait.ge [sflag:s24], $0x400  }
0x30: {  	[sflag:s24] =	ssyncset.done $0x0  }
0x31: {  	[sflag:s24] =	ssyncadd.s32 $0xFFFFFC00  }
0x32: {  	_ =	swait.ge [sflag:s24], $0x400  }
0x33: {  	[sflag:s24] =	ssyncset.done $0x0  }
0x34: {  	[sflag:s24] =	ssyncadd.s32 $0xFFFFFC00  }
0x35: {  	_ =	swait.ge [sflag:s24], $0x400  }
0x36: {  	[sflag:s24] =	ssyncset.done $0x0  }
0x37: {  	[sflag:s24] =	ssyncadd.s32 $0xFFFFFC00  }
0x38: {  	_ =	swait.ge [sflag:s24], $0x400  }
0x39: {  	[sflag:s24] =	ssyncset.done $0x0  }
0x3a: {  	[sflag:s24] =	ssyncadd.s32 $0xFFFFFC00  }
0x3b: {  	_ =	swait.ge [sflag:s24], $0x400  }
0x3c: {  	[sflag:s24] =	ssyncset.done $0x0  }
0x3d: {  	[sflag:s24] =	ssyncadd.s32 $0xFFFFFC00  }
0x3e: {  	_ =	swait.ge [sflag:s24], $0x400  }
0x3f: {  	[sflag:s24] =	ssyncset.done $0x0  }
0x40: {  	[sflag:s24] =	ssyncadd.s32 $0xFFFFFC00  }
0x41: {  	v8 =	vld [tilespmem:$0x0];
	_ =	sdelay $0x4  }
0x42: {  	v8 =	vand.u32 $0x7, v8  }
0x43: {  	v8 =	vor.u32 v0, v8;
	_ =	sdelay $0x4  }
0x44: {  	v9 =	vld.idx.msk [tilespmem:v8+s13+$0x0], $0xffff  }
0x45: {  	v10 =	vld [tilespmem:$0x10];
	_ =	sdelay $0x3  }
0x46: {  	[tilespmem:$0x2400] =	vst v9  }
0x47: {  	v55 =	vand.u32 $0x7, v10;
	v8 =	vld.idx.msk [tilespmem:v8+s14+$0x0], $0xffff  }
0x48: {  	v9 =	vor.u32 v1, v55;
	_ =	sdelay $0x3  }
0x49: {  	[tilespmem:$0x2600] =	vst v8  }
0x4a: {  	v8 =	vld.idx.msk [tilespmem:v9+s13+$0x0], $0xffff  }
0x4b: {  	v56 =	vld [tilespmem:$0x20];
	_ =	sdelay $0x3  }
0x4c: {  	[tilespmem:$0x2410] =	vst v8  }
0x4d: {  	v57 =	vand.u32 $0x7, v56;
	v8 =	vld.idx.msk [tilespmem:v9+s14+$0x0], $0xffff  }
0x4e: {  	v9 =	vor.u32 v2, v57;
	_ =	sdelay $0x3  }
0x4f: {  	[tilespmem:$0x2610] =	vst v8  }
0x50: {  	v8 =	vld.idx.msk [tilespmem:v9+s13+$0x0], $0xffff  }
0x51: {  	v58 =	vld [tilespmem:$0x30];
	_ =	sdelay $0x3  }
0x52: {  	[tilespmem:$0x2420] =	vst v8  }
0x53: {  	v59 =	vand.u32 $0x7, v58;
	v8 =	vld.idx.msk [tilespmem:v9+s14+$0x0], $0xffff  }
0x54: {  	v9 =	vor.u32 v3, v59;
	_ =	sdelay $0x3  }
0x55: {  	[tilespmem:$0x2620] =	vst v8  }
0x56: {  	v8 =	vld.idx.msk [tilespmem:v9+s13+$0x0], $0xffff  }
0x57: {  	v60 =	vld [tilespmem:$0x40];
	_ =	sdelay $0x3  }
0x58: {  	[tilespmem:$0x2430] =	vst v8  }
0x59: {  	v61 =	vand.u32 $0x7, v60;
	v8 =	vld.idx.msk [tilespmem:v9+s14+$0x0], $0xffff  }
0x5a: {  	v9 =	vor.u32 v4, v61;
	_ =	sdelay $0x3  }
0x5b: {  	[tilespmem:$0x2630] =	vst v8  }
0x5c: {  	v8 =	vld.idx.msk [tilespmem:v9+s13+$0x0], $0xffff  }
0x5d: {  	v62 =	vld [tilespmem:$0x50];
	_ =	sdelay $0x3  }
0x5e: {  	[tilespmem:$0x2440] =	vst v8  }
0x5f: {  	v63 =	vand.u32 $0x7, v62;
	v8 =	vld.idx.msk [tilespmem:v9+s14+$0x0], $0xffff  }
0x60: {  	v9 =	vor.u32 v5, v63;
	_ =	sdelay $0x3  }
0x61: {  	[tilespmem:$0x2640] =	vst v8  }
0x62: {  	v8 =	vld.idx.msk [tilespmem:v9+s13+$0x0], $0xffff  }
0x63: {  	v12 =	vld [tilespmem:$0x60];
	_ =	sdelay $0x3  }
0x64: {  	[tilespmem:$0x2450] =	vst v8  }
0x65: {  	v13 =	vand.u32 $0x7, v12;
	v8 =	vld.idx.msk [tilespmem:v9+s14+$0x0], $0xffff  }
0x66: {  	v9 =	vor.u32 v6, v13;
	_ =	sdelay $0x3  }
0x67: {  	[tilespmem:$0x2650] =	vst v8  }
0x68: {  	v8 =	vld.idx.msk [tilespmem:v9+s13+$0x0], $0xffff  }
0x69: {  	v14 =	vld [tilespmem:$0x70];
	_ =	sdelay $0x3  }
0x6a: {  	[tilespmem:$0x2460] =	vst v8  }
0x6b: {  	v15 =	vand.u32 $0x7, v14;
	v8 =	vld.idx.msk [tilespmem:v9+s14+$0x0], $0xffff  }
0x6c: {  	v9 =	vor.u32 v7, v15;
	_ =	sdelay $0x3  }
0x6d: {  	[tilespmem:$0x2660] =	vst v8  }
0x6e: {  	v8 =	vld.idx.msk [tilespmem:v9+s13+$0x0], $0xffff  }
0x6f: {  	v16 =	vld [tilespmem:$0x80];
	_ =	sdelay $0x3  }
0x70: {  	[tilespmem:$0x2470] =	vst v8  }
0x71: {  	v17 =	vand.u32 $0x7, v16;
	v8 =	vld.idx.msk [tilespmem:v9+s14+$0x0], $0xffff  }
0x72: {  	v9 =	vor.u32 v0, v17;
	_ =	sdelay $0x3  }
0x73: {  	[tilespmem:$0x2670] =	vst v8  }
0x74: {  	v8 =	vld.idx.msk [tilespmem:v9+s16+$0x0], $0xffff  }
0x75: {  	v18 =	vld [tilespmem:$0x90];
	_ =	sdelay $0x3  }
0x76: {  	[tilespmem:$0x2480] =	vst v8  }
0x77: {  	v19 =	vand.u32 $0x7, v18;
	v8 =	vld.idx.msk [tilespmem:v9+s17+$0x0], $0xffff  }
0x78: {  	v9 =	vor.u32 v1, v19;
	_ =	sdelay $0x3  }
0x79: {  	[tilespmem:$0x2680] =	vst v8  }
0x7a: {  	v8 =	vld.idx.msk [tilespmem:v9+s16+$0x0], $0xffff  }
0x7b: {  	v20 =	vld [tilespmem:$0xA0];
	_ =	sdelay $0x3  }
0x7c: {  	[tilespmem:$0x2490] =	vst v8  }
0x7d: {  	v21 =	vand.u32 $0x7, v20;
	v8 =	vld.idx.msk [tilespmem:v9+s17+$0x0], $0xffff  }
0x7e: {  	v9 =	vor.u32 v2, v21;
	_ =	sdelay $0x3  }
0x7f: {  	[tilespmem:$0x2690] =	vst v8  }
0x80: {  	v8 =	vld.idx.msk [tilespmem:v9+s16+$0x0], $0xffff  }
0x81: {  	v22 =	vld [tilespmem:$0xB0];
	_ =	sdelay $0x3  }
0x82: {  	[tilespmem:$0x24A0] =	vst v8  }
0x83: {  	v23 =	vand.u32 $0x7, v22;
	v8 =	vld.idx.msk [tilespmem:v9+s17+$0x0], $0xffff  }
0x84: {  	v9 =	vor.u32 v3, v23;
	_ =	sdelay $0x3  }
0x85: {  	[tilespmem:$0x26A0] =	vst v8  }
0x86: {  	v8 =	vld.idx.msk [tilespmem:v9+s16+$0x0], $0xffff  }
0x87: {  	v24 =	vld [tilespmem:$0xC0];
	_ =	sdelay $0x3  }
0x88: {  	[tilespmem:$0x24B0] =	vst v8  }
0x89: {  	v25 =	vand.u32 $0x7, v24;
	v8 =	vld.idx.msk [tilespmem:v9+s17+$0x0], $0xffff  }
0x8a: {  	v9 =	vor.u32 v4, v25;
	_ =	sdelay $0x3  }
0x8b: {  	[tilespmem:$0x26B0] =	vst v8  }
0x8c: {  	v8 =	vld.idx.msk [tilespmem:v9+s16+$0x0], $0xffff  }
0x8d: {  	v26 =	vld [tilespmem:$0xD0];
	_ =	sdelay $0x3  }
0x8e: {  	[tilespmem:$0x24C0] =	vst v8  }
0x8f: {  	v27 =	vand.u32 $0x7, v26;
	v8 =	vld.idx.msk [tilespmem:v9+s17+$0x0], $0xffff  }
0x90: {  	v9 =	vor.u32 v5, v27;
	_ =	sdelay $0x3  }
0x91: {  	[tilespmem:$0x26C0] =	vst v8  }
0x92: {  	v8 =	vld.idx.msk [tilespmem:v9+s16+$0x0], $0xffff  }
0x93: {  	v28 =	vld [tilespmem:$0xE0];
	_ =	sdelay $0x3  }
0x94: {  	[tilespmem:$0x24D0] =	vst v8  }
0x95: {  	v29 =	vand.u32 $0x7, v28;
	v8 =	vld.idx.msk [tilespmem:v9+s17+$0x0], $0xffff  }
0x96: {  	v9 =	vor.u32 v6, v29;
	_ =	sdelay $0x3  }
0x97: {  	[tilespmem:$0x26D0] =	vst v8  }
0x98: {  	v8 =	vld.idx.msk [tilespmem:v9+s16+$0x0], $0xffff  }
0x99: {  	v30 =	vld [tilespmem:$0xF0];
	_ =	sdelay $0x3  }
0x9a: {  	[tilespmem:$0x24E0] =	vst v8  }
0x9b: {  	v31 =	vand.u32 $0x7, v30;
	v8 =	vld.idx.msk [tilespmem:v9+s17+$0x0], $0xffff  }
0x9c: {  	v9 =	vor.u32 v7, v31;
	_ =	sdelay $0x3  }
0x9d: {  	[tilespmem:$0x26E0] =	vst v8  }
0x9e: {  	v8 =	vld.idx.msk [tilespmem:v9+s16+$0x0], $0xffff  }
0x9f: {  	v32 =	vld [tilespmem:$0x100];
	_ =	sdelay $0x3  }
0xa0: {  	[tilespmem:$0x24F0] =	vst v8  }
0xa1: {  	v33 =	vand.u32 $0x7, v32;
	v8 =	vld.idx.msk [tilespmem:v9+s17+$0x0], $0xffff  }
0xa2: {  	v9 =	vor.u32 v0, v33;
	_ =	sdelay $0x3  }
0xa3: {  	[tilespmem:$0x26F0] =	vst v8  }
0xa4: {  	v8 =	vld.idx.msk [tilespmem:v9+s19+$0x0], $0xffff  }
0xa5: {  	v34 =	vld [tilespmem:$0x110];
	_ =	sdelay $0x3  }
0xa6: {  	[tilespmem:$0x2500] =	vst v8  }
0xa7: {  	v35 =	vand.u32 $0x7, v34;
	v8 =	vld.idx.msk [tilespmem:v9+s20+$0x0], $0xffff  }
0xa8: {  	v9 =	vor.u32 v1, v35;
	_ =	sdelay $0x3  }
0xa9: {  	[tilespmem:$0x2700] =	vst v8  }
0xaa: {  	v8 =	vld.idx.msk [tilespmem:v9+s19+$0x0], $0xffff  }
0xab: {  	v36 =	vld [tilespmem:$0x120];
	_ =	sdelay $0x3  }
0xac: {  	[tilespmem:$0x2510] =	vst v8  }
0xad: {  	v37 =	vand.u32 $0x7, v36;
	v8 =	vld.idx.msk [tilespmem:v9+s20+$0x0], $0xffff  }
0xae: {  	v9 =	vor.u32 v2, v37;
	_ =	sdelay $0x3  }
0xaf: {  	[tilespmem:$0x2710] =	vst v8  }
0xb0: {  	v8 =	vld.idx.msk [tilespmem:v9+s19+$0x0], $0xffff  }
0xb1: {  	v38 =	vld [tilespmem:$0x130];
	_ =	sdelay $0x3  }
0xb2: {  	[tilespmem:$0x2520] =	vst v8  }
0xb3: {  	v39 =	vand.u32 $0x7, v38;
	v8 =	vld.idx.msk [tilespmem:v9+s20+$0x0], $0xffff  }
0xb4: {  	v9 =	vor.u32 v3, v39;
	_ =	sdelay $0x3  }
0xb5: {  	[tilespmem:$0x2720] =	vst v8  }
0xb6: {  	v8 =	vld.idx.msk [tilespmem:v9+s19+$0x0], $0xffff  }
0xb7: {  	v40 =	vld [tilespmem:$0x140];
	_ =	sdelay $0x3  }
0xb8: {  	[tilespmem:$0x2530] =	vst v8  }
0xb9: {  	v41 =	vand.u32 $0x7, v40;
	v8 =	vld.idx.msk [tilespmem:v9+s20+$0x0], $0xffff  }
0xba: {  	v9 =	vor.u32 v4, v41;
	_ =	sdelay $0x3  }
0xbb: {  	[tilespmem:$0x2730] =	vst v8  }
0xbc: {  	v8 =	vld.idx.msk [tilespmem:v9+s19+$0x0], $0xffff  }
0xbd: {  	v42 =	vld [tilespmem:$0x150];
	_ =	sdelay $0x3  }
0xbe: {  	[tilespmem:$0x2540] =	vst v8  }
0xbf: {  	v43 =	vand.u32 $0x7, v42;
	v8 =	vld.idx.msk [tilespmem:v9+s20+$0x0], $0xffff  }
0xc0: {  	v9 =	vor.u32 v5, v43;
	_ =	sdelay $0x3  }
0xc1: {  	[tilespmem:$0x2740] =	vst v8  }
0xc2: {  	v8 =	vld.idx.msk [tilespmem:v9+s19+$0x0], $0xffff  }
0xc3: {  	v44 =	vld [tilespmem:$0x160];
	_ =	sdelay $0x3  }
0xc4: {  	[tilespmem:$0x2550] =	vst v8  }
0xc5: {  	v45 =	vand.u32 $0x7, v44;
	v8 =	vld.idx.msk [tilespmem:v9+s20+$0x0], $0xffff  }
0xc6: {  	v9 =	vor.u32 v6, v45;
	_ =	sdelay $0x3  }
0xc7: {  	[tilespmem:$0x2750] =	vst v8  }
0xc8: {  	v8 =	vld.idx.msk [tilespmem:v9+s19+$0x0], $0xffff  }
0xc9: {  	v46 =	vld [tilespmem:$0x170];
	_ =	sdelay $0x3  }
0xca: {  	[tilespmem:$0x2560] =	vst v8  }
0xcb: {  	v47 =	vand.u32 $0x7, v46;
	v8 =	vld.idx.msk [tilespmem:v9+s20+$0x0], $0xffff  }
0xcc: {  	v9 =	vor.u32 v7, v47;
	_ =	sdelay $0x3  }
0xcd: {  	[tilespmem:$0x2760] =	vst v8  }
0xce: {  	v8 =	vld.idx.msk [tilespmem:v9+s19+$0x0], $0xffff  }
0xcf: {  	v48 =	vld [tilespmem:$0x180];
	_ =	sdelay $0x3  }
0xd0: {  	[tilespmem:$0x2570] =	vst v8  }
0xd1: {  	v49 =	vand.u32 $0x7, v48;
	v8 =	vld.idx.msk [tilespmem:v9+s20+$0x0], $0xffff  }
0xd2: {  	v9 =	vor.u32 v0, v49;
	_ =	sdelay $0x3  }
0xd3: {  	[tilespmem:$0x2770] =	vst v8  }
0xd4: {  	v8 =	vld.idx.msk [tilespmem:v9+s22+$0x0], $0xffff  }
0xd5: {  	v50 =	vld [tilespmem:$0x190];
	_ =	sdelay $0x3  }
0xd6: {  	[tilespmem:$0x2580] =	vst v8  }
0xd7: {  	v51 =	vand.u32 $0x7, v50;
	v8 =	vld.idx.msk [tilespmem:v9+s23+$0x0], $0xffff  }
0xd8: {  	v9 =	vor.u32 v1, v51;
	_ =	sdelay $0x3  }
0xd9: {  	[tilespmem:$0x2780] =	vst v8  }
0xda: {  	v8 =	vld.idx.msk [tilespmem:v9+s22+$0x0], $0xffff  }
0xdb: {  	v52 =	vld [tilespmem:$0x1A0];
	_ =	sdelay $0x3  }
0xdc: {  	[tilespmem:$0x2590] =	vst v8  }
0xdd: {  	v53 =	vand.u32 $0x7, v52;
	v8 =	vld.idx.msk [tilespmem:v9+s23+$0x0], $0xffff  }
0xde: {  	v9 =	vor.u32 v2, v53;
	_ =	sdelay $0x3  }
0xdf: {  	[tilespmem:$0x2790] =	vst v8  }
0xe0: {  	v8 =	vld.idx.msk [tilespmem:v9+s22+$0x0], $0xffff  }
0xe1: {  	v54 =	vld [tilespmem:$0x1B0];
	_ =	sdelay $0x3  }
0xe2: {  	[tilespmem:$0x25A0] =	vst v8  }
0xe3: {  	v55 =	vand.u32 $0x7, v54;
	v8 =	vld.idx.msk [tilespmem:v9+s23+$0x0], $0xffff  }
0xe4: {  	v9 =	vor.u32 v3, v55;
	_ =	sdelay $0x3  }
0xe5: {  	[tilespmem:$0x27A0] =	vst v8  }
0xe6: {  	v8 =	vld.idx.msk [tilespmem:v9+s22+$0x0], $0xffff  }
0xe7: {  	v56 =	vld [tilespmem:$0x1C0];
	_ =	sdelay $0x3  }
0xe8: {  	[tilespmem:$0x25B0] =	vst v8  }
0xe9: {  	v57 =	vand.u32 $0x7, v56;
	v8 =	vld.idx.msk [tilespmem:v9+s23+$0x0], $0xffff  }
0xea: {  	v9 =	vor.u32 v4, v57;
	_ =	sdelay $0x3  }
0xeb: {  	[tilespmem:$0x27B0] =	vst v8  }
0xec: {  	v8 =	vld.idx.msk [tilespmem:v9+s22+$0x0], $0xffff  }
0xed: {  	v58 =	vld [tilespmem:$0x1D0];
	_ =	sdelay $0x3  }
0xee: {  	[tilespmem:$0x25C0] =	vst v8  }
0xef: {  	v59 =	vand.u32 $0x7, v58;
	v8 =	vld.idx.msk [tilespmem:v9+s23+$0x0], $0xffff  }
0xf0: {  	v9 =	vor.u32 v5, v59;
	_ =	sdelay $0x3  }
0xf1: {  	[tilespmem:$0x27C0] =	vst v8  }
0xf2: {  	v8 =	vld.idx.msk [tilespmem:v9+s22+$0x0], $0xffff  }
0xf3: {  	v60 =	vld [tilespmem:$0x1E0];
	_ =	sdelay $0x3  }
0xf4: {  	[tilespmem:$0x25D0] =	vst v8  }
0xf5: {  	v61 =	vand.u32 $0x7, v60;
	v8 =	vld.idx.msk [tilespmem:v9+s23+$0x0], $0xffff  }
0xf6: {  	v9 =	vor.u32 v6, v61;
	_ =	sdelay $0x3  }
0xf7: {  	[tilespmem:$0x27D0] =	vst v8  }
0xf8: {  	v8 =	vld.idx.msk [tilespmem:v9+s22+$0x0], $0xffff  }
0xf9: {  	v62 =	vld [tilespmem:$0x1F0];
	_ =	sdelay $0x3  }
0xfa: {  	[tilespmem:$0x25E0] =	vst v8  }
0xfb: {  	v63 =	vand.u32 $0x7, v62;
	v8 =	vld.idx.msk [tilespmem:v9+s23+$0x0], $0xffff  }
0xfc: {  	v9 =	vor.u32 v7, v63;
	_ =	sdelay $0x3  }
0xfd: {  	[tilespmem:$0x27E0] =	vst v8  }
0xfe: {  	v8 =	vld.idx.msk [tilespmem:v9+s22+$0x0], $0xffff;
	_ =	sdelay $0x4  }
0xff: {  	[tilespmem:$0x25F0] =	vst v8  }
0x100: {  	v8 =	vld.idx.msk [tilespmem:v9+s23+$0x0], $0xffff;
	_ =	sdelay $0x4  }
0x101: {  	[tilespmem:$0x27F0] =	vst v8  }
0x102: {  	[hbm4b:s7+s2] =	stream.linear.scatter [tilespmem:s25], [sflag:$0x2], $0x200, $0x38;
	[tilespmem:$0x2800] =	vst v63  }
0x103: {  	_ =	swait.ge [sflag:s10], $0x200  }
0x104: {  	p0 =	sne.s32 s9, $0x1;
	[sflag:s10] =	ssyncset.done $0x0  }
.Ltmp0:
0x105: {  	[sflag:s10] =	ssyncadd.s32 $0xFFFFFE00;
	(pc) =	sbr.rel @p0 .LBB2_1-.Ltmp0, $4  }
0x106: {  	[hbm4b:s8+s2] =	stream.linear.scatter [tilespmem:s26], [sflag:$0x2], $0x200, $0x38;
	[tilespmem:$0x2800] =	vst v63  }
0x107: {  	_ =	swait.ge [sflag:s10], $0x200  }
0x108: {  	[sflag:s10] =	ssyncset.done $0x0  }
0x109: {  	s9 =	sadd.s32 $0xFFFFFFFF, s9;
	[sflag:s10] =	ssyncadd.s32 $0xFFFFFE00  }
0x10a: {  	_ =	sfence.sel $0x180000  }
0x10b: {  	[bflag:$0x0] =	sbarrier.arrive $0xFFFF  }
0x10c: {  	p0 =	sne.s32 s1, $0x0;
	_ =	strace $0x9000004A  }
0x10d: {  	s0 =	sadd.s32 @!p0 $0x100000, s0;
	[bflag:$0x2] =	sbarrier.arrive $0xFFFF  }
0x10e: {  	[sflag:s0] =	ssyncadd.tile.s32 @!p0 $0x1;
	_ =	shalt  }
.Lfunc_end2:
_tile_overlayer_lowered:
.L_overlay_start_2:
0x10f: {  	(tag) =	ssettag $0x2  }
0x110: {  	s0 =	rddreg [dreg:$0x0];
	s2 =	stileid.u32  }
0x111: {  	s1 =	rddreg [dreg:$0x1];
	p0 =	sne.s32 s2, $0x0  }
0x112: {  	s3 =	rddreg [dreg:$0x2];
	[bflag:$0x3] =	sbarrier.arrive $0xFFFF;
	s2 =	simm.s32 @!p0 $0x1C02  }
0x113: {  	[timem:s3], [sflag:s2] =	dma.local @!p0 [hbm:s0], s1  }
0x114: {  	s0 =	simm.s32 @!p0 $0x2  }
0x115: {  	_ =	swait.ge @!p0 [sflag:s0], s1  }
0x116: {  	s1 =	ssub.s32 @!p0 $0x0, s1;
	[sflag:s0] =	ssyncset.done @!p0 $0x0  }
0x117: {  	[sflag:s0] =	ssyncadd.s32 @!p0 s1  }
0x118: {  	[bflag:$0x3] =	sbarrier.arrive $0xFFFF  }
0x119: {  	_ =	shalt  }

// kernel: kernel.7.cloned.1.call-start
scs
__scs_entry_jumppad:
0x0: {  	(pc) =	sbr.rel $0x88, $3  }
0x1: {  	(tag) =	ssettag $0x0;
	lr =	simm.s32 $0x1  }
0x2: {  	[smem:$0x3F9D] =	sst lr;
	_ =	strace $0xD0000000  }
0x3: {  	_ = 	snop  }
0x4: {  	_ = 	snop  }
0x5: {  	_ = 	snop  }
0x6: {  	_ = 	snop  }
0x7: {  	_ = 	snop  }
__scs_overlays_trampoline_lowered:
0x8: {  	[smem:$0x3FAC] =	sst s0  }
0x9: {  	[smem:$0x3FAD] =	sst s1  }
0xa: {  	[smem:$0x3FAE] =	sst s2  }
0xb: {  	[smem:$0x3FAF] =	sst s3  }
0xc: {  	[smem:$0x3FB0] =	sst s4  }
0xd: {  	[smem:$0x3FB1] =	sst s5  }
0xe: {  	[smem:$0x3FB2] =	sst s6  }
0xf: {  	[smem:$0x3FB3] =	sst s7  }
0x10: {  	[smem:$0x3FB4] =	sst s8  }
0x11: {  	[smem:$0x3FB5] =	sst s9;
	s0 =	simm.s32 @!p0 $0x0  }
0x12: {  	s1 =	sld [smem:$0x3F9B];
	s0 =	simm.s32 @p0 $0x1  }
0x13: {  	[smem:$0x3FB6] =	sst s0;
	s0 =	simm.s32 @!p1 $0x0  }
0x14: {  	s2 =	sld [smem:$0x3F9A];
	s0 =	simm.s32 @p1 $0x1  }
0x15: {  	[smem:$0x3FB7] =	sst s0;
	s0 =	simm.s32 @!p2 $0x0  }
0x16: {  	s3 =	sld [smem:$0x3FDB];
	s0 =	simm.s32 @p2 $0x1  }
0x17: {  	s4 =	simm.s32 $0x1BF5;
	[smem:$0x3FB9] =	sst s0  }
0x18: {  	s0 =	sld [smem:$0x3F9C];
	_ =	swait.ge [sflag:s4], $0x0  }
0x19: {  	s7 =	sld [smem:$0x3F9D]  }
0x1a: {  	s8 =	sadd.s32 $0xFFFFE003, lr  }
0x1b: {  	s9 =	sadd.s32 $0xFFFFFEF7, lr;
	s5 =	simm.s32 $0xFFFFFFFF;
	p2 =	slt.u32 s8, $0xFFFFF086  }
0x1c: {  	p1 =	slt.u32 s9, $0xF7A;
	s5 =	simm.s32 @!p2 $0x0  }
0x1d: {  	s5 =	simm.s32 @p1 $0x1;
	p0 =	seq.s32 s7, s2  }
0x1e: {  	s7 =	smul.u32 @!p0 $0xF7A, s2;
	p2 =	seq.s32 @!p0 s5, $0x0  }
0x1f: {  	s9 =	smul.u32 $0xF7A, s1;
	s8 =	simm.s32 @!p0 $0x1BF5;
	p2 =	por !p2, p0  }
0x20: {  	[sflag:s8] =	ssyncset.s32 @!p0 $0xFFFFF086;
	s6 =	sadd.s32 @!p0 s3, s7;
	s7 =	simm.s32 @!p0 $0x108  }
0x21: {  	s3 =	sadd.s32 s3, s9;
	s6 =	sadd.s32 @!p0 $0x88, s6;
	s7 =	simm.s32 @p2 $0x1082  }
0x22: {  	[simem:s7], [sflag:s8] =	dma.local @!p0 [hbm:s6], $0xF7A  }
0x23: {  	s9 =	sor.u32 $0xD0000000, s2;
	s6 =	simm.s32 $0x108;
	_ =	swait.ge @!p0 [sflag:s8], $0x0  }
0x24: {  	s3 =	sadd.s32 $0x88, s3;
	s6 =	simm.s32 @!p1 $0x1082;
	[sflag:s4] =	ssyncset.s32 $0xFFFFF086  }
0x25: {  	[simem:s6], [sflag:s4] =	dma.local [hbm:s3], $0xF7A  }
0x26: {  	[smem:$0x3F9D] =	sst s1;
	(tag) =	ssettag s2;
	_ =	strace s9  }
0x27: {  	s1 =	sld [smem:$0x3FAD]  }
0x28: {  	s2 =	sld [smem:$0x3FAE]  }
0x29: {  	s4 =	sld [smem:$0x3FB0]  }
0x2a: {  	p0 =	seq.s32 s5, $0x0;
	s5 =	sld [smem:$0x3FB1]  }
0x2b: {  	s6 =	sld [smem:$0x3FB2]  }
0x2c: {  	s7 =	sld [smem:$0x3FB3]  }
0x2d: {  	s3 =	simm.s32 $0x108;
	s8 =	sld [smem:$0x3FB4]  }
0x2e: {  	s3 =	simm.s32 @!p0 $0x1082;
	s9 =	sld [smem:$0x3FB5]  }
0x2f: {  	lr =	sadd.s32 s0, s3;
	s0 =	sld [smem:$0x3FAC]  }
0x30: {  	s3 =	sld [smem:$0x3FAF]  }
0x31: {  	[smem:$0x3FB8] =	sst s10  }
0x32: {  	s10 =	sld [smem:$0x3FB6];
	_ =	sdelay $0x3  }
0x33: {  	p0 =	seq.s32 s10, $0x1;
	s10 =	sld [smem:$0x3FB8];
	_ =	sdelay $0x3  }
0x34: {  	[smem:$0x3FB8] =	sst s10  }
0x35: {  	s10 =	sld [smem:$0x3FB7];
	_ =	sdelay $0x3  }
0x36: {  	p1 =	seq.s32 s10, $0x1;
	s10 =	sld [smem:$0x3FB8];
	_ =	sdelay $0x3  }
0x37: {  	[smem:$0x3FB8] =	sst s10  }
0x38: {  	s10 =	sld [smem:$0x3FB9]  }
0x39: {  	_ = 	snop;
	(pc) =	sbr.ind lr, $3  }
0x3a: {  	_ = 	snop  }
0x3b: {  	_ = 	snop  }
0x3c: {  	p2 =	seq.s32 s10, $0x1;
	s10 =	sld [smem:$0x3FB8]  }
0x3d: {  	_ =	shalt  }
0x3e: {  	_ =	shalt  }
0x3f: {  	_ =	shalt  }
0x40: {  	_ =	shalt  }
0x41: {  	_ =	shalt  }
0x42: {  	_ =	shalt  }
0x43: {  	_ =	shalt  }
0x44: {  	_ =	shalt  }
0x45: {  	_ =	shalt  }
0x46: {  	_ =	shalt  }
0x47: {  	_ =	shalt  }
0x48: {  	_ =	shalt  }
0x49: {  	_ =	shalt  }
0x4a: {  	_ =	shalt  }
0x4b: {  	_ =	shalt  }
0x4c: {  	_ =	shalt  }
0x4d: {  	_ =	shalt  }
0x4e: {  	_ =	shalt  }
0x4f: {  	_ =	shalt  }
0x50: {  	_ =	shalt  }
0x51: {  	_ =	shalt  }
0x52: {  	_ =	shalt  }
0x53: {  	_ =	shalt  }
0x54: {  	_ =	shalt  }
0x55: {  	_ =	shalt  }
0x56: {  	_ =	shalt  }
0x57: {  	_ =	shalt  }
0x58: {  	_ =	shalt  }
0x59: {  	_ =	shalt  }
0x5a: {  	_ =	shalt  }
0x5b: {  	_ =	shalt  }
0x5c: {  	_ =	shalt  }
0x5d: {  	_ =	shalt  }
0x5e: {  	_ =	shalt  }
0x5f: {  	_ =	shalt  }
0x60: {  	_ =	shalt  }
0x61: {  	_ =	shalt  }
0x62: {  	_ =	shalt  }
0x63: {  	_ =	shalt  }
0x64: {  	_ =	shalt  }
0x65: {  	_ =	shalt  }
0x66: {  	_ =	shalt  }
0x67: {  	_ =	shalt  }
0x68: {  	_ =	shalt  }
0x69: {  	_ =	shalt  }
0x6a: {  	_ =	shalt  }
0x6b: {  	_ =	shalt  }
0x6c: {  	_ =	shalt  }
0x6d: {  	_ =	shalt  }
0x6e: {  	_ =	shalt  }
0x6f: {  	_ =	shalt  }
0x70: {  	_ =	shalt  }
0x71: {  	_ =	shalt  }
0x72: {  	_ =	shalt  }
0x73: {  	_ =	shalt  }
0x74: {  	_ =	shalt  }
0x75: {  	_ =	shalt  }
0x76: {  	_ =	shalt  }
0x77: {  	_ =	shalt  }
0x78: {  	_ =	shalt  }
0x79: {  	_ =	shalt  }
0x7a: {  	_ =	shalt  }
0x7b: {  	_ =	shalt  }
0x7c: {  	_ =	shalt  }
0x7d: {  	_ =	shalt  }
0x7e: {  	_ =	shalt  }
0x7f: {  	_ =	shalt  }
0x80: {  	_ =	shalt  }
0x81: {  	_ =	shalt  }
0x82: {  	_ =	shalt  }
0x83: {  	_ =	shalt  }
0x84: {  	_ =	shalt  }
0x85: {  	_ =	shalt  }
0x86: {  	_ =	shalt  }
0x87: {  	_ =	shalt  }
.Lfunc_end0:
.L_simem_size_0:
called_computation.1_lowered:
.L_overlay_start_0:
0x88: {  	s2 =	sld [smem:$0x3FD9]  }
0x89: {  	s3 =	sld [smem:$0x3FFE];
	_ =	sdelay $0x1  }
0x8a: {  	s1 =	srdreg.scid  }
0x8b: {  	s0 =	sand.u32 $0x1, s1  }
0x8c: {  	s17 =	sshll.u32 s0, $0xA;
	s2 =	sadd.s32 s3, s2  }
0x8d: {  	s2 =	sadd.s32 s2, s17  }
0x8e: {  	[smem:$0x3FC4] =	sst s2  }
0x8f: {  	_ = 	snop  }
0x90: {  	s2 =	sld [smem:$0x3FC9];
	(tm) =	ssettm $0x1  }
0x91: {  	s18 =	sld [smem:$0x3FFB];
	_ =	sdelay $0x3  }
0x92: {  	_ =	strace s18  }
0x93: {  	s3 =	sld [smem:$0x3FFC];
	_ =	sdelay $0x3  }
0x94: {  	_ =	strace s3  }
0x95: {  	s3 =	sld [smem:$0x3FFD];
	_ =	sdelay $0x3  }
0x96: {  	_ =	strace s3  }
0x97: {  	_ =	strace $0x8FFFFFFF  }
0x98: {  	s19 =	sld [smem:$0x3FDB];
	_ =	sdelay $0x1  }
0x99: {  	s4 =	simm.s32 $_scs_section_size  }
0x9a: {  	s5 =	simm.s32 $_size__tile_overlayer_lowered;
	s6 =	simm.s32 $_tile_overlayer_lowered  }
0x9b: {  	s22 =	simm.s32 $0x1BFF;
	s21 =	sshll.u32 s6, $0x1;
	s3 =	sadd.s32 s4, s19  }
0x9c: {  	s7 =	simm.s32 $0x0;
	s20 =	sshll.u32 s5, $0x1;
	s5 =	sadd.s32 s21, s3  }
0x9d: {  	[timem:s7], [sflag:s22] =	dma.local [hbm:s5], s20  }
0x9e: {  	_ =	swait.ge [sflag:s22], s20  }
0x9f: {  	s4 =	ssub.s32 $0x0, s20;
	[sflag:s22] =	ssyncset.done $0x0  }
0xa0: {  	[sflag:s22] =	ssyncadd.s32 s4;
	_ =	sdelay $0x1  }
0xa1: {  	s23 =	simm.s32 $0x1B8B  }
0xa2: {  	_ =	swait.ge [sflag:s23], $0x1  }
0xa3: {  	[sflag:s23] =	ssyncset.done $0x0  }
0xa4: {  	s25 =	simm.s32 $0x1B8E;
	s24 =	sld [smem:$0x3FFE];
	[sflag:s23] =	ssyncadd.s32 $0xFFFFFFFF  }
0xa5: {  	s26 =	simm.s32 $execute0_lowered;
	[smem:$0x3FD2] =	sst s25  }
0xa6: {  	s5 =	sshll.u32 s26, $0x1;
	_ =	strace $0x80000046;
	[dreg:$0x1] =	wrdreg $0xFFFFFFFF  }
0xa7: {  	s28 =	simm.s32 $_size_execute0_lowered;
	s3 =	sadd.s32 s3, s5;
	[dreg:$0x0] =	wrdreg $0x0  }
0xa8: {  	s5 =	sshll.u32 s28, $0x1;
	[dreg:$0x2] =	wrdreg s3  }
0xa9: {  	[dreg:$0x3] =	wrdreg s5  }
0xaa: {  	[dreg:$0x4] =	wrdreg $0xC0  }
0xab: {  	_ =	task [dreg:s7], $0x5FFFF  }
0xac: {  	[dreg:$0x1] =	wrdreg $0xFFFFFFFF  }
0xad: {  	[dreg:$0x0] =	wrdreg $0x60  }
0xae: {  	[dreg:$0x2] =	wrdreg s2  }
0xaf: {  	[dreg:$0x3] =	wrdreg s24  }
0xb0: {  	[dreg:$0x4] =	wrdreg $0xA  }
0xb1: {  	_ =	task.clear_ibuf [dreg:s7], $0x5FFFF;
	_ =	strace $0x90000046  }
0xb2: {  	s29 =	simm.s32 $0xA;
	_ =	strace $0x80000048  }
0xb3: {  	_ =	swait.ge [sflag:s29], $0x1  }
0xb4: {  	[sflag:s29] =	ssyncadd.s32 $0xFFFFFFFF  }
0xb5: {  	_ =	strace $0x90000048  }
0xb6: {  	_ =	sfence  }
0xb7: {  	s30 =	sld [smem:$0x0];
	_ =	sdelay $0x2  }
0xb8: {  	s31 =	sshll.u32 s1, $0xD;
	s1 =	sshrl.u32 s1, $0x2  }
0xb9: {  	s3 =	sand.u32 $0x4000, s31;
	s1 =	sadd.s32 s1, s30  }
0xba: {  	s0 =	sor.u32 s3, s0;
	s1 =	sshll.u32 s1, $0x11  }
0xbb: {  	s0 =	sor.u32 s1, s0  }
0xbc: {  	s0 =	sadd.s32 $0x8F2B, s0  }
0xbd: {  	[sflag:s0] =	ssyncadd.remote.s32 $0x1  }
0xbe: {  	_ =	sfence.sel $0xFFFF  }
0xbf: {  	[dreg:$0x0] =	wrdreg $0xFFFFFFFF;
	(pc) =	sbr.abs _section_cstart, $3  }
0xc0: {  	[dreg:$0x1] =	wrdreg $0xFFFFFFFF  }
0xc1: {  	_ =	task.clear_ibuf [dreg:s7], $0x2FFFF;
	_ =	strace $0x9FFFFFFF  }
0xc2: {  	(tm) =	ssettm $0x7FFFFFFF  }
0xc3: {  	_ =	shalt  }
tec
execute0_lowered:
.L_overlay_start_1:
0x0: {  	(tag) =	ssettag $0x1  }
0x1: {  	s4 =	rddreg [dreg:$0x0]  }
0x2: {  	s5 =	rddreg [dreg:$0x1];
	s3 =	srdreg.scid;
	s2 =	simm.s32 $0x0  }
0x3: {  	s0 =	stileid.u32;
	s3 =	sand.u32 $0x1, s3;
	[smem:$0x7FF] =	sst s2  }
0x4: {  	s6 =	sshll.u32 s0, $0xA;
	s7 =	sshll.u32 s3, $0x9;
	s30 =	ssub.s32 $0x2, s3  }
0x5: {  	_ =	strace $0x80000047;
	s6 =	sor.u32 s7, s6;
	s9 =	sshrl.u32 s30, $0x1  }
0x6: {  	s3 =	sadd.s32 $0x800, s5;
	s8 =	sshll.u32 s6, $0x4;
	s7 =	ssub.s32 s30, s9  }
0x7: {  	s6 =	sshrl.u32 s6, $0x3;
	s9 =	simm.s32 $0x0;
	s5 =	sadd.s32 s8, s5  }
0x8: {  	s31 =	sadd.s32 s4, s6;
	s6 =	smax.u32 s7, $0x1;
	s7 =	simm.s32 $0x2  }
0x9: {  	s8 =	simm.s32 $0x1;
	[dreg:$0x3] =	wrdreg s31;
	s5 =	sadd.s32 $0x187200, s5  }
.LBB2_1:
0xa: {  	s10 =	simm.s32 $0x10000;
	s0 =	rddreg [dreg:$0x3]  }
0xb: {  	[tilespmem:s10], [sflag:$0x2] =	stream.linear.gather [hbm4b:s0+s2], $0x200, $0x38;
	[tilespmem:$0x10200] =	vst v63  }
0xc: {  	_ =	swait.ge [sflag:s7], $0x200  }
0xd: {  	[sflag:s7] =	ssyncset.done $0x0  }
0xe: {  	[sflag:s7] =	ssyncadd.s32 $0xFFFFFE00  }
0xf: {  	v0 =	vld [tilespmem:s10+$0x0];
	_ =	sdelay $0x4  }
0x10: {  	v0 =	vshll.u32 v0, $0x4  }
0x11: {  	(v2sf) =	vpush v0, $0x2  }
0x12: {  	(v2sf) =	vpush v0, $0x0  }
0x13: {  	(v2sf) =	vpush v0, $0x1  }
0x14: {  	(v2sf) =	vpush v0, $0x3;
	_ =	sdelay $0x1  }
0x15: {  	(v2sf) =	vpush v0, $0x4;
	_ =	sdelay $0x2  }
0x16: {  	(v2sf) =	vpush v0, $0x5;
	_ =	sdelay $0x1  }
0x17: {  	(v2sf) =	vpush v0, $0x6  }
0x18: {  	p0 =	por $0x1, $0x1;
	s12 =	simm.s32 $0x0  }
0x19: {  	s11 =	simm.s32 $0x4000;
	s15 =	simm.s32 $0x180;
	s17 =	simm.s32 $0x80;
	(v2sf) =	vpush v0, $0x7  }
0x1a: {  	s18 =	simm.s32 $0x100;
	s20 =	simm.s32 $0x300;
	s22 =	simm.s32 $0x200  }
0x1b: {  	s24 =	simm.s32 $0x280;
	s29 =	simm.s32 $0x480;
	s31 =	simm.s32 $0x380  }
0x1c: {  	s1 =	simm.s32 $0x500;
	p0 =	por p0, p0;
	s16 =	spop (v2sf)  }
0x1d: {  	p2 =	por $0x1, $0x1;
	p1 =	por p0, p0;
	(v2sf) =	vpush v0, $0x8;
	s13 =	spop (v2sf)  }
0x1e: {  	p0 =	por p2, p2;
	s13 =	sand.u32 $0x1FFFFFF0, s13;
	s14 =	spop (v2sf)  }
0x1f: {  	(v2sf) =	vpush v0, $0x9;
	s10 =	sand.u32 $0x1FFFFFF0, s16;
	s13 =	sadd.s32 s3, s13;
	s19 =	spop (v2sf)  }
0x20: {  	[tilespmem:s12], [sflag:$0x1] =	stream.linear.gather [hbm4b:s13+s2], $0x80, $0x38;
	[tilespmem:$0x10200] =	vst v63  }
0x21: {  	s10 =	sadd.s32 s3, s10;
	(v2sf) =	vpush v0, $0xA;
	s14 =	sand.u32 $0x1FFFFFF0, s14;
	s16 =	spop (v2sf)  }
0x22: {  	s12 =	simm.s32 $0x780;
	s14 =	sadd.s32 s3, s14;
	s21 =	sand.u32 $0x1FFFFFF0, s16  }
0x23: {  	(v2sf) =	vpush v0, $0xB;
	[tilespmem:s17], [sflag:$0x1] =	stream.linear.gather [hbm4b:s14+s2], $0x80, $0x38;
	[tilespmem:$0x10200] =	vst v63  }
0x24: {  	s23 =	spop (v2sf);
	s14 =	sand.u32 $0x1FFFFFF0, s19;
	s13 =	sadd.s32 s3, s21  }
0x25: {  	(v2sf) =	vpush v0, $0xC;
	[tilespmem:s18], [sflag:$0x1] =	stream.linear.gather [hbm4b:s10+s2], $0x80, $0x38;
	[tilespmem:$0x10200] =	vst v63  }
0x26: {  	s25 =	sand.u32 $0x1FFFFFF0, s23;
	s26 =	spop (v2sf);
	s14 =	sadd.s32 s3, s14  }
0x27: {  	(v2sf) =	vpush v0, $0xD;
	[tilespmem:s15], [sflag:$0x1] =	stream.linear.gather [hbm4b:s14+s2], $0x80, $0x38;
	[tilespmem:$0x10200] =	vst v63  }
0x28: {  	s17 =	simm.s32 $0x400;
	s19 =	simm.s32 $0x600;
	s28 =	spop (v2sf)  }
0x29: {  	[tilespmem:s22], [sflag:$0x1] =	stream.linear.gather [hbm4b:s13+s2], $0x80, $0x38;
	[tilespmem:$0x10200] =	vst v63  }
0x2a: {  	s30 =	sand.u32 $0x1FFFFFF0, s28;
	s15 =	sand.u32 $0x1FFFFFF0, s26;
	s14 =	sadd.s32 s3, s25  }
0x2b: {  	(v2sf) =	vpush v0, $0xE;
	[tilespmem:s24], [sflag:$0x1] =	stream.linear.gather [hbm4b:s14+s2], $0x80, $0x38;
	[tilespmem:$0x10200] =	vst v63  }
0x2c: {  	s15 =	sadd.s32 s3, s15;
	s14 =	sadd.s32 s3, s30;
	s0 =	spop (v2sf)  }
0x2d: {  	(v2sf) =	vpush v0, $0xF;
	[tilespmem:s20], [sflag:$0x1] =	stream.linear.gather [hbm4b:s15+s2], $0x80, $0x38;
	[tilespmem:$0x10200] =	vst v63  }
0x2e: {  	s4 =	sand.u32 $0x1FFFFFF0, s0;
	s16 =	spop (v2sf);
	s20 =	simm.s32 $0x580  }
0x2f: {  	[tilespmem:s31], [sflag:$0x1] =	stream.linear.gather [hbm4b:s14+s2], $0x80, $0x38;
	[tilespmem:$0x10200] =	vst v63  }
0x30: {  	s15 =	sand.u32 $0x1FFFFFF0, s16;
	s18 =	spop (v2sf);
	s14 =	sadd.s32 s3, s4  }
0x31: {  	[tilespmem:s17], [sflag:$0x1] =	stream.linear.gather [hbm4b:s14+s2], $0x80, $0x38;
	[tilespmem:$0x10200] =	vst v63  }
0x32: {  	s15 =	sadd.s32 s3, s15;
	s21 =	spop (v2sf);
	s14 =	sand.u32 $0x1FFFFFF0, s18  }
0x33: {  	[tilespmem:s29], [sflag:$0x1] =	stream.linear.gather [hbm4b:s15+s2], $0x80, $0x38;
	[tilespmem:$0x10200] =	vst v63  }
0x34: {  	s22 =	sand.u32 $0x1FFFFFF0, s21;
	s23 =	spop (v2sf);
	s14 =	sadd.s32 s3, s14  }
0x35: {  	[tilespmem:s1], [sflag:$0x1] =	stream.linear.gather [hbm4b:s14+s2], $0x80, $0x38;
	[tilespmem:$0x10200] =	vst v63  }
0x36: {  	s24 =	spop (v2sf);
	s10 =	sadd.s32 s3, s22;
	s14 =	sand.u32 $0x1FFFFFF0, s23  }
0x37: {  	[tilespmem:s20], [sflag:$0x1] =	stream.linear.gather [hbm4b:s10+s2], $0x80, $0x38;
	[tilespmem:$0x10200] =	vst v63  }
0x38: {  	s30 =	simm.s32 $0x700;
	s25 =	sand.u32 $0x1FFFFFF0, s24;
	s14 =	sadd.s32 s3, s14  }
0x39: {  	[tilespmem:s19], [sflag:$0x1] =	stream.linear.gather [hbm4b:s14+s2], $0x80, $0x38;
	[tilespmem:$0x10200] =	vst v63  }
0x3a: {  	s26 =	spop (v2sf);
	s29 =	simm.s32 $0x680;
	s10 =	sadd.s32 s3, s25  }
0x3b: {  	[tilespmem:s29], [sflag:$0x1] =	stream.linear.gather [hbm4b:s10+s2], $0x80, $0x38;
	[tilespmem:$0x10200] =	vst v63  }
0x3c: {  	s17 =	simm.s32 @!p1 $0x1;
	s28 =	sand.u32 $0x1FFFFFF0, s26;
	s31 =	spop (v2sf)  }
0x3d: {  	s13 =	sadd.s32 s3, s28;
	s14 =	simm.s32 $0x2;
	s15 =	sand.u32 $0x1FFFFFF0, s31  }
0x3e: {  	[tilespmem:s30], [sflag:$0x1] =	stream.linear.gather [hbm4b:s13+s2], $0x80, $0x38;
	[tilespmem:$0x10200] =	vst v63  }
0x3f: {  	s10 =	simm.s32 $0x800;
	s13 =	simm.s32 $0x10010;
	s16 =	sadd.s32 s3, s15  }
.LBB2_2:
0x40: {  	s23 =	sadd.s32 $0x180, s10  }
0x41: {  	s22 =	sadd.s32 $0x780, s10;
	s15 =	smov.u32 s11;
	s11 =	sadd.s32 $0x2000, s11  }
0x42: {  	[tilespmem:s12], [sflag:$0x1] =	stream.linear.gather [hbm4b:s16+s2], $0x80, $0x38;
	[tilespmem:$0x10200] =	vst v63  }
0x43: {  	s21 =	sadd.s32 $0x300, s10;
	s19 =	sadd.s32 $0x480, s10;
	_ =	swait.ge @!p1 [sflag:s17], $0x800  }
0x44: {  	s25 =	sadd.s32 $0x80, s10;
	s18 =	sadd.s32 $0x500, s10;
	[sflag:s17] =	ssyncset.done @!p1 $0x0  }
0x45: {  	p3 =	slt.u32 s14, $0xB;
	s16 =	sadd.s32 $0x600, s10;
	[sflag:s17] =	ssyncadd.s32 @!p1 $0xFFFFF800  }
0x46: {  	s20 =	sadd.s32 $0x580, s10;
	p2 =	sne.s32 s11, $0x40000;
	s12 =	smov.u32 s22;
	v0 =	vld [tilespmem:s13+$0x0]  }
0x47: {  	s28 =	sadd.s32 $0x100, s10;
	p1 =	por p0, p0;
	p0 =	por p3, p3  }
0x48: {  	_ =	sdelay $0x1  }
0x49: {  	s24 =	sadd.s32 $0x200, s10  }
0x4a: {  	v0 =	vshll.u32 v0, $0x4  }
0x4b: {  	(v2sf) =	vpush v0, $0x2  }
0x4c: {  	(v2sf) =	vpush v0, $0x0  }
0x4d: {  	(v2sf) =	vpush v0, $0x1  }
0x4e: {  	(v2sf) =	vpush v0, $0x3;
	_ =	sdelay $0x1  }
0x4f: {  	(v2sf) =	vpush v0, $0x4;
	_ =	sdelay $0x1  }
0x50: {  	(v2sf) =	vpush v0, $0x5;
	_ =	sdelay $0x1  }
0x51: {  	(v2sf) =	vpush v0, $0x6;
	_ =	sdelay $0x1  }
0x52: {  	(v2sf) =	vpush v0, $0x7;
	_ =	sdelay $0x1  }
0x53: {  	s26 =	sadd.s32 $0x380, s10;
	(v2sf) =	vpush v0, $0x8  }
0x54: {  	s29 =	sadd.s32 $0x280, s10;
	s13 =	sadd.s32 $0x10, s13  }
0x55: {  	s14 =	sadd.s32 $0x1, s14;
	s17 =	simm.s32 @!p1 $0x1;
	s22 =	spop (v2sf);
	(v2sf) =	vpush v0, $0x9  }
0x56: {  	s30 =	sand.u32 $0x1FFFFFF0, s22;
	s22 =	sadd.s32 $0x700, s10;
	s31 =	spop (v2sf)  }
0x57: {  	s0 =	sadd.s32 $0x400, s10;
	s31 =	sand.u32 $0x1FFFFFF0, s31;
	s1 =	spop (v2sf);
	(v2sf) =	vpush v0, $0xA  }
0x58: {  	s31 =	sadd.s32 s3, s31;
	s1 =	sand.u32 $0x1FFFFFF0, s1;
	s4 =	spop (v2sf)  }
0x59: {  	[tilespmem:s10], [sflag:$0x1] =	stream.linear.gather [hbm4b:s31+s2], $0x80, $0x38;
	(v2sf) =	vpush v0, $0xB;
	[tilespmem:$0x10200] =	vst v63  }
0x5a: {  	s1 =	sadd.s32 s3, s1;
	s4 =	sand.u32 $0x1FFFFFF0, s4;
	s31 =	spop (v2sf)  }
0x5b: {  	[tilespmem:s25], [sflag:$0x1] =	stream.linear.gather [hbm4b:s1+s2], $0x80, $0x38;
	(v2sf) =	vpush v0, $0xC;
	[tilespmem:$0x10200] =	vst v63  }
0x5c: {  	s1 =	sadd.s32 s3, s30;
	s25 =	sand.u32 $0x1FFFFFF0, s31;
	s30 =	spop (v2sf)  }
0x5d: {  	[tilespmem:s28], [sflag:$0x1] =	stream.linear.gather [hbm4b:s1+s2], $0x80, $0x38;
	(v2sf) =	vpush v0, $0xD;
	[tilespmem:$0x10200] =	vst v63  }
0x5e: {  	s1 =	sadd.s32 s3, s4;
	s4 =	sand.u32 $0x1FFFFFF0, s30;
	s28 =	spop (v2sf)  }
0x5f: {  	[tilespmem:s23], [sflag:$0x1] =	stream.linear.gather [hbm4b:s1+s2], $0x80, $0x38;
	(v2sf) =	vpush v0, $0xE;
	[tilespmem:$0x10200] =	vst v63  }
0x60: {  	s1 =	sadd.s32 s3, s25;
	s23 =	sand.u32 $0x1FFFFFF0, s28;
	s25 =	spop (v2sf)  }
0x61: {  	[tilespmem:s24], [sflag:$0x1] =	stream.linear.gather [hbm4b:s1+s2], $0x80, $0x38;
	(v2sf) =	vpush v0, $0xF;
	[tilespmem:$0x10200] =	vst v63  }
0x62: {  	s1 =	sadd.s32 s3, s4;
	s4 =	sand.u32 $0x1FFFFFF0, s25;
	s24 =	spop (v2sf)  }
0x63: {  	[tilespmem:s29], [sflag:$0x1] =	stream.linear.gather [hbm4b:s1+s2], $0x80, $0x38;
	[tilespmem:$0x10200] =	vst v63  }
0x64: {  	s1 =	sadd.s32 s3, s23;
	s23 =	sand.u32 $0x1FFFFFF0, s24;
	s24 =	spop (v2sf)  }
0x65: {  	[tilespmem:s21], [sflag:$0x1] =	stream.linear.gather [hbm4b:s1+s2], $0x80, $0x38;
	[tilespmem:$0x10200] =	vst v63  }
0x66: {  	s1 =	sadd.s32 s3, s4;
	s4 =	sand.u32 $0x1FFFFFF0, s24;
	s21 =	spop (v2sf)  }
0x67: {  	[tilespmem:s26], [sflag:$0x1] =	stream.linear.gather [hbm4b:s1+s2], $0x80, $0x38;
	[tilespmem:$0x10200] =	vst v63  }
0x68: {  	s1 =	sadd.s32 s3, s23;
	s21 =	sand.u32 $0x1FFFFFF0, s21;
	s23 =	spop (v2sf)  }
0x69: {  	[tilespmem:s0], [sflag:$0x1] =	stream.linear.gather [hbm4b:s1+s2], $0x80, $0x38;
	[tilespmem:$0x10200] =	vst v63  }
0x6a: {  	s0 =	sadd.s32 s3, s4;
	s1 =	sand.u32 $0x1FFFFFF0, s23;
	s4 =	spop (v2sf)  }
0x6b: {  	[tilespmem:s19], [sflag:$0x1] =	stream.linear.gather [hbm4b:s0+s2], $0x80, $0x38;
	[tilespmem:$0x10200] =	vst v63  }
0x6c: {  	s0 =	sadd.s32 s3, s21;
	s4 =	sand.u32 $0x1FFFFFF0, s4;
	s19 =	spop (v2sf)  }
0x6d: {  	[tilespmem:s18], [sflag:$0x1] =	stream.linear.gather [hbm4b:s0+s2], $0x80, $0x38;
	[tilespmem:$0x10200] =	vst v63  }
0x6e: {  	s0 =	sadd.s32 s3, s1;
	s1 =	sand.u32 $0x1FFFFFF0, s19;
	s18 =	spop (v2sf)  }
0x6f: {  	[tilespmem:s20], [sflag:$0x1] =	stream.linear.gather [hbm4b:s0+s2], $0x80, $0x38;
	[tilespmem:$0x10200] =	vst v63  }
0x70: {  	s0 =	sadd.s32 s3, s4;
	s4 =	sand.u32 $0x1FFFFFF0, s18;
	s18 =	spop (v2sf)  }
0x71: {  	[tilespmem:s16], [sflag:$0x1] =	stream.linear.gather [hbm4b:s0+s2], $0x80, $0x38;
	[tilespmem:$0x10200] =	vst v63  }
.Ltmp0:
0x72: {  	_ = 	snop;
	(pc) =	sbr.rel @p2 .LBB2_2-.Ltmp0, $4  }
0x73: {  	s1 =	sadd.s32 s3, s1;
	s0 =	sadd.s32 $0x680, s10;
	s16 =	sand.u32 $0x1FFFFFF0, s18  }
0x74: {  	[tilespmem:s0], [sflag:$0x1] =	stream.linear.gather [hbm4b:s1+s2], $0x80, $0x38;
	[tilespmem:$0x10200] =	vst v63  }
0x75: {  	s10 =	sshra.s32 s15, $0x2;
	s16 =	sadd.s32 s3, s16;
	s0 =	sadd.s32 s3, s4  }
0x76: {  	[tilespmem:s22], [sflag:$0x1] =	stream.linear.gather [hbm4b:s0+s2], $0x80, $0x38;
	[tilespmem:$0x10200] =	vst v63  }
0x77: {  	[tilespmem:s12], [sflag:$0x1] =	stream.linear.gather [hbm4b:s16+s2], $0x80, $0x38;
	[tilespmem:$0x10200] =	vst v63  }
0x78: {  	_ =	swait.ge @!p1 [sflag:s17], $0x800  }
0x79: {  	[sflag:s17] =	ssyncset.done @!p1 $0x0  }
0x7a: {  	[sflag:s17] =	ssyncadd.s32 @!p1 $0xFFFFF800  }
0x7b: {  	v0 =	vld [tilespmem:s13+$0x0];
	_ =	sdelay $0x4  }
0x7c: {  	v0 =	vshll.u32 v0, $0x4  }
0x7d: {  	(v2sf) =	vpush v0, $0x2;
	_ =	sdelay $0x1  }
0x7e: {  	(v2sf) =	vpush v0, $0x0;
	_ =	sdelay $0x1  }
0x7f: {  	(v2sf) =	vpush v0, $0x1;
	_ =	sdelay $0x3  }
0x80: {  	(v2sf) =	vpush v0, $0x3;
	_ =	sdelay $0x4  }
0x81: {  	(v2sf) =	vpush v0, $0x4;
	_ =	sdelay $0x1  }
0x82: {  	s0 =	spop (v2sf);
	(v2sf) =	vpush v0, $0x5;
	_ =	sdelay $0x1  }
0x83: {  	s1 =	spop (v2sf);
	(v2sf) =	vpush v0, $0x6;
	_ =	sdelay $0x1  }
0x84: {  	s4 =	spop (v2sf);
	(v2sf) =	vpush v0, $0x7  }
0x85: {  	s1 =	sand.u32 $0x1FFFFFF0, s1  }
0x86: {  	s25 =	sadd.s32 $0x80, s10;
	s1 =	sadd.s32 s3, s1;
	s4 =	sand.u32 $0x1FFFFFF0, s4  }
0x87: {  	[tilespmem:s10], [sflag:$0x1] =	stream.linear.gather [hbm4b:s1+s2], $0x80, $0x38;
	[tilespmem:$0x10200] =	vst v63  }
0x88: {  	s0 =	sand.u32 $0x1FFFFFF0, s0;
	s28 =	spop (v2sf);
	s4 =	sadd.s32 s3, s4  }
0x89: {  	(v2sf) =	vpush v0, $0x8;
	[tilespmem:s25], [sflag:$0x1] =	stream.linear.gather [hbm4b:s4+s2], $0x80, $0x38;
	[tilespmem:$0x10200] =	vst v63  }
0x8a: {  	s26 =	sadd.s32 $0x100, s10;
	s0 =	sadd.s32 s3, s0  }
0x8b: {  	[tilespmem:s26], [sflag:$0x1] =	stream.linear.gather [hbm4b:s0+s2], $0x80, $0x38;
	[tilespmem:$0x10200] =	vst v63  }
0x8c: {  	s0 =	sand.u32 $0x1FFFFFF0, s28  }
0x8d: {  	s29 =	sadd.s32 $0x180, s10;
	s30 =	spop (v2sf);
	s0 =	sadd.s32 s3, s0  }
0x8e: {  	[tilespmem:s29], [sflag:$0x1] =	stream.linear.gather [hbm4b:s0+s2], $0x80, $0x38;
	[tilespmem:$0x10200] =	vst v63  }
0x8f: {  	s1 =	spop (v2sf);
	(v2sf) =	vpush v0, $0x9  }
0x90: {  	s0 =	sand.u32 $0x1FFFFFF0, s30  }
0x91: {  	s31 =	sadd.s32 $0x200, s10;
	s0 =	sadd.s32 s3, s0;
	s11 =	spop (v2sf);
	(v2sf) =	vpush v0, $0xA  }
0x92: {  	[tilespmem:s31], [sflag:$0x1] =	stream.linear.gather [hbm4b:s0+s2], $0x80, $0x38;
	[tilespmem:$0x10200] =	vst v63  }
0x93: {  	s13 =	spop (v2sf);
	(v2sf) =	vpush v0, $0xB  }
0x94: {  	s0 =	sand.u32 $0x1FFFFFF0, s1  }
0x95: {  	s4 =	sadd.s32 $0x280, s10;
	s0 =	sadd.s32 s3, s0  }
0x96: {  	[tilespmem:s4], [sflag:$0x1] =	stream.linear.gather [hbm4b:s0+s2], $0x80, $0x38;
	[tilespmem:$0x10200] =	vst v63  }
0x97: {  	s0 =	sand.u32 $0x1FFFFFF0, s11  }
0x98: {  	s12 =	sadd.s32 $0x300, s10;
	s15 =	spop (v2sf);
	s0 =	sadd.s32 s3, s0  }
0x99: {  	(v2sf) =	vpush v0, $0xC;
	[tilespmem:s12], [sflag:$0x1] =	stream.linear.gather [hbm4b:s0+s2], $0x80, $0x38;
	[tilespmem:$0x10200] =	vst v63  }
0x9a: {  	s0 =	sand.u32 $0x1FFFFFF0, s13  }
0x9b: {  	s14 =	sadd.s32 $0x380, s10;
	s0 =	sadd.s32 s3, s0  }
0x9c: {  	[tilespmem:s14], [sflag:$0x1] =	stream.linear.gather [hbm4b:s0+s2], $0x80, $0x38;
	[tilespmem:$0x10200] =	vst v63  }
0x9d: {  	s0 =	sand.u32 $0x1FFFFFF0, s15  }
0x9e: {  	s16 =	sadd.s32 $0x400, s10;
	s0 =	sadd.s32 s3, s0;
	s17 =	spop (v2sf);
	(v2sf) =	vpush v0, $0xD  }
0x9f: {  	[tilespmem:s16], [sflag:$0x1] =	stream.linear.gather [hbm4b:s0+s2], $0x80, $0x38;
	[tilespmem:$0x10200] =	vst v63  }
0xa0: {  	s19 =	spop (v2sf);
	(v2sf) =	vpush v0, $0xE  }
0xa1: {  	s0 =	sand.u32 $0x1FFFFFF0, s17  }
0xa2: {  	s18 =	sadd.s32 $0x480, s10;
	s0 =	sadd.s32 s3, s0;
	s21 =	spop (v2sf)  }
0xa3: {  	(v2sf) =	vpush v0, $0xF;
	[tilespmem:s18], [sflag:$0x1] =	stream.linear.gather [hbm4b:s0+s2], $0x80, $0x38;
	[tilespmem:$0x10200] =	vst v63  }
0xa4: {  	s0 =	sand.u32 $0x1FFFFFF0, s19  }
0xa5: {  	s20 =	sadd.s32 $0x500, s10;
	s0 =	sadd.s32 s3, s0  }
0xa6: {  	[tilespmem:s20], [sflag:$0x1] =	stream.linear.gather [hbm4b:s0+s2], $0x80, $0x38;
	[tilespmem:$0x10200] =	vst v63  }
0xa7: {  	s0 =	sand.u32 $0x1FFFFFF0, s21  }
0xa8: {  	s22 =	sadd.s32 $0x580, s10;
	s23 =	spop (v2sf);
	s0 =	sadd.s32 s3, s0  }
0xa9: {  	[tilespmem:s22], [sflag:$0x1] =	stream.linear.gather [hbm4b:s0+s2], $0x80, $0x38;
	[tilespmem:$0x10200] =	vst v63  }
0xaa: {  	s0 =	sand.u32 $0x1FFFFFF0, s23  }
0xab: {  	s24 =	sadd.s32 $0x600, s10;
	s0 =	sadd.s32 s3, s0  }
0xac: {  	[tilespmem:s24], [sflag:$0x1] =	stream.linear.gather [hbm4b:s0+s2], $0x80, $0x38;
	[tilespmem:$0x10200] =	vst v63  }
0xad: {  	s25 =	spop (v2sf)  }
0xae: {  	s0 =	sand.u32 $0x1FFFFFF0, s25  }
0xaf: {  	s26 =	sadd.s32 $0x680, s10;
	s28 =	spop (v2sf);
	s0 =	sadd.s32 s3, s0  }
0xb0: {  	[tilespmem:s26], [sflag:$0x1] =	stream.linear.gather [hbm4b:s0+s2], $0x80, $0x38;
	[tilespmem:$0x10200] =	vst v63  }
0xb1: {  	s0 =	sand.u32 $0x1FFFFFF0, s28  }
0xb2: {  	s29 =	sadd.s32 $0x700, s10;
	s30 =	spop (v2sf);
	s0 =	sadd.s32 s3, s0  }
0xb3: {  	[tilespmem:s29], [sflag:$0x1] =	stream.linear.gather [hbm4b:s0+s2], $0x80, $0x38;
	[tilespmem:$0x10200] =	vst v63  }
0xb4: {  	s0 =	sand.u32 $0x1FFFFFF0, s30  }
0xb5: {  	p0 =	por p0, p0;
	s31 =	sadd.s32 $0x780, s10;
	s0 =	sadd.s32 s3, s0  }
0xb6: {  	[tilespmem:s31], [sflag:$0x1] =	stream.linear.gather [hbm4b:s0+s2], $0x80, $0x38;
	[tilespmem:$0x10200] =	vst v63  }
0xb7: {  	s0 =	simm.s32 @!p0 $0x1  }
0xb8: {  	_ =	swait.ge @!p0 [sflag:s0], $0x800  }
0xb9: {  	[sflag:s0] =	ssyncset.done @!p0 $0x0  }
0xba: {  	[sflag:s0] =	ssyncadd.s32 @!p0 $0xFFFFF800  }
0xbb: {  	_ =	swait.ge [sflag:s8], $0x800  }
0xbc: {  	[sflag:s8] =	ssyncset.done $0x0  }
0xbd: {  	[sflag:s8] =	ssyncadd.s32 $0xFFFFF800  }
0xbe: {  	_ =	swait.ge [sflag:s8], $0x800  }
0xbf: {  	[sflag:s8] =	ssyncset.done $0x0  }
0xc0: {  	[sflag:s8] =	ssyncadd.s32 $0xFFFFF800  }
0xc1: {  	_ =	swait.ge [sflag:s8], $0x800  }
0xc2: {  	[sflag:s8] =	ssyncset.done $0x0  }
0xc3: {  	[sflag:s8] =	ssyncadd.s32 $0xFFFFF800  }
0xc4: {  	_ =	swait.ge [sflag:s8], $0x800  }
0xc5: {  	[sflag:s8] =	ssyncset.done $0x0  }
0xc6: {  	[sflag:s8] =	ssyncadd.s32 $0xFFFFF800  }
0xc7: {  	_ =	swait.ge [sflag:s8], $0x800  }
0xc8: {  	[sflag:s8] =	ssyncset.done $0x0  }
0xc9: {  	[sflag:s8] =	ssyncadd.s32 $0xFFFFF800  }
0xca: {  	_ =	swait.ge [sflag:s8], $0x800  }
0xcb: {  	[sflag:s8] =	ssyncset.done $0x0  }
0xcc: {  	[sflag:s8] =	ssyncadd.s32 $0xFFFFF800  }
0xcd: {  	_ =	swait.ge [sflag:s8], $0x800  }
0xce: {  	[sflag:s8] =	ssyncset.done $0x0  }
0xcf: {  	[sflag:s8] =	ssyncadd.s32 $0xFFFFF800  }
0xd0: {  	_ =	swait.ge [sflag:s8], $0x800  }
0xd1: {  	[sflag:s8] =	ssyncset.done $0x0  }
0xd2: {  	[sflag:s8] =	ssyncadd.s32 $0xFFFFF800  }
0xd3: {  	_ =	swait.ge [sflag:s8], $0x800  }
0xd4: {  	[sflag:s8] =	ssyncset.done $0x0  }
0xd5: {  	[sflag:s8] =	ssyncadd.s32 $0xFFFFF800  }
0xd6: {  	_ =	swait.ge [sflag:s8], $0x800  }
0xd7: {  	[sflag:s8] =	ssyncset.done $0x0  }
0xd8: {  	[sflag:s8] =	ssyncadd.s32 $0xFFFFF800  }
0xd9: {  	s9 =	sadd.s32 $0x1, s9;
	_ =	swait.ge [sflag:s8], $0x800  }
0xda: {  	p0 =	sne.s32 s9, s6;
	[sflag:s8] =	ssyncset.done $0x0  }
.Ltmp1:
0xdb: {  	[sflag:s8] =	ssyncadd.s32 $0xFFFFF800;
	(pc) =	sbr.rel @p0 .LBB2_1-.Ltmp1, $4  }
0xdc: {  	[hbm4b:s5+s2] =	stream.linear.scatter [tilespmem:s2], [sflag:$0x2], $0x10000, $0x38;
	[tilespmem:$0x10200] =	vst v63  }
0xdd: {  	_ =	swait.ge [sflag:s7], $0x10000  }
0xde: {  	[sflag:s7] =	ssyncset.done $0x0  }
0xdf: {  	[sflag:s7] =	ssyncadd.s32 $0xFFFF0000  }
0xe0: {  	_ =	sfence.sel $0x180000  }
0xe1: {  	[bflag:$0x0] =	sbarrier.arrive $0xFFFF  }
0xe2: {  	_ =	strace $0x90000047  }
0xe3: {  	s0 =	stileid.u32;
	[bflag:$0x2] =	sbarrier.arrive $0xFFFF  }
0xe4: {  	p0 =	sne.s32 s0, $0x0;
	s0 =	rddreg [dreg:$0x2]  }
0xe5: {  	s0 =	sadd.s32 @!p0 $0x100000, s0  }
0xe6: {  	[sflag:s0] =	ssyncadd.tile.s32 @!p0 $0x1;
	_ =	shalt  }
.Lfunc_end2:
_tile_overlayer_lowered:
.L_overlay_start_2:
0xe7: {  	(tag) =	ssettag $0x2  }
0xe8: {  	s0 =	rddreg [dreg:$0x0];
	s2 =	stileid.u32  }
0xe9: {  	s1 =	rddreg [dreg:$0x1];
	p0 =	sne.s32 s2, $0x0  }
0xea: {  	s3 =	rddreg [dreg:$0x2];
	[bflag:$0x3] =	sbarrier.arrive $0xFFFF;
	s2 =	simm.s32 @!p0 $0x1C02  }
0xeb: {  	[timem:s3], [sflag:s2] =	dma.local @!p0 [hbm:s0], s1  }
0xec: {  	s0 =	simm.s32 @!p0 $0x2  }
0xed: {  	_ =	swait.ge @!p0 [sflag:s0], s1  }
0xee: {  	s1 =	ssub.s32 @!p0 $0x0, s1;
	[sflag:s0] =	ssyncset.done @!p0 $0x0  }
0xef: {  	[sflag:s0] =	ssyncadd.s32 @!p0 s1  }
0xf0: {  	[bflag:$0x3] =	sbarrier.arrive $0xFFFF  }
0xf1: {  	_ =	shalt  }

</sc_bundles>
